<compile_context>
chip_gen: v7x
topology: tpu7x:2x2x1
jax: 0.10.2.dev20260603
libtpu: 0.0.44.dev20260713+nightly
codegen_flags: <defaults>
</compile_context>

<pallas_src>
import functools

import jax
import jax.numpy as jnp
from jax import lax
from jax.experimental import pallas as pl
from jax.experimental.pallas import tpu as pltpu
from jax.experimental.pallas import tpu_sc as plsc

N_NODES = 10000
N_EDGES = 320000
HIDDEN = 128
EDGE_FEATS = 16
N_LAYERS = 4
BN_EPS = 1e-5

NC = 2
NS = 16
NW = NC * NS
E_PER_W = N_EDGES // NW
EBLK = 40
NBLK = E_PER_W // EBLK
N_PAD = 10240
ROWS_PER_TILE = N_PAD // NS
ZROWS = 128
NVH = HIDDEN // 16


def _make_mp_kernel():
    mesh = plsc.VectorSubcoreMesh(core_axis_name="c", subcore_axis_name="s")

    @functools.partial(
        pl.kernel,
        out_type=jax.ShapeDtypeStruct((NC * N_PAD, HIDDEN), jnp.float32),
        mesh=mesh,
        scratch_types=[
            pltpu.VMEM_SHARED((N_PAD, HIDDEN), jnp.float32),
            pltpu.VMEM((E_PER_W,), jnp.int32),
            pltpu.VMEM((EBLK,), jnp.int32),
            pltpu.VMEM((EBLK,), jnp.int32),
            pltpu.VMEM((EBLK, HIDDEN), jnp.float32),
            pltpu.VMEM((EBLK, HIDDEN), jnp.float32),
            pltpu.VMEM((EBLK, HIDDEN), jnp.float32),
            pltpu.VMEM((EBLK, HIDDEN), jnp.float32),
            pltpu.VMEM((EBLK, HIDDEN), jnp.float32),
            pltpu.VMEM((EBLK, HIDDEN), jnp.float32),
            pltpu.SemaphoreType.DMA,
            pltpu.SemaphoreType.DMA,
            pltpu.SemaphoreType.DMA,
            pltpu.SemaphoreType.DMA,
            pltpu.SemaphoreType.DMA,
            pltpu.SemaphoreType.DMA,
            pltpu.SemaphoreType.DMA,
            pltpu.SemaphoreType.DMA,
        ],
    )
    def mp(h_hbm, e_hbm, src_hbm, dst_hbm, out_hbm,
           agg_sh, src_v, dstA, dstB, rowsA, rowsB, eA, eB, msgA, msgB,
           gsA, gsB, esA, esB, ssA, ssB, dsA, dsB):
        c = lax.axis_index("c")
        s = lax.axis_index("s")
        wid = c * NS + s
        tile_base = s * ROWS_PER_TILE
        ebase = wid * E_PER_W
        slots = (
            (dstA, rowsA, eA, msgA, gsA, esA, ssA, dsA),
            (dstB, rowsB, eB, msgB, gsB, esB, ssB, dsB),
        )

        pltpu.sync_copy(src_hbm.at[pl.ds(ebase, E_PER_W)], src_v)

        zeros16 = jnp.zeros((16,), jnp.float32)

        def _zero_row(i, carry):
            for j in range(NVH):
                msgA[i, pl.ds(j * 16, 16)] = zeros16
            return carry

        lax.fori_loop(0, EBLK, _zero_row, 0)
        for r in range(ROWS_PER_TILE // EBLK):
            pltpu.sync_copy(msgA, agg_sh.at[pl.ds(tile_base + r * EBLK, EBLK)])
        plsc.subcore_barrier()

        def start_loads(i, sl):
            dst_i, rows_v, e_v, _, gs, es, _, ds_ = sl
            base = ebase + i * EBLK
            pltpu.async_copy(h_hbm.at[src_v.at[pl.ds(i * EBLK, EBLK)]],
                             rows_v, gs)
            pltpu.async_copy(e_hbm.at[pl.ds(base, EBLK)], e_v, es)
            pltpu.async_copy(dst_hbm.at[pl.ds(base, EBLK)], dst_i, ds_)

        def wait_loads(i, sl):
            dst_i, rows_v, e_v, _, gs, es, _, ds_ = sl
            base = ebase + i * EBLK
            pltpu.make_async_copy(h_hbm.at[src_v.at[pl.ds(i * EBLK, EBLK)]],
                                  rows_v, gs).wait()
            pltpu.make_async_copy(e_hbm.at[pl.ds(base, EBLK)], e_v, es).wait()
            pltpu.make_async_copy(dst_hbm.at[pl.ds(base, EBLK)], dst_i,
                                  ds_).wait()

        def compute(sl):
            _, rows_v, e_v, msg_v, _, _, _, _ = sl
            zero16 = jnp.zeros((16,), jnp.float32)

            def _edge(k, carry2):
                for j in range(NVH):
                    q = pl.ds(j * 16, 16)
                    msg_v[k, q] = jnp.maximum(rows_v[k, q] + e_v[k, q], zero16)
                return carry2

            lax.fori_loop(0, EBLK, _edge, 0)

        def start_scatter(sl):
            dst_i, _, _, msg_v, _, _, ss, _ = sl
            pltpu.async_copy(msg_v, agg_sh.at[dst_i], ss, add=True)

        def wait_scatter(sl):
            dst_i, _, _, msg_v, _, _, ss, _ = sl
            pltpu.make_async_copy(msg_v, agg_sh.at[dst_i], ss).wait()

        A, B = slots

        start_loads(0, A)
        start_loads(1, B)

        wait_loads(0, A); compute(A); start_scatter(A); start_loads(2, A)
        wait_loads(1, B); compute(B); start_scatter(B); start_loads(3, B)

        def _pair(g, carry):
            wait_scatter(A)
            wait_loads(2 * g, A)
            compute(A)
            start_scatter(A)
            start_loads(2 * g + 2, A)
            wait_scatter(B)
            wait_loads(2 * g + 1, B)
            compute(B)
            start_scatter(B)
            start_loads(2 * g + 3, B)
            return carry

        lax.fori_loop(1, NBLK // 2 - 1, _pair, 0)

        gl = NBLK // 2 - 1
        wait_scatter(A); wait_loads(2 * gl, A); compute(A); start_scatter(A)
        wait_scatter(B); wait_loads(2 * gl + 1, B); compute(B); start_scatter(B)
        wait_scatter(A)
        wait_scatter(B)
        plsc.subcore_barrier()

        pltpu.sync_copy(
            agg_sh.at[pl.ds(tile_base, ROWS_PER_TILE)],
            out_hbm.at[pl.ds(c * N_PAD + tile_base, ROWS_PER_TILE)])

    return mp


_mp_kernel = _make_mp_kernel()



def _edge_tf_body(attr_ref, we_ref, be_ref, out_ref):
    out_ref[...] = (
        jnp.dot(attr_ref[...], we_ref[...], preferred_element_type=jnp.float32)
        + be_ref[...]
    )


def _edge_transform(edge_attr, We, be):
    blk = 4000
    grid = N_EDGES // blk
    return pl.pallas_call(
        _edge_tf_body,
        grid=(grid,),
        in_specs=[
            pl.BlockSpec((blk, EDGE_FEATS), lambda i: (i, 0)),
            pl.BlockSpec((EDGE_FEATS, HIDDEN), lambda i: (0, 0)),
            pl.BlockSpec((1, HIDDEN), lambda i: (0, 0)),
        ],
        out_specs=pl.BlockSpec((blk, HIDDEN), lambda i: (i, 0)),
        out_shape=jax.ShapeDtypeStruct((N_EDGES, HIDDEN), jnp.float32),
    )(edge_attr, We, be.reshape(1, HIDDEN))



def _dense_body(h_ref, p_ref, w1_ref, b1_ref, w2_ref, b2_ref,
                g_ref, bt_ref, o_ref):
    h = h_ref[...]
    z = h + p_ref[0:N_NODES, :] + p_ref[N_PAD:N_PAD + N_NODES, :]
    z = jnp.dot(z, w1_ref[...], preferred_element_type=jnp.float32) + b1_ref[...]
    z = jnp.maximum(z, 0.0)
    z = jnp.dot(z, w2_ref[...], preferred_element_type=jnp.float32) + b2_ref[...]
    mu = jnp.mean(z, axis=0, keepdims=True)
    var = jnp.mean(jnp.square(z - mu), axis=0, keepdims=True)
    zn = (z - mu) * lax.rsqrt(var + BN_EPS) * g_ref[...] + bt_ref[...]
    o_ref[...] = jnp.maximum(zn, 0.0) + h


def _dense_layer(h, p, W1l, b1l, W2l, b2l, gl, btl):
    spec = lambda shape: pl.BlockSpec(shape, lambda: tuple(0 for _ in shape))
    return pl.pallas_call(
        _dense_body,
        in_specs=[
            spec((N_NODES, HIDDEN)),
            spec((NC * N_PAD, HIDDEN)),
            spec((HIDDEN, HIDDEN)),
            spec((1, HIDDEN)),
            spec((HIDDEN, HIDDEN)),
            spec((1, HIDDEN)),
            spec((1, HIDDEN)),
            spec((1, HIDDEN)),
        ],
        out_specs=spec((N_NODES, HIDDEN)),
        out_shape=jax.ShapeDtypeStruct((N_NODES, HIDDEN), jnp.float32),
    )(h, p, W1l, b1l.reshape(1, HIDDEN), W2l, b2l.reshape(1, HIDDEN),
      gl.reshape(1, HIDDEN), btl.reshape(1, HIDDEN))


def kernel(x, edge_index, edge_attr, We, be, W1, b1, W2, b2, gamma, beta):
    src = edge_index[0].astype(jnp.int32)
    dst = edge_index[1].astype(jnp.int32)
    e = _edge_transform(edge_attr, We, be)

    def _layer(h, ws):
        W1l, b1l, W2l, b2l, gl, btl = ws
        p = _mp_kernel(h, e, src, dst)
        h = _dense_layer(h, p, W1l, b1l, W2l, b2l, gl, btl)
        return h, None

    h, _ = lax.scan(_layer, x, (W1, b1, W2, b2, gamma, beta))
    return h

# --- scband reference (transcript-rebuilt; emitter-appended) ---
"""Pipeline reference for scband-molecule-gnn-9826885173931 (READ-ONLY COPY).

The authoritative reference and input builder live on the scoring server;
editing this copy changes nothing except your own understanding.
"""

import jax, jax.numpy as jnp
import numpy as np

N_NODES = 10000
N_EDGES = 320000
HIDDEN = 128
EDGE_FEATS = 16
N_LAYERS = 4
BN_EPS = 1e-5


def setup_inputs(seed: int = 0) -> dict:
    key = jax.random.key(seed)
    ks = jax.random.split(key, 12)
    x = jax.random.normal(ks[0], (N_NODES, HIDDEN), dtype=jnp.float32)
    edge_index = jax.random.randint(ks[1], (2, N_EDGES), 0, N_NODES, dtype=jnp.int64)
    edge_attr = jax.random.normal(ks[2], (N_EDGES, EDGE_FEATS), dtype=jnp.float32)
    # edge transform params
    We = jax.random.normal(ks[3], (EDGE_FEATS, HIDDEN), dtype=jnp.float32) * (1.0 / np.sqrt(EDGE_FEATS))
    be = jnp.zeros((HIDDEN,), dtype=jnp.float32)
    # per-layer apply_fn MLP params (stacked over layers)
    W1 = jax.random.normal(ks[4], (N_LAYERS, HIDDEN, HIDDEN), dtype=jnp.float32) * (1.0 / np.sqrt(HIDDEN))
    b1 = jnp.zeros((N_LAYERS, HIDDEN), dtype=jnp.float32)
    W2 = jax.random.normal(ks[5], (N_LAYERS, HIDDEN, HIDDEN), dtype=jnp.float32) * (1.0 / np.sqrt(HIDDEN))
    b2 = jnp.zeros((N_LAYERS, HIDDEN), dtype=jnp.float32)
    # per-layer BatchNorm affine params
    gamma = jnp.ones((N_LAYERS, HIDDEN), dtype=jnp.float32)
    beta = jnp.zeros((N_LAYERS, HIDDEN), dtype=jnp.float32)
    return {"x": x, "edge_index": edge_index, "edge_attr": edge_attr,
            "We": We, "be": be, "W1": W1, "b1": b1, "W2": W2, "b2": b2,
            "gamma": gamma, "beta": beta}


def reference(x, edge_index, edge_attr, We, be, W1, b1, W2, b2, gamma, beta):
    # GINE stack: edge_transform once, then L x (GINEConv -> BatchNorm -> Dropout(0) -> ReLU -> residual)
    n_nodes = x.shape[0]
    e = edge_attr @ We + be
    src = edge_index[0]
    dst = edge_index[1]
    h = x
    for i in range(N_LAYERS):
        # GINEConv (init_eps=0): m_ij = ReLU(h_src + e_ij); agg = sum_j m_ij; z = (1+eps)*h + agg
        msg = jax.nn.relu(h[src] + e)
        agg = jax.ops.segment_sum(msg, dst, num_segments=n_nodes)
        z = h + agg
        # apply_fn: Linear -> ReLU -> Linear
        z = jax.nn.relu(z @ W1[i] + b1[i]) @ W2[i] + b2[i]
        # BatchNorm1d (training-mode batch statistics, biased variance)
        mu = jnp.mean(z, axis=0)
        var = jnp.var(z, axis=0)
        zn = (z - mu) / jnp.sqrt(var + BN_EPS) * gamma[i] + beta[i]
        # Dropout(0) is identity; ReLU + residual
        h = jax.nn.relu(zn) + h
    return h

if __name__ == "__main__":
    import jax
    _d = setup_inputs()
    print(jax.jit(kernel)(*tuple(_d.values())))

</pallas_src>

<mosaic_0001>
#map = affine_map<(d0, d1) -> (0, 0)>
#map1 = affine_map<(d0, d1) -> (0)>
module attributes {stable_mosaic.version = 14 : i64} {
  func.func @mp(%arg0: i32, %arg1: i32, %arg2: memref<10000x128xf32, #tpu.memory_space<hbm>>, %arg3: memref<320000x128xf32, #tpu.memory_space<hbm>>, %arg4: memref<320000xi32, #tpu.memory_space<hbm>>, %arg5: memref<320000xi32, #tpu.memory_space<hbm>>, %arg6: memref<20480x128xf32, #tpu.memory_space<hbm>>, %arg7: memref<10240x128xf32, #tpu.memory_space<vmem_shared>>, %arg8: memref<10000xi32, #tpu.memory_space<vmem>>, %arg9: memref<40xi32, #tpu.memory_space<vmem>>, %arg10: memref<40xi32, #tpu.memory_space<vmem>>, %arg11: memref<40x128xf32, #tpu.memory_space<vmem>>, %arg12: memref<40x128xf32, #tpu.memory_space<vmem>>, %arg13: memref<40x128xf32, #tpu.memory_space<vmem>>, %arg14: memref<40x128xf32, #tpu.memory_space<vmem>>, %arg15: memref<40x128xf32, #tpu.memory_space<vmem>>, %arg16: memref<40x128xf32, #tpu.memory_space<vmem>>, %arg17: memref<!tpu.dma_semaphore, #tpu.memory_space<semaphore_mem>>, %arg18: memref<!tpu.dma_semaphore, #tpu.memory_space<semaphore_mem>>, %arg19: memref<!tpu.dma_semaphore, #tpu.memory_space<semaphore_mem>>, %arg20: memref<!tpu.dma_semaphore, #tpu.memory_space<semaphore_mem>>, %arg21: memref<!tpu.dma_semaphore, #tpu.memory_space<semaphore_mem>>, %arg22: memref<!tpu.dma_semaphore, #tpu.memory_space<semaphore_mem>>, %arg23: memref<!tpu.dma_semaphore, #tpu.memory_space<semaphore_mem>>, %arg24: memref<!tpu.dma_semaphore, #tpu.memory_space<semaphore_mem>>) attributes {dimension_semantics = [#tpu.dimension_semantics<core_parallel>, #tpu.dimension_semantics<subcore_parallel>], iteration_bounds = array<i64: 2, 16>, scalar_prefetch = 0 : i64, scratch_operands = 18 : i64, tpu.core_type = #tpu.core_type<sc_vector_subcore>, window_params = [{transform_indices = #map}, {transform_indices = #map}, {transform_indices = #map1}, {transform_indices = #map1}, {transform_indices = #map}]} {
    %mul3A = arith.constant 16 : i32
    %mul3A_0 = arith.muli %arg0, %mul3A : i32
    %add3A = arith.addi %mul3A_0, %arg1 : i32
    %mul3A_1 = arith.constant 640 : i32
    %mul3A_2 = arith.muli %arg1, %mul3A_1 : i32
    %mul3A_3 = arith.constant 10000 : i32
    %mul3A_4 = arith.muli %add3A, %mul3A_3 : i32
    "tpu.region"() ({
      %run_scoped3A = tpu.sem_alloc : memref<!tpu.dma_semaphore, #tpu.memory_space<semaphore_mem>>
      %dma_start3A_211 = tpu.memref_slice %arg4[%mul3A_4] : memref<320000xi32, #tpu.memory_space<hbm>> -> memref<10000xi32, #tpu.memory_space<hbm>>
      %dma_start3A_212 = tpu.memref_slice %arg4[%mul3A_4] : memref<320000xi32, #tpu.memory_space<hbm>> -> memref<10000xi32, #tpu.memory_space<hbm>>
      tpu.enqueue_dma source(%dma_start3A_212 : memref<10000xi32, #tpu.memory_space<hbm>>) target(%arg8 : memref<10000xi32, #tpu.memory_space<vmem>>) target_semaphore(%run_scoped3A : memref<!tpu.dma_semaphore, #tpu.memory_space<semaphore_mem>>)
      %dma_wait3A_213 = tpu.memref_slice %arg4[%mul3A_4] : memref<320000xi32, #tpu.memory_space<hbm>> -> memref<10000xi32, #tpu.memory_space<hbm>>
      %dma_wait3A_214 = tpu.memref_slice %arg4[%mul3A_4] : memref<320000xi32, #tpu.memory_space<hbm>> -> memref<10000xi32, #tpu.memory_space<hbm>>
      tpu.wait_dma2 semaphore(%run_scoped3A : memref<!tpu.dma_semaphore, #tpu.memory_space<semaphore_mem>>) src(%dma_wait3A_214 : memref<10000xi32, #tpu.memory_space<hbm>>) dst(%arg8 : memref<10000xi32, #tpu.memory_space<vmem>>)
      tpu.yield
    }) : () -> ()
    %broadcast_in_dim3A = arith.constant 0.000000e+00 : f32
    %broadcast_in_dim3A_5 = vector.broadcast %broadcast_in_dim3A : f32 to vector<16xf32>
    %scan3A = arith.constant 0 : i32
    %scan3A_6 = arith.constant 0 : i32
    %scan3A_7 = arith.constant 40 : i32
    %scan3A_8 = arith.addi %scan3A_6, %scan3A_7 : i32
    %scan3A_9 = arith.constant 1 : i32
    scf.for %scan3A_211 = %scan3A_6 to %scan3A_8 step %scan3A_9  : i32 {
      %swap3A = arith.index_cast %scan3A_211 : i32 to index
      %swap3A_212 = arith.constant 0 : index
      %swap3A_213 = tpu.vector_load %arg15[%swap3A, %swap3A_212] {strides = array<i32>} : memref<40x128xf32, #tpu.memory_space<vmem>>, vector<1x16xf32>,
      %swap3A_214 = vector.shape_cast %swap3A_213 : vector<1x16xf32> to vector<16xf32>
      %swap3A_215 = vector.shape_cast %broadcast_in_dim3A_5 : vector<16xf32> to vector<1x16xf32>
      tpu.vector_store %arg15[%swap3A, %swap3A_212], %swap3A_215 {strides = array<i32>} : memref<40x128xf32, #tpu.memory_space<vmem>>, vector<1x16xf32>,
      %swap3A_216 = arith.index_cast %scan3A_211 : i32 to index
      %swap3A_217 = arith.constant 16 : index
      %swap3A_218 = tpu.vector_load %arg15[%swap3A_216, %swap3A_217] {strides = array<i32>} : memref<40x128xf32, #tpu.memory_space<vmem>>, vector<1x16xf32>,
      %swap3A_219 = vector.shape_cast %swap3A_218 : vector<1x16xf32> to vector<16xf32>
      %swap3A_220 = vector.shape_cast %broadcast_in_dim3A_5 : vector<16xf32> to vector<1x16xf32>
      tpu.vector_store %arg15[%swap3A_216, %swap3A_217], %swap3A_220 {strides = array<i32>} : memref<40x128xf32, #tpu.memory_space<vmem>>, vector<1x16xf32>,
      %swap3A_221 = arith.index_cast %scan3A_211 : i32 to index
      %swap3A_222 = arith.constant 32 : index
      %swap3A_223 = tpu.vector_load %arg15[%swap3A_221, %swap3A_222] {strides = array<i32>} : memref<40x128xf32, #tpu.memory_space<vmem>>, vector<1x16xf32>,
      %swap3A_224 = vector.shape_cast %swap3A_223 : vector<1x16xf32> to vector<16xf32>
      %swap3A_225 = vector.shape_cast %broadcast_in_dim3A_5 : vector<16xf32> to vector<1x16xf32>
      tpu.vector_store %arg15[%swap3A_221, %swap3A_222], %swap3A_225 {strides = array<i32>} : memref<40x128xf32, #tpu.memory_space<vmem>>, vector<1x16xf32>,
      %swap3A_226 = arith.index_cast %scan3A_211 : i32 to index
      %swap3A_227 = arith.constant 48 : index
      %swap3A_228 = tpu.vector_load %arg15[%swap3A_226, %swap3A_227] {strides = array<i32>} : memref<40x128xf32, #tpu.memory_space<vmem>>, vector<1x16xf32>,
      %swap3A_229 = vector.shape_cast %swap3A_228 : vector<1x16xf32> to vector<16xf32>
      %swap3A_230 = vector.shape_cast %broadcast_in_dim3A_5 : vector<16xf32> to vector<1x16xf32>
      tpu.vector_store %arg15[%swap3A_226, %swap3A_227], %swap3A_230 {strides = array<i32>} : memref<40x128xf32, #tpu.memory_space<vmem>>, vector<1x16xf32>,
      %swap3A_231 = arith.index_cast %scan3A_211 : i32 to index
      %swap3A_232 = arith.constant 64 : index
      %swap3A_233 = tpu.vector_load %arg15[%swap3A_231, %swap3A_232] {strides = array<i32>} : memref<40x128xf32, #tpu.memory_space<vmem>>, vector<1x16xf32>,
      %swap3A_234 = vector.shape_cast %swap3A_233 : vector<1x16xf32> to vector<16xf32>
      %swap3A_235 = vector.shape_cast %broadcast_in_dim3A_5 : vector<16xf32> to vector<1x16xf32>
      tpu.vector_store %arg15[%swap3A_231, %swap3A_232], %swap3A_235 {strides = array<i32>} : memref<40x128xf32, #tpu.memory_space<vmem>>, vector<1x16xf32>,
      %swap3A_236 = arith.index_cast %scan3A_211 : i32 to index
      %swap3A_237 = arith.constant 80 : index
      %swap3A_238 = tpu.vector_load %arg15[%swap3A_236, %swap3A_237] {strides = array<i32>} : memref<40x128xf32, #tpu.memory_space<vmem>>, vector<1x16xf32>,
      %swap3A_239 = vector.shape_cast %swap3A_238 : vector<1x16xf32> to vector<16xf32>
      %swap3A_240 = vector.shape_cast %broadcast_in_dim3A_5 : vector<16xf32> to vector<1x16xf32>
      tpu.vector_store %arg15[%swap3A_236, %swap3A_237], %swap3A_240 {strides = array<i32>} : memref<40x128xf32, #tpu.memory_space<vmem>>, vector<1x16xf32>,
      %swap3A_241 = arith.index_cast %scan3A_211 : i32 to index
      %swap3A_242 = arith.constant 96 : index
      %swap3A_243 = tpu.vector_load %arg15[%swap3A_241, %swap3A_242] {strides = array<i32>} : memref<40x128xf32, #tpu.memory_space<vmem>>, vector<1x16xf32>,
      %swap3A_244 = vector.shape_cast %swap3A_243 : vector<1x16xf32> to vector<16xf32>
      %swap3A_245 = vector.shape_cast %broadcast_in_dim3A_5 : vector<16xf32> to vector<1x16xf32>
      tpu.vector_store %arg15[%swap3A_241, %swap3A_242], %swap3A_245 {strides = array<i32>} : memref<40x128xf32, #tpu.memory_space<vmem>>, vector<1x16xf32>,
      %swap3A_246 = arith.index_cast %scan3A_211 : i32 to index
      %swap3A_247 = arith.constant 112 : index
      %swap3A_248 = tpu.vector_load %arg15[%swap3A_246, %swap3A_247] {strides = array<i32>} : memref<40x128xf32, #tpu.memory_space<vmem>>, vector<1x16xf32>,
      %swap3A_249 = vector.shape_cast %swap3A_248 : vector<1x16xf32> to vector<16xf32>
      %swap3A_250 = vector.shape_cast %broadcast_in_dim3A_5 : vector<16xf32> to vector<1x16xf32>
      tpu.vector_store %arg15[%swap3A_246, %swap3A_247], %swap3A_250 {strides = array<i32>} : memref<40x128xf32, #tpu.memory_space<vmem>>, vector<1x16xf32>,
    }
    %scan3A_10 = arith.constant 40 : i32
    %add3A_11 = arith.constant 0 : i32
    %add3A_12 = arith.addi %mul3A_2, %add3A_11 : i32
    "tpu.region"() ({
      %run_scoped3A = tpu.sem_alloc : memref<!tpu.dma_semaphore, #tpu.memory_space<semaphore_mem>>
      %dma_start3A_211 = arith.constant 0 : i32
      %dma_start3A_212 = tpu.memref_slice %arg7[%add3A_12, %dma_start3A_211] : memref<10240x128xf32, #tpu.memory_space<vmem_shared>> -> memref<40x128xf32, #tpu.memory_space<vmem_shared>>
      %dma_start3A_213 = arith.constant 0 : i32
      %dma_start3A_214 = tpu.memref_slice %arg7[%add3A_12, %dma_start3A_213] : memref<10240x128xf32, #tpu.memory_space<vmem_shared>> -> memref<40x128xf32, #tpu.memory_space<vmem_shared>>
      tpu.enqueue_dma source(%arg15 : memref<40x128xf32, #tpu.memory_space<vmem>>) target(%dma_start3A_214 : memref<40x128xf32, #tpu.memory_space<vmem_shared>>) target_semaphore(%run_scoped3A : memref<!tpu.dma_semaphore, #tpu.memory_space<semaphore_mem>>)
      %dma_wait3A_215 = arith.constant 0 : i32
      %dma_wait3A_216 = tpu.memref_slice %arg7[%add3A_12, %dma_wait3A_215] : memref<10240x128xf32, #tpu.memory_space<vmem_shared>> -> memref<40x128xf32, #tpu.memory_space<vmem_shared>>
      %dma_wait3A_217 = arith.constant 0 : i32
      %dma_wait3A_218 = tpu.memref_slice %arg7[%add3A_12, %dma_wait3A_217] : memref<10240x128xf32, #tpu.memory_space<vmem_shared>> -> memref<40x128xf32, #tpu.memory_space<vmem_shared>>
      tpu.wait_dma2 semaphore(%run_scoped3A : memref<!tpu.dma_semaphore, #tpu.memory_space<semaphore_mem>>) src(%arg15 : memref<40x128xf32, #tpu.memory_space<vmem>>) dst(%dma_wait3A_218 : memref<40x128xf32, #tpu.memory_space<vmem_shared>>)
      tpu.yield
    }) : () -> ()
    %add3A_13 = arith.constant 40 : i32
    %add3A_14 = arith.addi %mul3A_2, %add3A_13 : i32
    "tpu.region"() ({
      %run_scoped3A = tpu.sem_alloc : memref<!tpu.dma_semaphore, #tpu.memory_space<semaphore_mem>>
      %dma_start3A_211 = arith.constant 0 : i32
      %dma_start3A_212 = tpu.memref_slice %arg7[%add3A_14, %dma_start3A_211] : memref<10240x128xf32, #tpu.memory_space<vmem_shared>> -> memref<40x128xf32, #tpu.memory_space<vmem_shared>>
      %dma_start3A_213 = arith.constant 0 : i32
      %dma_start3A_214 = tpu.memref_slice %arg7[%add3A_14, %dma_start3A_213] : memref<10240x128xf32, #tpu.memory_space<vmem_shared>> -> memref<40x128xf32, #tpu.memory_space<vmem_shared>>
      tpu.enqueue_dma source(%arg15 : memref<40x128xf32, #tpu.memory_space<vmem>>) target(%dma_start3A_214 : memref<40x128xf32, #tpu.memory_space<vmem_shared>>) target_semaphore(%run_scoped3A : memref<!tpu.dma_semaphore, #tpu.memory_space<semaphore_mem>>)
      %dma_wait3A_215 = arith.constant 0 : i32
      %dma_wait3A_216 = tpu.memref_slice %arg7[%add3A_14, %dma_wait3A_215] : memref<10240x128xf32, #tpu.memory_space<vmem_shared>> -> memref<40x128xf32, #tpu.memory_space<vmem_shared>>
      %dma_wait3A_217 = arith.constant 0 : i32
      %dma_wait3A_218 = tpu.memref_slice %arg7[%add3A_14, %dma_wait3A_217] : memref<10240x128xf32, #tpu.memory_space<vmem_shared>> -> memref<40x128xf32, #tpu.memory_space<vmem_shared>>
      tpu.wait_dma2 semaphore(%run_scoped3A : memref<!tpu.dma_semaphore, #tpu.memory_space<semaphore_mem>>) src(%arg15 : memref<40x128xf32, #tpu.memory_space<vmem>>) dst(%dma_wait3A_218 : memref<40x128xf32, #tpu.memory_space<vmem_shared>>)
      tpu.yield
    }) : () -> ()
    %add3A_15 = arith.constant 80 : i32
    %add3A_16 = arith.addi %mul3A_2, %add3A_15 : i32
    "tpu.region"() ({
      %run_scoped3A = tpu.sem_alloc : memref<!tpu.dma_semaphore, #tpu.memory_space<semaphore_mem>>
      %dma_start3A_211 = arith.constant 0 : i32
      %dma_start3A_212 = tpu.memref_slice %arg7[%add3A_16, %dma_start3A_211] : memref<10240x128xf32, #tpu.memory_space<vmem_shared>> -> memref<40x128xf32, #tpu.memory_space<vmem_shared>>
      %dma_start3A_213 = arith.constant 0 : i32
      %dma_start3A_214 = tpu.memref_slice %arg7[%add3A_16, %dma_start3A_213] : memref<10240x128xf32, #tpu.memory_space<vmem_shared>> -> memref<40x128xf32, #tpu.memory_space<vmem_shared>>
      tpu.enqueue_dma source(%arg15 : memref<40x128xf32, #tpu.memory_space<vmem>>) target(%dma_start3A_214 : memref<40x128xf32, #tpu.memory_space<vmem_shared>>) target_semaphore(%run_scoped3A : memref<!tpu.dma_semaphore, #tpu.memory_space<semaphore_mem>>)
      %dma_wait3A_215 = arith.constant 0 : i32
      %dma_wait3A_216 = tpu.memref_slice %arg7[%add3A_16, %dma_wait3A_215] : memref<10240x128xf32, #tpu.memory_space<vmem_shared>> -> memref<40x128xf32, #tpu.memory_space<vmem_shared>>
      %dma_wait3A_217 = arith.constant 0 : i32
      %dma_wait3A_218 = tpu.memref_slice %arg7[%add3A_16, %dma_wait3A_217] : memref<10240x128xf32, #tpu.memory_space<vmem_shared>> -> memref<40x128xf32, #tpu.memory_space<vmem_shared>>
      tpu.wait_dma2 semaphore(%run_scoped3A : memref<!tpu.dma_semaphore, #tpu.memory_space<semaphore_mem>>) src(%arg15 : memref<40x128xf32, #tpu.memory_space<vmem>>) dst(%dma_wait3A_218 : memref<40x128xf32, #tpu.memory_space<vmem_shared>>)
      tpu.yield
    }) : () -> ()
    %add3A_17 = arith.constant 120 : i32
    %add3A_18 = arith.addi %mul3A_2, %add3A_17 : i32
    "tpu.region"() ({
      %run_scoped3A = tpu.sem_alloc : memref<!tpu.dma_semaphore, #tpu.memory_space<semaphore_mem>>
      %dma_start3A_211 = arith.constant 0 : i32
      %dma_start3A_212 = tpu.memref_slice %arg7[%add3A_18, %dma_start3A_211] : memref<10240x128xf32, #tpu.memory_space<vmem_shared>> -> memref<40x128xf32, #tpu.memory_space<vmem_shared>>
      %dma_start3A_213 = arith.constant 0 : i32
      %dma_start3A_214 = tpu.memref_slice %arg7[%add3A_18, %dma_start3A_213] : memref<10240x128xf32, #tpu.memory_space<vmem_shared>> -> memref<40x128xf32, #tpu.memory_space<vmem_shared>>
      tpu.enqueue_dma source(%arg15 : memref<40x128xf32, #tpu.memory_space<vmem>>) target(%dma_start3A_214 : memref<40x128xf32, #tpu.memory_space<vmem_shared>>) target_semaphore(%run_scoped3A : memref<!tpu.dma_semaphore, #tpu.memory_space<semaphore_mem>>)
      %dma_wait3A_215 = arith.constant 0 : i32
      %dma_wait3A_216 = tpu.memref_slice %arg7[%add3A_18, %dma_wait3A_215] : memref<10240x128xf32, #tpu.memory_space<vmem_shared>> -> memref<40x128xf32, #tpu.memory_space<vmem_shared>>
      %dma_wait3A_217 = arith.constant 0 : i32
      %dma_wait3A_218 = tpu.memref_slice %arg7[%add3A_18, %dma_wait3A_217] : memref<10240x128xf32, #tpu.memory_space<vmem_shared>> -> memref<40x128xf32, #tpu.memory_space<vmem_shared>>
      tpu.wait_dma2 semaphore(%run_scoped3A : memref<!tpu.dma_semaphore, #tpu.memory_space<semaphore_mem>>) src(%arg15 : memref<40x128xf32, #tpu.memory_space<vmem>>) dst(%dma_wait3A_218 : memref<40x128xf32, #tpu.memory_space<vmem_shared>>)
      tpu.yield
    }) : () -> ()
    %add3A_19 = arith.constant 160 : i32
    %add3A_20 = arith.addi %mul3A_2, %add3A_19 : i32
    "tpu.region"() ({
      %run_scoped3A = tpu.sem_alloc : memref<!tpu.dma_semaphore, #tpu.memory_space<semaphore_mem>>
      %dma_start3A_211 = arith.constant 0 : i32
      %dma_start3A_212 = tpu.memref_slice %arg7[%add3A_20, %dma_start3A_211] : memref<10240x128xf32, #tpu.memory_space<vmem_shared>> -> memref<40x128xf32, #tpu.memory_space<vmem_shared>>
      %dma_start3A_213 = arith.constant 0 : i32
      %dma_start3A_214 = tpu.memref_slice %arg7[%add3A_20, %dma_start3A_213] : memref<10240x128xf32, #tpu.memory_space<vmem_shared>> -> memref<40x128xf32, #tpu.memory_space<vmem_shared>>
      tpu.enqueue_dma source(%arg15 : memref<40x128xf32, #tpu.memory_space<vmem>>) target(%dma_start3A_214 : memref<40x128xf32, #tpu.memory_space<vmem_shared>>) target_semaphore(%run_scoped3A : memref<!tpu.dma_semaphore, #tpu.memory_space<semaphore_mem>>)
      %dma_wait3A_215 = arith.constant 0 : i32
      %dma_wait3A_216 = tpu.memref_slice %arg7[%add3A_20, %dma_wait3A_215] : memref<10240x128xf32, #tpu.memory_space<vmem_shared>> -> memref<40x128xf32, #tpu.memory_space<vmem_shared>>
      %dma_wait3A_217 = arith.constant 0 : i32
      %dma_wait3A_218 = tpu.memref_slice %arg7[%add3A_20, %dma_wait3A_217] : memref<10240x128xf32, #tpu.memory_space<vmem_shared>> -> memref<40x128xf32, #tpu.memory_space<vmem_shared>>
      tpu.wait_dma2 semaphore(%run_scoped3A : memref<!tpu.dma_semaphore, #tpu.memory_space<semaphore_mem>>) src(%arg15 : memref<40x128xf32, #tpu.memory_space<vmem>>) dst(%dma_wait3A_218 : memref<40x128xf32, #tpu.memory_space<vmem_shared>>)
      tpu.yield
    }) : () -> ()
    %add3A_21 = arith.constant 200 : i32
    %add3A_22 = arith.addi %mul3A_2, %add3A_21 : i32
    "tpu.region"() ({
      %run_scoped3A = tpu.sem_alloc : memref<!tpu.dma_semaphore, #tpu.memory_space<semaphore_mem>>
      %dma_start3A_211 = arith.constant 0 : i32
      %dma_start3A_212 = tpu.memref_slice %arg7[%add3A_22, %dma_start3A_211] : memref<10240x128xf32, #tpu.memory_space<vmem_shared>> -> memref<40x128xf32, #tpu.memory_space<vmem_shared>>
      %dma_start3A_213 = arith.constant 0 : i32
      %dma_start3A_214 = tpu.memref_slice %arg7[%add3A_22, %dma_start3A_213] : memref<10240x128xf32, #tpu.memory_space<vmem_shared>> -> memref<40x128xf32, #tpu.memory_space<vmem_shared>>
      tpu.enqueue_dma source(%arg15 : memref<40x128xf32, #tpu.memory_space<vmem>>) target(%dma_start3A_214 : memref<40x128xf32, #tpu.memory_space<vmem_shared>>) target_semaphore(%run_scoped3A : memref<!tpu.dma_semaphore, #tpu.memory_space<semaphore_mem>>)
      %dma_wait3A_215 = arith.constant 0 : i32
      %dma_wait3A_216 = tpu.memref_slice %arg7[%add3A_22, %dma_wait3A_215] : memref<10240x128xf32, #tpu.memory_space<vmem_shared>> -> memref<40x128xf32, #tpu.memory_space<vmem_shared>>
      %dma_wait3A_217 = arith.constant 0 : i32
      %dma_wait3A_218 = tpu.memref_slice %arg7[%add3A_22, %dma_wait3A_217] : memref<10240x128xf32, #tpu.memory_space<vmem_shared>> -> memref<40x128xf32, #tpu.memory_space<vmem_shared>>
      tpu.wait_dma2 semaphore(%run_scoped3A : memref<!tpu.dma_semaphore, #tpu.memory_space<semaphore_mem>>) src(%arg15 : memref<40x128xf32, #tpu.memory_space<vmem>>) dst(%dma_wait3A_218 : memref<40x128xf32, #tpu.memory_space<vmem_shared>>)
      tpu.yield
    }) : () -> ()
    %add3A_23 = arith.constant 240 : i32
    %add3A_24 = arith.addi %mul3A_2, %add3A_23 : i32
    "tpu.region"() ({
      %run_scoped3A = tpu.sem_alloc : memref<!tpu.dma_semaphore, #tpu.memory_space<semaphore_mem>>
      %dma_start3A_211 = arith.constant 0 : i32
      %dma_start3A_212 = tpu.memref_slice %arg7[%add3A_24, %dma_start3A_211] : memref<10240x128xf32, #tpu.memory_space<vmem_shared>> -> memref<40x128xf32, #tpu.memory_space<vmem_shared>>
      %dma_start3A_213 = arith.constant 0 : i32
      %dma_start3A_214 = tpu.memref_slice %arg7[%add3A_24, %dma_start3A_213] : memref<10240x128xf32, #tpu.memory_space<vmem_shared>> -> memref<40x128xf32, #tpu.memory_space<vmem_shared>>
      tpu.enqueue_dma source(%arg15 : memref<40x128xf32, #tpu.memory_space<vmem>>) target(%dma_start3A_214 : memref<40x128xf32, #tpu.memory_space<vmem_shared>>) target_semaphore(%run_scoped3A : memref<!tpu.dma_semaphore, #tpu.memory_space<semaphore_mem>>)
      %dma_wait3A_215 = arith.constant 0 : i32
      %dma_wait3A_216 = tpu.memref_slice %arg7[%add3A_24, %dma_wait3A_215] : memref<10240x128xf32, #tpu.memory_space<vmem_shared>> -> memref<40x128xf32, #tpu.memory_space<vmem_shared>>
      %dma_wait3A_217 = arith.constant 0 : i32
      %dma_wait3A_218 = tpu.memref_slice %arg7[%add3A_24, %dma_wait3A_217] : memref<10240x128xf32, #tpu.memory_space<vmem_shared>> -> memref<40x128xf32, #tpu.memory_space<vmem_shared>>
      tpu.wait_dma2 semaphore(%run_scoped3A : memref<!tpu.dma_semaphore, #tpu.memory_space<semaphore_mem>>) src(%arg15 : memref<40x128xf32, #tpu.memory_space<vmem>>) dst(%dma_wait3A_218 : memref<40x128xf32, #tpu.memory_space<vmem_shared>>)
      tpu.yield
    }) : () -> ()
    %add3A_25 = arith.constant 280 : i32
    %add3A_26 = arith.addi %mul3A_2, %add3A_25 : i32
    "tpu.region"() ({
      %run_scoped3A = tpu.sem_alloc : memref<!tpu.dma_semaphore, #tpu.memory_space<semaphore_mem>>
      %dma_start3A_211 = arith.constant 0 : i32
      %dma_start3A_212 = tpu.memref_slice %arg7[%add3A_26, %dma_start3A_211] : memref<10240x128xf32, #tpu.memory_space<vmem_shared>> -> memref<40x128xf32, #tpu.memory_space<vmem_shared>>
      %dma_start3A_213 = arith.constant 0 : i32
      %dma_start3A_214 = tpu.memref_slice %arg7[%add3A_26, %dma_start3A_213] : memref<10240x128xf32, #tpu.memory_space<vmem_shared>> -> memref<40x128xf32, #tpu.memory_space<vmem_shared>>
      tpu.enqueue_dma source(%arg15 : memref<40x128xf32, #tpu.memory_space<vmem>>) target(%dma_start3A_214 : memref<40x128xf32, #tpu.memory_space<vmem_shared>>) target_semaphore(%run_scoped3A : memref<!tpu.dma_semaphore, #tpu.memory_space<semaphore_mem>>)
      %dma_wait3A_215 = arith.constant 0 : i32
      %dma_wait3A_216 = tpu.memref_slice %arg7[%add3A_26, %dma_wait3A_215] : memref<10240x128xf32, #tpu.memory_space<vmem_shared>> -> memref<40x128xf32, #tpu.memory_space<vmem_shared>>
      %dma_wait3A_217 = arith.constant 0 : i32
      %dma_wait3A_218 = tpu.memref_slice %arg7[%add3A_26, %dma_wait3A_217] : memref<10240x128xf32, #tpu.memory_space<vmem_shared>> -> memref<40x128xf32, #tpu.memory_space<vmem_shared>>
      tpu.wait_dma2 semaphore(%run_scoped3A : memref<!tpu.dma_semaphore, #tpu.memory_space<semaphore_mem>>) src(%arg15 : memref<40x128xf32, #tpu.memory_space<vmem>>) dst(%dma_wait3A_218 : memref<40x128xf32, #tpu.memory_space<vmem_shared>>)
      tpu.yield
    }) : () -> ()
    %add3A_27 = arith.constant 320 : i32
    %add3A_28 = arith.addi %mul3A_2, %add3A_27 : i32
    "tpu.region"() ({
      %run_scoped3A = tpu.sem_alloc : memref<!tpu.dma_semaphore, #tpu.memory_space<semaphore_mem>>
      %dma_start3A_211 = arith.constant 0 : i32
      %dma_start3A_212 = tpu.memref_slice %arg7[%add3A_28, %dma_start3A_211] : memref<10240x128xf32, #tpu.memory_space<vmem_shared>> -> memref<40x128xf32, #tpu.memory_space<vmem_shared>>
      %dma_start3A_213 = arith.constant 0 : i32
      %dma_start3A_214 = tpu.memref_slice %arg7[%add3A_28, %dma_start3A_213] : memref<10240x128xf32, #tpu.memory_space<vmem_shared>> -> memref<40x128xf32, #tpu.memory_space<vmem_shared>>
      tpu.enqueue_dma source(%arg15 : memref<40x128xf32, #tpu.memory_space<vmem>>) target(%dma_start3A_214 : memref<40x128xf32, #tpu.memory_space<vmem_shared>>) target_semaphore(%run_scoped3A : memref<!tpu.dma_semaphore, #tpu.memory_space<semaphore_mem>>)
      %dma_wait3A_215 = arith.constant 0 : i32
      %dma_wait3A_216 = tpu.memref_slice %arg7[%add3A_28, %dma_wait3A_215] : memref<10240x128xf32, #tpu.memory_space<vmem_shared>> -> memref<40x128xf32, #tpu.memory_space<vmem_shared>>
      %dma_wait3A_217 = arith.constant 0 : i32
      %dma_wait3A_218 = tpu.memref_slice %arg7[%add3A_28, %dma_wait3A_217] : memref<10240x128xf32, #tpu.memory_space<vmem_shared>> -> memref<40x128xf32, #tpu.memory_space<vmem_shared>>
      tpu.wait_dma2 semaphore(%run_scoped3A : memref<!tpu.dma_semaphore, #tpu.memory_space<semaphore_mem>>) src(%arg15 : memref<40x128xf32, #tpu.memory_space<vmem>>) dst(%dma_wait3A_218 : memref<40x128xf32, #tpu.memory_space<vmem_shared>>)
      tpu.yield
    }) : () -> ()
    %add3A_29 = arith.constant 360 : i32
    %add3A_30 = arith.addi %mul3A_2, %add3A_29 : i32
    "tpu.region"() ({
      %run_scoped3A = tpu.sem_alloc : memref<!tpu.dma_semaphore, #tpu.memory_space<semaphore_mem>>
      %dma_start3A_211 = arith.constant 0 : i32
      %dma_start3A_212 = tpu.memref_slice %arg7[%add3A_30, %dma_start3A_211] : memref<10240x128xf32, #tpu.memory_space<vmem_shared>> -> memref<40x128xf32, #tpu.memory_space<vmem_shared>>
      %dma_start3A_213 = arith.constant 0 : i32
      %dma_start3A_214 = tpu.memref_slice %arg7[%add3A_30, %dma_start3A_213] : memref<10240x128xf32, #tpu.memory_space<vmem_shared>> -> memref<40x128xf32, #tpu.memory_space<vmem_shared>>
      tpu.enqueue_dma source(%arg15 : memref<40x128xf32, #tpu.memory_space<vmem>>) target(%dma_start3A_214 : memref<40x128xf32, #tpu.memory_space<vmem_shared>>) target_semaphore(%run_scoped3A : memref<!tpu.dma_semaphore, #tpu.memory_space<semaphore_mem>>)
      %dma_wait3A_215 = arith.constant 0 : i32
      %dma_wait3A_216 = tpu.memref_slice %arg7[%add3A_30, %dma_wait3A_215] : memref<10240x128xf32, #tpu.memory_space<vmem_shared>> -> memref<40x128xf32, #tpu.memory_space<vmem_shared>>
      %dma_wait3A_217 = arith.constant 0 : i32
      %dma_wait3A_218 = tpu.memref_slice %arg7[%add3A_30, %dma_wait3A_217] : memref<10240x128xf32, #tpu.memory_space<vmem_shared>> -> memref<40x128xf32, #tpu.memory_space<vmem_shared>>
      tpu.wait_dma2 semaphore(%run_scoped3A : memref<!tpu.dma_semaphore, #tpu.memory_space<semaphore_mem>>) src(%arg15 : memref<40x128xf32, #tpu.memory_space<vmem>>) dst(%dma_wait3A_218 : memref<40x128xf32, #tpu.memory_space<vmem_shared>>)
      tpu.yield
    }) : () -> ()
    %add3A_31 = arith.constant 400 : i32
    %add3A_32 = arith.addi %mul3A_2, %add3A_31 : i32
    "tpu.region"() ({
      %run_scoped3A = tpu.sem_alloc : memref<!tpu.dma_semaphore, #tpu.memory_space<semaphore_mem>>
      %dma_start3A_211 = arith.constant 0 : i32
      %dma_start3A_212 = tpu.memref_slice %arg7[%add3A_32, %dma_start3A_211] : memref<10240x128xf32, #tpu.memory_space<vmem_shared>> -> memref<40x128xf32, #tpu.memory_space<vmem_shared>>
      %dma_start3A_213 = arith.constant 0 : i32
      %dma_start3A_214 = tpu.memref_slice %arg7[%add3A_32, %dma_start3A_213] : memref<10240x128xf32, #tpu.memory_space<vmem_shared>> -> memref<40x128xf32, #tpu.memory_space<vmem_shared>>
      tpu.enqueue_dma source(%arg15 : memref<40x128xf32, #tpu.memory_space<vmem>>) target(%dma_start3A_214 : memref<40x128xf32, #tpu.memory_space<vmem_shared>>) target_semaphore(%run_scoped3A : memref<!tpu.dma_semaphore, #tpu.memory_space<semaphore_mem>>)
      %dma_wait3A_215 = arith.constant 0 : i32
      %dma_wait3A_216 = tpu.memref_slice %arg7[%add3A_32, %dma_wait3A_215] : memref<10240x128xf32, #tpu.memory_space<vmem_shared>> -> memref<40x128xf32, #tpu.memory_space<vmem_shared>>
      %dma_wait3A_217 = arith.constant 0 : i32
      %dma_wait3A_218 = tpu.memref_slice %arg7[%add3A_32, %dma_wait3A_217] : memref<10240x128xf32, #tpu.memory_space<vmem_shared>> -> memref<40x128xf32, #tpu.memory_space<vmem_shared>>
      tpu.wait_dma2 semaphore(%run_scoped3A : memref<!tpu.dma_semaphore, #tpu.memory_space<semaphore_mem>>) src(%arg15 : memref<40x128xf32, #tpu.memory_space<vmem>>) dst(%dma_wait3A_218 : memref<40x128xf32, #tpu.memory_space<vmem_shared>>)
      tpu.yield
    }) : () -> ()
    %add3A_33 = arith.constant 440 : i32
    %add3A_34 = arith.addi %mul3A_2, %add3A_33 : i32
    "tpu.region"() ({
      %run_scoped3A = tpu.sem_alloc : memref<!tpu.dma_semaphore, #tpu.memory_space<semaphore_mem>>
      %dma_start3A_211 = arith.constant 0 : i32
      %dma_start3A_212 = tpu.memref_slice %arg7[%add3A_34, %dma_start3A_211] : memref<10240x128xf32, #tpu.memory_space<vmem_shared>> -> memref<40x128xf32, #tpu.memory_space<vmem_shared>>
      %dma_start3A_213 = arith.constant 0 : i32
      %dma_start3A_214 = tpu.memref_slice %arg7[%add3A_34, %dma_start3A_213] : memref<10240x128xf32, #tpu.memory_space<vmem_shared>> -> memref<40x128xf32, #tpu.memory_space<vmem_shared>>
      tpu.enqueue_dma source(%arg15 : memref<40x128xf32, #tpu.memory_space<vmem>>) target(%dma_start3A_214 : memref<40x128xf32, #tpu.memory_space<vmem_shared>>) target_semaphore(%run_scoped3A : memref<!tpu.dma_semaphore, #tpu.memory_space<semaphore_mem>>)
      %dma_wait3A_215 = arith.constant 0 : i32
      %dma_wait3A_216 = tpu.memref_slice %arg7[%add3A_34, %dma_wait3A_215] : memref<10240x128xf32, #tpu.memory_space<vmem_shared>> -> memref<40x128xf32, #tpu.memory_space<vmem_shared>>
      %dma_wait3A_217 = arith.constant 0 : i32
      %dma_wait3A_218 = tpu.memref_slice %arg7[%add3A_34, %dma_wait3A_217] : memref<10240x128xf32, #tpu.memory_space<vmem_shared>> -> memref<40x128xf32, #tpu.memory_space<vmem_shared>>
      tpu.wait_dma2 semaphore(%run_scoped3A : memref<!tpu.dma_semaphore, #tpu.memory_space<semaphore_mem>>) src(%arg15 : memref<40x128xf32, #tpu.memory_space<vmem>>) dst(%dma_wait3A_218 : memref<40x128xf32, #tpu.memory_space<vmem_shared>>)
      tpu.yield
    }) : () -> ()
    %add3A_35 = arith.constant 480 : i32
    %add3A_36 = arith.addi %mul3A_2, %add3A_35 : i32
    "tpu.region"() ({
      %run_scoped3A = tpu.sem_alloc : memref<!tpu.dma_semaphore, #tpu.memory_space<semaphore_mem>>
      %dma_start3A_211 = arith.constant 0 : i32
      %dma_start3A_212 = tpu.memref_slice %arg7[%add3A_36, %dma_start3A_211] : memref<10240x128xf32, #tpu.memory_space<vmem_shared>> -> memref<40x128xf32, #tpu.memory_space<vmem_shared>>
      %dma_start3A_213 = arith.constant 0 : i32
      %dma_start3A_214 = tpu.memref_slice %arg7[%add3A_36, %dma_start3A_213] : memref<10240x128xf32, #tpu.memory_space<vmem_shared>> -> memref<40x128xf32, #tpu.memory_space<vmem_shared>>
      tpu.enqueue_dma source(%arg15 : memref<40x128xf32, #tpu.memory_space<vmem>>) target(%dma_start3A_214 : memref<40x128xf32, #tpu.memory_space<vmem_shared>>) target_semaphore(%run_scoped3A : memref<!tpu.dma_semaphore, #tpu.memory_space<semaphore_mem>>)
      %dma_wait3A_215 = arith.constant 0 : i32
      %dma_wait3A_216 = tpu.memref_slice %arg7[%add3A_36, %dma_wait3A_215] : memref<10240x128xf32, #tpu.memory_space<vmem_shared>> -> memref<40x128xf32, #tpu.memory_space<vmem_shared>>
      %dma_wait3A_217 = arith.constant 0 : i32
      %dma_wait3A_218 = tpu.memref_slice %arg7[%add3A_36, %dma_wait3A_217] : memref<10240x128xf32, #tpu.memory_space<vmem_shared>> -> memref<40x128xf32, #tpu.memory_space<vmem_shared>>
      tpu.wait_dma2 semaphore(%run_scoped3A : memref<!tpu.dma_semaphore, #tpu.memory_space<semaphore_mem>>) src(%arg15 : memref<40x128xf32, #tpu.memory_space<vmem>>) dst(%dma_wait3A_218 : memref<40x128xf32, #tpu.memory_space<vmem_shared>>)
      tpu.yield
    }) : () -> ()
    %add3A_37 = arith.constant 520 : i32
    %add3A_38 = arith.addi %mul3A_2, %add3A_37 : i32
    "tpu.region"() ({
      %run_scoped3A = tpu.sem_alloc : memref<!tpu.dma_semaphore, #tpu.memory_space<semaphore_mem>>
      %dma_start3A_211 = arith.constant 0 : i32
      %dma_start3A_212 = tpu.memref_slice %arg7[%add3A_38, %dma_start3A_211] : memref<10240x128xf32, #tpu.memory_space<vmem_shared>> -> memref<40x128xf32, #tpu.memory_space<vmem_shared>>
      %dma_start3A_213 = arith.constant 0 : i32
      %dma_start3A_214 = tpu.memref_slice %arg7[%add3A_38, %dma_start3A_213] : memref<10240x128xf32, #tpu.memory_space<vmem_shared>> -> memref<40x128xf32, #tpu.memory_space<vmem_shared>>
      tpu.enqueue_dma source(%arg15 : memref<40x128xf32, #tpu.memory_space<vmem>>) target(%dma_start3A_214 : memref<40x128xf32, #tpu.memory_space<vmem_shared>>) target_semaphore(%run_scoped3A : memref<!tpu.dma_semaphore, #tpu.memory_space<semaphore_mem>>)
      %dma_wait3A_215 = arith.constant 0 : i32
      %dma_wait3A_216 = tpu.memref_slice %arg7[%add3A_38, %dma_wait3A_215] : memref<10240x128xf32, #tpu.memory_space<vmem_shared>> -> memref<40x128xf32, #tpu.memory_space<vmem_shared>>
      %dma_wait3A_217 = arith.constant 0 : i32
      %dma_wait3A_218 = tpu.memref_slice %arg7[%add3A_38, %dma_wait3A_217] : memref<10240x128xf32, #tpu.memory_space<vmem_shared>> -> memref<40x128xf32, #tpu.memory_space<vmem_shared>>
      tpu.wait_dma2 semaphore(%run_scoped3A : memref<!tpu.dma_semaphore, #tpu.memory_space<semaphore_mem>>) src(%arg15 : memref<40x128xf32, #tpu.memory_space<vmem>>) dst(%dma_wait3A_218 : memref<40x128xf32, #tpu.memory_space<vmem_shared>>)
      tpu.yield
    }) : () -> ()
    %add3A_39 = arith.constant 560 : i32
    %add3A_40 = arith.addi %mul3A_2, %add3A_39 : i32
    "tpu.region"() ({
      %run_scoped3A = tpu.sem_alloc : memref<!tpu.dma_semaphore, #tpu.memory_space<semaphore_mem>>
      %dma_start3A_211 = arith.constant 0 : i32
      %dma_start3A_212 = tpu.memref_slice %arg7[%add3A_40, %dma_start3A_211] : memref<10240x128xf32, #tpu.memory_space<vmem_shared>> -> memref<40x128xf32, #tpu.memory_space<vmem_shared>>
      %dma_start3A_213 = arith.constant 0 : i32
      %dma_start3A_214 = tpu.memref_slice %arg7[%add3A_40, %dma_start3A_213] : memref<10240x128xf32, #tpu.memory_space<vmem_shared>> -> memref<40x128xf32, #tpu.memory_space<vmem_shared>>
      tpu.enqueue_dma source(%arg15 : memref<40x128xf32, #tpu.memory_space<vmem>>) target(%dma_start3A_214 : memref<40x128xf32, #tpu.memory_space<vmem_shared>>) target_semaphore(%run_scoped3A : memref<!tpu.dma_semaphore, #tpu.memory_space<semaphore_mem>>)
      %dma_wait3A_215 = arith.constant 0 : i32
      %dma_wait3A_216 = tpu.memref_slice %arg7[%add3A_40, %dma_wait3A_215] : memref<10240x128xf32, #tpu.memory_space<vmem_shared>> -> memref<40x128xf32, #tpu.memory_space<vmem_shared>>
      %dma_wait3A_217 = arith.constant 0 : i32
      %dma_wait3A_218 = tpu.memref_slice %arg7[%add3A_40, %dma_wait3A_217] : memref<10240x128xf32, #tpu.memory_space<vmem_shared>> -> memref<40x128xf32, #tpu.memory_space<vmem_shared>>
      tpu.wait_dma2 semaphore(%run_scoped3A : memref<!tpu.dma_semaphore, #tpu.memory_space<semaphore_mem>>) src(%arg15 : memref<40x128xf32, #tpu.memory_space<vmem>>) dst(%dma_wait3A_218 : memref<40x128xf32, #tpu.memory_space<vmem_shared>>)
      tpu.yield
    }) : () -> ()
    %add3A_41 = arith.constant 600 : i32
    %add3A_42 = arith.addi %mul3A_2, %add3A_41 : i32
    "tpu.region"() ({
      %run_scoped3A = tpu.sem_alloc : memref<!tpu.dma_semaphore, #tpu.memory_space<semaphore_mem>>
      %dma_start3A_211 = arith.constant 0 : i32
      %dma_start3A_212 = tpu.memref_slice %arg7[%add3A_42, %dma_start3A_211] : memref<10240x128xf32, #tpu.memory_space<vmem_shared>> -> memref<40x128xf32, #tpu.memory_space<vmem_shared>>
      %dma_start3A_213 = arith.constant 0 : i32
      %dma_start3A_214 = tpu.memref_slice %arg7[%add3A_42, %dma_start3A_213] : memref<10240x128xf32, #tpu.memory_space<vmem_shared>> -> memref<40x128xf32, #tpu.memory_space<vmem_shared>>
      tpu.enqueue_dma source(%arg15 : memref<40x128xf32, #tpu.memory_space<vmem>>) target(%dma_start3A_214 : memref<40x128xf32, #tpu.memory_space<vmem_shared>>) target_semaphore(%run_scoped3A : memref<!tpu.dma_semaphore, #tpu.memory_space<semaphore_mem>>)
      %dma_wait3A_215 = arith.constant 0 : i32
      %dma_wait3A_216 = tpu.memref_slice %arg7[%add3A_42, %dma_wait3A_215] : memref<10240x128xf32, #tpu.memory_space<vmem_shared>> -> memref<40x128xf32, #tpu.memory_space<vmem_shared>>
      %dma_wait3A_217 = arith.constant 0 : i32
      %dma_wait3A_218 = tpu.memref_slice %arg7[%add3A_42, %dma_wait3A_217] : memref<10240x128xf32, #tpu.memory_space<vmem_shared>> -> memref<40x128xf32, #tpu.memory_space<vmem_shared>>
      tpu.wait_dma2 semaphore(%run_scoped3A : memref<!tpu.dma_semaphore, #tpu.memory_space<semaphore_mem>>) src(%arg15 : memref<40x128xf32, #tpu.memory_space<vmem>>) dst(%dma_wait3A_218 : memref<40x128xf32, #tpu.memory_space<vmem_shared>>)
      tpu.yield
    }) : () -> ()
    %barrier3A = arith.constant 0 : index
    tpu.barrier barrier_id(%barrier3A)
    %add3A_43 = arith.constant 0 : i32
    %add3A_44 = arith.addi %mul3A_4, %add3A_43 : i32
    %dma_start3A = arith.constant 0 : i32
    %dma_start3A_45 = tpu.memref_slice %arg8[%dma_start3A] : memref<10000xi32, #tpu.memory_space<vmem>> -> memref<40xi32, #tpu.memory_space<vmem>>
    %dma_start3A_46 = arith.constant 0 : i32
    %dma_start3A_47 = arith.constant 0 : i32
    %dma_start3A_48 = tpu.memref_slice %arg2[%dma_start3A_46, %dma_start3A_47] : memref<10000x128xf32, #tpu.memory_space<hbm>> -> memref<10000x128xf32, #tpu.memory_space<hbm>>
    tpu.enqueue_indirect_dma source(%dma_start3A_48 : memref<10000x128xf32, #tpu.memory_space<hbm>>) target(%arg11 : memref<40x128xf32, #tpu.memory_space<vmem>>) offsets(%dma_start3A_45 : memref<40xi32, #tpu.memory_space<vmem>>) semaphore(%arg17 : memref<!tpu.dma_semaphore, #tpu.memory_space<semaphore_mem>>)
    %dma_start3A_49 = arith.constant 0 : i32
    %dma_start3A_50 = tpu.memref_slice %arg3[%add3A_44, %dma_start3A_49] : memref<320000x128xf32, #tpu.memory_space<hbm>> -> memref<40x128xf32, #tpu.memory_space<hbm>>
    %dma_start3A_51 = arith.constant 0 : i32
    %dma_start3A_52 = tpu.memref_slice %arg3[%add3A_44, %dma_start3A_51] : memref<320000x128xf32, #tpu.memory_space<hbm>> -> memref<40x128xf32, #tpu.memory_space<hbm>>
    tpu.enqueue_dma source(%dma_start3A_52 : memref<40x128xf32, #tpu.memory_space<hbm>>) target(%arg13 : memref<40x128xf32, #tpu.memory_space<vmem>>) target_semaphore(%arg19 : memref<!tpu.dma_semaphore, #tpu.memory_space<semaphore_mem>>)
    %dma_start3A_53 = tpu.memref_slice %arg5[%add3A_44] : memref<320000xi32, #tpu.memory_space<hbm>> -> memref<40xi32, #tpu.memory_space<hbm>>
    %dma_start3A_54 = tpu.memref_slice %arg5[%add3A_44] : memref<320000xi32, #tpu.memory_space<hbm>> -> memref<40xi32, #tpu.memory_space<hbm>>
    tpu.enqueue_dma source(%dma_start3A_54 : memref<40xi32, #tpu.memory_space<hbm>>) target(%arg9 : memref<40xi32, #tpu.memory_space<vmem>>) target_semaphore(%arg23 : memref<!tpu.dma_semaphore, #tpu.memory_space<semaphore_mem>>)
    %add3A_55 = arith.constant 40 : i32
    %add3A_56 = arith.addi %mul3A_4, %add3A_55 : i32
    %dma_start3A_57 = arith.constant 40 : i32
    %dma_start3A_58 = tpu.memref_slice %arg8[%dma_start3A_57] : memref<10000xi32, #tpu.memory_space<vmem>> -> memref<40xi32, #tpu.memory_space<vmem>>
    %dma_start3A_59 = arith.constant 0 : i32
    %dma_start3A_60 = arith.constant 0 : i32
    %dma_start3A_61 = tpu.memref_slice %arg2[%dma_start3A_59, %dma_start3A_60] : memref<10000x128xf32, #tpu.memory_space<hbm>> -> memref<10000x128xf32, #tpu.memory_space<hbm>>
    tpu.enqueue_indirect_dma source(%dma_start3A_61 : memref<10000x128xf32, #tpu.memory_space<hbm>>) target(%arg12 : memref<40x128xf32, #tpu.memory_space<vmem>>) offsets(%dma_start3A_58 : memref<40xi32, #tpu.memory_space<vmem>>) semaphore(%arg18 : memref<!tpu.dma_semaphore, #tpu.memory_space<semaphore_mem>>)
    %dma_start3A_62 = arith.constant 0 : i32
    %dma_start3A_63 = tpu.memref_slice %arg3[%add3A_56, %dma_start3A_62] : memref<320000x128xf32, #tpu.memory_space<hbm>> -> memref<40x128xf32, #tpu.memory_space<hbm>>
    %dma_start3A_64 = arith.constant 0 : i32
    %dma_start3A_65 = tpu.memref_slice %arg3[%add3A_56, %dma_start3A_64] : memref<320000x128xf32, #tpu.memory_space<hbm>> -> memref<40x128xf32, #tpu.memory_space<hbm>>
    tpu.enqueue_dma source(%dma_start3A_65 : memref<40x128xf32, #tpu.memory_space<hbm>>) target(%arg14 : memref<40x128xf32, #tpu.memory_space<vmem>>) target_semaphore(%arg20 : memref<!tpu.dma_semaphore, #tpu.memory_space<semaphore_mem>>)
    %dma_start3A_66 = tpu.memref_slice %arg5[%add3A_56] : memref<320000xi32, #tpu.memory_space<hbm>> -> memref<40xi32, #tpu.memory_space<hbm>>
    %dma_start3A_67 = tpu.memref_slice %arg5[%add3A_56] : memref<320000xi32, #tpu.memory_space<hbm>> -> memref<40xi32, #tpu.memory_space<hbm>>
    tpu.enqueue_dma source(%dma_start3A_67 : memref<40xi32, #tpu.memory_space<hbm>>) target(%arg10 : memref<40xi32, #tpu.memory_space<vmem>>) target_semaphore(%arg24 : memref<!tpu.dma_semaphore, #tpu.memory_space<semaphore_mem>>)
    %add3A_68 = arith.constant 0 : i32
    %add3A_69 = arith.addi %mul3A_4, %add3A_68 : i32
    %dma_wait3A = arith.constant 0 : i32
    %dma_wait3A_70 = tpu.memref_slice %arg8[%dma_wait3A] : memref<10000xi32, #tpu.memory_space<vmem>> -> memref<40xi32, #tpu.memory_space<vmem>>
    %dma_wait3A_71 = arith.constant 0 : i32
    %dma_wait3A_72 = arith.constant 0 : i32
    %dma_wait3A_73 = tpu.memref_slice %arg2[%dma_wait3A_71, %dma_wait3A_72] : memref<10000x128xf32, #tpu.memory_space<hbm>> -> memref<10000x128xf32, #tpu.memory_space<hbm>>
    tpu.wait_indirect_dma semaphore(%arg17 : memref<!tpu.dma_semaphore, #tpu.memory_space<semaphore_mem>>) src(%dma_wait3A_73 : memref<10000x128xf32, #tpu.memory_space<hbm>>) dst(%arg11 : memref<40x128xf32, #tpu.memory_space<vmem>>)
    %dma_wait3A_74 = arith.constant 0 : i32
    %dma_wait3A_75 = tpu.memref_slice %arg3[%add3A_69, %dma_wait3A_74] : memref<320000x128xf32, #tpu.memory_space<hbm>> -> memref<40x128xf32, #tpu.memory_space<hbm>>
    %dma_wait3A_76 = arith.constant 0 : i32
    %dma_wait3A_77 = tpu.memref_slice %arg3[%add3A_69, %dma_wait3A_76] : memref<320000x128xf32, #tpu.memory_space<hbm>> -> memref<40x128xf32, #tpu.memory_space<hbm>>
    tpu.wait_dma2 semaphore(%arg19 : memref<!tpu.dma_semaphore, #tpu.memory_space<semaphore_mem>>) src(%dma_wait3A_77 : memref<40x128xf32, #tpu.memory_space<hbm>>) dst(%arg13 : memref<40x128xf32, #tpu.memory_space<vmem>>)
    %dma_wait3A_78 = tpu.memref_slice %arg5[%add3A_69] : memref<320000xi32, #tpu.memory_space<hbm>> -> memref<40xi32, #tpu.memory_space<hbm>>
    %dma_wait3A_79 = tpu.memref_slice %arg5[%add3A_69] : memref<320000xi32, #tpu.memory_space<hbm>> -> memref<40xi32, #tpu.memory_space<hbm>>
    tpu.wait_dma2 semaphore(%arg23 : memref<!tpu.dma_semaphore, #tpu.memory_space<semaphore_mem>>) src(%dma_wait3A_79 : memref<40xi32, #tpu.memory_space<hbm>>) dst(%arg9 : memref<40xi32, #tpu.memory_space<vmem>>)
    %broadcast_in_dim3A_80 = arith.constant 0.000000e+00 : f32
    %broadcast_in_dim3A_81 = vector.broadcast %broadcast_in_dim3A_80 : f32 to vector<16xf32>
    %scan3A_82 = arith.constant 0 : i32
    %scan3A_83 = arith.constant 0 : i32
    %scan3A_84 = arith.constant 40 : i32
    %scan3A_85 = arith.addi %scan3A_83, %scan3A_84 : i32
    %scan3A_86 = arith.constant 1 : i32
    scf.for %scan3A_211 = %scan3A_83 to %scan3A_85 step %scan3A_86  : i32 {
      %get3A = arith.index_cast %scan3A_211 : i32 to index
      %get3A_212 = arith.constant 0 : index
      %get3A_213 = tpu.vector_load %arg11[%get3A, %get3A_212] {strides = array<i32>} : memref<40x128xf32, #tpu.memory_space<vmem>>, vector<1x16xf32>,
      %get3A_214 = vector.shape_cast %get3A_213 : vector<1x16xf32> to vector<16xf32>
      %get3A_215 = arith.index_cast %scan3A_211 : i32 to index
      %get3A_216 = arith.constant 0 : index
      %get3A_217 = tpu.vector_load %arg13[%get3A_215, %get3A_216] {strides = array<i32>} : memref<40x128xf32, #tpu.memory_space<vmem>>, vector<1x16xf32>,
      %get3A_218 = vector.shape_cast %get3A_217 : vector<1x16xf32> to vector<16xf32>
      %add3A_219 = arith.addf %get3A_214, %get3A_218 : vector<16xf32>
      %max3A = arith.maximumf %add3A_219, %broadcast_in_dim3A_81 : vector<16xf32>
      %swap3A = arith.index_cast %scan3A_211 : i32 to index
      %swap3A_220 = arith.constant 0 : index
      %swap3A_221 = tpu.vector_load %arg15[%swap3A, %swap3A_220] {strides = array<i32>} : memref<40x128xf32, #tpu.memory_space<vmem>>, vector<1x16xf32>,
      %swap3A_222 = vector.shape_cast %swap3A_221 : vector<1x16xf32> to vector<16xf32>
      %swap3A_223 = vector.shape_cast %max3A : vector<16xf32> to vector<1x16xf32>
      tpu.vector_store %arg15[%swap3A, %swap3A_220], %swap3A_223 {strides = array<i32>} : memref<40x128xf32, #tpu.memory_space<vmem>>, vector<1x16xf32>,
      %get3A_224 = arith.index_cast %scan3A_211 : i32 to index
      %get3A_225 = arith.constant 16 : index
      %get3A_226 = tpu.vector_load %arg11[%get3A_224, %get3A_225] {strides = array<i32>} : memref<40x128xf32, #tpu.memory_space<vmem>>, vector<1x16xf32>,
      %get3A_227 = vector.shape_cast %get3A_226 : vector<1x16xf32> to vector<16xf32>
      %get3A_228 = arith.index_cast %scan3A_211 : i32 to index
      %get3A_229 = arith.constant 16 : index
      %get3A_230 = tpu.vector_load %arg13[%get3A_228, %get3A_229] {strides = array<i32>} : memref<40x128xf32, #tpu.memory_space<vmem>>, vector<1x16xf32>,
      %get3A_231 = vector.shape_cast %get3A_230 : vector<1x16xf32> to vector<16xf32>
      %add3A_232 = arith.addf %get3A_227, %get3A_231 : vector<16xf32>
      %max3A_233 = arith.maximumf %add3A_232, %broadcast_in_dim3A_81 : vector<16xf32>
      %swap3A_234 = arith.index_cast %scan3A_211 : i32 to index
      %swap3A_235 = arith.constant 16 : index
      %swap3A_236 = tpu.vector_load %arg15[%swap3A_234, %swap3A_235] {strides = array<i32>} : memref<40x128xf32, #tpu.memory_space<vmem>>, vector<1x16xf32>,
      %swap3A_237 = vector.shape_cast %swap3A_236 : vector<1x16xf32> to vector<16xf32>
      %swap3A_238 = vector.shape_cast %max3A_233 : vector<16xf32> to vector<1x16xf32>
      tpu.vector_store %arg15[%swap3A_234, %swap3A_235], %swap3A_238 {strides = array<i32>} : memref<40x128xf32, #tpu.memory_space<vmem>>, vector<1x16xf32>,
      %get3A_239 = arith.index_cast %scan3A_211 : i32 to index
      %get3A_240 = arith.constant 32 : index
      %get3A_241 = tpu.vector_load %arg11[%get3A_239, %get3A_240] {strides = array<i32>} : memref<40x128xf32, #tpu.memory_space<vmem>>, vector<1x16xf32>,
      %get3A_242 = vector.shape_cast %get3A_241 : vector<1x16xf32> to vector<16xf32>
      %get3A_243 = arith.index_cast %scan3A_211 : i32 to index
      %get3A_244 = arith.constant 32 : index
      %get3A_245 = tpu.vector_load %arg13[%get3A_243, %get3A_244] {strides = array<i32>} : memref<40x128xf32, #tpu.memory_space<vmem>>, vector<1x16xf32>,
      %get3A_246 = vector.shape_cast %get3A_245 : vector<1x16xf32> to vector<16xf32>
      %add3A_247 = arith.addf %get3A_242, %get3A_246 : vector<16xf32>
      %max3A_248 = arith.maximumf %add3A_247, %broadcast_in_dim3A_81 : vector<16xf32>
      %swap3A_249 = arith.index_cast %scan3A_211 : i32 to index
      %swap3A_250 = arith.constant 32 : index
      %swap3A_251 = tpu.vector_load %arg15[%swap3A_249, %swap3A_250] {strides = array<i32>} : memref<40x128xf32, #tpu.memory_space<vmem>>, vector<1x16xf32>,
      %swap3A_252 = vector.shape_cast %swap3A_251 : vector<1x16xf32> to vector<16xf32>
      %swap3A_253 = vector.shape_cast %max3A_248 : vector<16xf32> to vector<1x16xf32>
      tpu.vector_store %arg15[%swap3A_249, %swap3A_250], %swap3A_253 {strides = array<i32>} : memref<40x128xf32, #tpu.memory_space<vmem>>, vector<1x16xf32>,
      %get3A_254 = arith.index_cast %scan3A_211 : i32 to index
      %get3A_255 = arith.constant 48 : index
      %get3A_256 = tpu.vector_load %arg11[%get3A_254, %get3A_255] {strides = array<i32>} : memref<40x128xf32, #tpu.memory_space<vmem>>, vector<1x16xf32>,
      %get3A_257 = vector.shape_cast %get3A_256 : vector<1x16xf32> to vector<16xf32>
      %get3A_258 = arith.index_cast %scan3A_211 : i32 to index
      %get3A_259 = arith.constant 48 : index
      %get3A_260 = tpu.vector_load %arg13[%get3A_258, %get3A_259] {strides = array<i32>} : memref<40x128xf32, #tpu.memory_space<vmem>>, vector<1x16xf32>,
      %get3A_261 = vector.shape_cast %get3A_260 : vector<1x16xf32> to vector<16xf32>
      %add3A_262 = arith.addf %get3A_257, %get3A_261 : vector<16xf32>
      %max3A_263 = arith.maximumf %add3A_262, %broadcast_in_dim3A_81 : vector<16xf32>
      %swap3A_264 = arith.index_cast %scan3A_211 : i32 to index
      %swap3A_265 = arith.constant 48 : index
      %swap3A_266 = tpu.vector_load %arg15[%swap3A_264, %swap3A_265] {strides = array<i32>} : memref<40x128xf32, #tpu.memory_space<vmem>>, vector<1x16xf32>,
      %swap3A_267 = vector.shape_cast %swap3A_266 : vector<1x16xf32> to vector<16xf32>
      %swap3A_268 = vector.shape_cast %max3A_263 : vector<16xf32> to vector<1x16xf32>
      tpu.vector_store %arg15[%swap3A_264, %swap3A_265], %swap3A_268 {strides = array<i32>} : memref<40x128xf32, #tpu.memory_space<vmem>>, vector<1x16xf32>,
      %get3A_269 = arith.index_cast %scan3A_211 : i32 to index
      %get3A_270 = arith.constant 64 : index
      %get3A_271 = tpu.vector_load %arg11[%get3A_269, %get3A_270] {strides = array<i32>} : memref<40x128xf32, #tpu.memory_space<vmem>>, vector<1x16xf32>,
      %get3A_272 = vector.shape_cast %get3A_271 : vector<1x16xf32> to vector<16xf32>
      %get3A_273 = arith.index_cast %scan3A_211 : i32 to index
      %get3A_274 = arith.constant 64 : index
      %get3A_275 = tpu.vector_load %arg13[%get3A_273, %get3A_274] {strides = array<i32>} : memref<40x128xf32, #tpu.memory_space<vmem>>, vector<1x16xf32>,
      %get3A_276 = vector.shape_cast %get3A_275 : vector<1x16xf32> to vector<16xf32>
      %add3A_277 = arith.addf %get3A_272, %get3A_276 : vector<16xf32>
      %max3A_278 = arith.maximumf %add3A_277, %broadcast_in_dim3A_81 : vector<16xf32>
      %swap3A_279 = arith.index_cast %scan3A_211 : i32 to index
      %swap3A_280 = arith.constant 64 : index
      %swap3A_281 = tpu.vector_load %arg15[%swap3A_279, %swap3A_280] {strides = array<i32>} : memref<40x128xf32, #tpu.memory_space<vmem>>, vector<1x16xf32>,
      %swap3A_282 = vector.shape_cast %swap3A_281 : vector<1x16xf32> to vector<16xf32>
      %swap3A_283 = vector.shape_cast %max3A_278 : vector<16xf32> to vector<1x16xf32>
      tpu.vector_store %arg15[%swap3A_279, %swap3A_280], %swap3A_283 {strides = array<i32>} : memref<40x128xf32, #tpu.memory_space<vmem>>, vector<1x16xf32>,
      %get3A_284 = arith.index_cast %scan3A_211 : i32 to index
      %get3A_285 = arith.constant 80 : index
      %get3A_286 = tpu.vector_load %arg11[%get3A_284, %get3A_285] {strides = array<i32>} : memref<40x128xf32, #tpu.memory_space<vmem>>, vector<1x16xf32>,
      %get3A_287 = vector.shape_cast %get3A_286 : vector<1x16xf32> to vector<16xf32>
      %get3A_288 = arith.index_cast %scan3A_211 : i32 to index
      %get3A_289 = arith.constant 80 : index
      %get3A_290 = tpu.vector_load %arg13[%get3A_288, %get3A_289] {strides = array<i32>} : memref<40x128xf32, #tpu.memory_space<vmem>>, vector<1x16xf32>,
      %get3A_291 = vector.shape_cast %get3A_290 : vector<1x16xf32> to vector<16xf32>
      %add3A_292 = arith.addf %get3A_287, %get3A_291 : vector<16xf32>
      %max3A_293 = arith.maximumf %add3A_292, %broadcast_in_dim3A_81 : vector<16xf32>
      %swap3A_294 = arith.index_cast %scan3A_211 : i32 to index
      %swap3A_295 = arith.constant 80 : index
      %swap3A_296 = tpu.vector_load %arg15[%swap3A_294, %swap3A_295] {strides = array<i32>} : memref<40x128xf32, #tpu.memory_space<vmem>>, vector<1x16xf32>,
      %swap3A_297 = vector.shape_cast %swap3A_296 : vector<1x16xf32> to vector<16xf32>
      %swap3A_298 = vector.shape_cast %max3A_293 : vector<16xf32> to vector<1x16xf32>
      tpu.vector_store %arg15[%swap3A_294, %swap3A_295], %swap3A_298 {strides = array<i32>} : memref<40x128xf32, #tpu.memory_space<vmem>>, vector<1x16xf32>,
      %get3A_299 = arith.index_cast %scan3A_211 : i32 to index
      %get3A_300 = arith.constant 96 : index
      %get3A_301 = tpu.vector_load %arg11[%get3A_299, %get3A_300] {strides = array<i32>} : memref<40x128xf32, #tpu.memory_space<vmem>>, vector<1x16xf32>,
      %get3A_302 = vector.shape_cast %get3A_301 : vector<1x16xf32> to vector<16xf32>
      %get3A_303 = arith.index_cast %scan3A_211 : i32 to index
      %get3A_304 = arith.constant 96 : index
      %get3A_305 = tpu.vector_load %arg13[%get3A_303, %get3A_304] {strides = array<i32>} : memref<40x128xf32, #tpu.memory_space<vmem>>, vector<1x16xf32>,
      %get3A_306 = vector.shape_cast %get3A_305 : vector<1x16xf32> to vector<16xf32>
      %add3A_307 = arith.addf %get3A_302, %get3A_306 : vector<16xf32>
      %max3A_308 = arith.maximumf %add3A_307, %broadcast_in_dim3A_81 : vector<16xf32>
      %swap3A_309 = arith.index_cast %scan3A_211 : i32 to index
      %swap3A_310 = arith.constant 96 : index
      %swap3A_311 = tpu.vector_load %arg15[%swap3A_309, %swap3A_310] {strides = array<i32>} : memref<40x128xf32, #tpu.memory_space<vmem>>, vector<1x16xf32>,
      %swap3A_312 = vector.shape_cast %swap3A_311 : vector<1x16xf32> to vector<16xf32>
      %swap3A_313 = vector.shape_cast %max3A_308 : vector<16xf32> to vector<1x16xf32>
      tpu.vector_store %arg15[%swap3A_309, %swap3A_310], %swap3A_313 {strides = array<i32>} : memref<40x128xf32, #tpu.memory_space<vmem>>, vector<1x16xf32>,
      %get3A_314 = arith.index_cast %scan3A_211 : i32 to index
      %get3A_315 = arith.constant 112 : index
      %get3A_316 = tpu.vector_load %arg11[%get3A_314, %get3A_315] {strides = array<i32>} : memref<40x128xf32, #tpu.memory_space<vmem>>, vector<1x16xf32>,
      %get3A_317 = vector.shape_cast %get3A_316 : vector<1x16xf32> to vector<16xf32>
      %get3A_318 = arith.index_cast %scan3A_211 : i32 to index
      %get3A_319 = arith.constant 112 : index
      %get3A_320 = tpu.vector_load %arg13[%get3A_318, %get3A_319] {strides = array<i32>} : memref<40x128xf32, #tpu.memory_space<vmem>>, vector<1x16xf32>,
      %get3A_321 = vector.shape_cast %get3A_320 : vector<1x16xf32> to vector<16xf32>
      %add3A_322 = arith.addf %get3A_317, %get3A_321 : vector<16xf32>
      %max3A_323 = arith.maximumf %add3A_322, %broadcast_in_dim3A_81 : vector<16xf32>
      %swap3A_324 = arith.index_cast %scan3A_211 : i32 to index
      %swap3A_325 = arith.constant 112 : index
      %swap3A_326 = tpu.vector_load %arg15[%swap3A_324, %swap3A_325] {strides = array<i32>} : memref<40x128xf32, #tpu.memory_space<vmem>>, vector<1x16xf32>,
      %swap3A_327 = vector.shape_cast %swap3A_326 : vector<1x16xf32> to vector<16xf32>
      %swap3A_328 = vector.shape_cast %max3A_323 : vector<16xf32> to vector<1x16xf32>
      tpu.vector_store %arg15[%swap3A_324, %swap3A_325], %swap3A_328 {strides = array<i32>} : memref<40x128xf32, #tpu.memory_space<vmem>>, vector<1x16xf32>,
    }
    %scan3A_87 = arith.constant 40 : i32
    %dma_start3A_88 = arith.constant 0 : i32
    %dma_start3A_89 = arith.constant 0 : i32
    %dma_start3A_90 = tpu.memref_slice %arg7[%dma_start3A_88, %dma_start3A_89] : memref<10240x128xf32, #tpu.memory_space<vmem_shared>> -> memref<10240x128xf32, #tpu.memory_space<vmem_shared>>
    tpu.enqueue_indirect_dma source(%arg15 : memref<40x128xf32, #tpu.memory_space<vmem>>) target(%dma_start3A_90 : memref<10240x128xf32, #tpu.memory_space<vmem_shared>>) offsets(%arg9 : memref<40xi32, #tpu.memory_space<vmem>>) semaphore(%arg21 : memref<!tpu.dma_semaphore, #tpu.memory_space<semaphore_mem>>) {add = true}
    %add3A_91 = arith.constant 80 : i32
    %add3A_92 = arith.addi %mul3A_4, %add3A_91 : i32
    %dma_start3A_93 = arith.constant 80 : i32
    %dma_start3A_94 = tpu.memref_slice %arg8[%dma_start3A_93] : memref<10000xi32, #tpu.memory_space<vmem>> -> memref<40xi32, #tpu.memory_space<vmem>>
    %dma_start3A_95 = arith.constant 0 : i32
    %dma_start3A_96 = arith.constant 0 : i32
    %dma_start3A_97 = tpu.memref_slice %arg2[%dma_start3A_95, %dma_start3A_96] : memref<10000x128xf32, #tpu.memory_space<hbm>> -> memref<10000x128xf32, #tpu.memory_space<hbm>>
    tpu.enqueue_indirect_dma source(%dma_start3A_97 : memref<10000x128xf32, #tpu.memory_space<hbm>>) target(%arg11 : memref<40x128xf32, #tpu.memory_space<vmem>>) offsets(%dma_start3A_94 : memref<40xi32, #tpu.memory_space<vmem>>) semaphore(%arg17 : memref<!tpu.dma_semaphore, #tpu.memory_space<semaphore_mem>>)
    %dma_start3A_98 = arith.constant 0 : i32
    %dma_start3A_99 = tpu.memref_slice %arg3[%add3A_92, %dma_start3A_98] : memref<320000x128xf32, #tpu.memory_space<hbm>> -> memref<40x128xf32, #tpu.memory_space<hbm>>
    %dma_start3A_100 = arith.constant 0 : i32
    %dma_start3A_101 = tpu.memref_slice %arg3[%add3A_92, %dma_start3A_100] : memref<320000x128xf32, #tpu.memory_space<hbm>> -> memref<40x128xf32, #tpu.memory_space<hbm>>
    tpu.enqueue_dma source(%dma_start3A_101 : memref<40x128xf32, #tpu.memory_space<hbm>>) target(%arg13 : memref<40x128xf32, #tpu.memory_space<vmem>>) target_semaphore(%arg19 : memref<!tpu.dma_semaphore, #tpu.memory_space<semaphore_mem>>)
    %dma_start3A_102 = tpu.memref_slice %arg5[%add3A_92] : memref<320000xi32, #tpu.memory_space<hbm>> -> memref<40xi32, #tpu.memory_space<hbm>>
    %dma_start3A_103 = tpu.memref_slice %arg5[%add3A_92] : memref<320000xi32, #tpu.memory_space<hbm>> -> memref<40xi32, #tpu.memory_space<hbm>>
    tpu.enqueue_dma source(%dma_start3A_103 : memref<40xi32, #tpu.memory_space<hbm>>) target(%arg9 : memref<40xi32, #tpu.memory_space<vmem>>) target_semaphore(%arg23 : memref<!tpu.dma_semaphore, #tpu.memory_space<semaphore_mem>>)
    %add3A_104 = arith.constant 40 : i32
    %add3A_105 = arith.addi %mul3A_4, %add3A_104 : i32
    %dma_wait3A_106 = arith.constant 40 : i32
    %dma_wait3A_107 = tpu.memref_slice %arg8[%dma_wait3A_106] : memref<10000xi32, #tpu.memory_space<vmem>> -> memref<40xi32, #tpu.memory_space<vmem>>
    %dma_wait3A_108 = arith.constant 0 : i32
    %dma_wait3A_109 = arith.constant 0 : i32
    %dma_wait3A_110 = tpu.memref_slice %arg2[%dma_wait3A_108, %dma_wait3A_109] : memref<10000x128xf32, #tpu.memory_space<hbm>> -> memref<10000x128xf32, #tpu.memory_space<hbm>>
    tpu.wait_indirect_dma semaphore(%arg18 : memref<!tpu.dma_semaphore, #tpu.memory_space<semaphore_mem>>) src(%dma_wait3A_110 : memref<10000x128xf32, #tpu.memory_space<hbm>>) dst(%arg12 : memref<40x128xf32, #tpu.memory_space<vmem>>)
    %dma_wait3A_111 = arith.constant 0 : i32
    %dma_wait3A_112 = tpu.memref_slice %arg3[%add3A_105, %dma_wait3A_111] : memref<320000x128xf32, #tpu.memory_space<hbm>> -> memref<40x128xf32, #tpu.memory_space<hbm>>
    %dma_wait3A_113 = arith.constant 0 : i32
    %dma_wait3A_114 = tpu.memref_slice %arg3[%add3A_105, %dma_wait3A_113] : memref<320000x128xf32, #tpu.memory_space<hbm>> -> memref<40x128xf32, #tpu.memory_space<hbm>>
    tpu.wait_dma2 semaphore(%arg20 : memref<!tpu.dma_semaphore, #tpu.memory_space<semaphore_mem>>) src(%dma_wait3A_114 : memref<40x128xf32, #tpu.memory_space<hbm>>) dst(%arg14 : memref<40x128xf32, #tpu.memory_space<vmem>>)
    %dma_wait3A_115 = tpu.memref_slice %arg5[%add3A_105] : memref<320000xi32, #tpu.memory_space<hbm>> -> memref<40xi32, #tpu.memory_space<hbm>>
    %dma_wait3A_116 = tpu.memref_slice %arg5[%add3A_105] : memref<320000xi32, #tpu.memory_space<hbm>> -> memref<40xi32, #tpu.memory_space<hbm>>
    tpu.wait_dma2 semaphore(%arg24 : memref<!tpu.dma_semaphore, #tpu.memory_space<semaphore_mem>>) src(%dma_wait3A_116 : memref<40xi32, #tpu.memory_space<hbm>>) dst(%arg10 : memref<40xi32, #tpu.memory_space<vmem>>)
    %broadcast_in_dim3A_117 = arith.constant 0.000000e+00 : f32
    %broadcast_in_dim3A_118 = vector.broadcast %broadcast_in_dim3A_117 : f32 to vector<16xf32>
    %scan3A_119 = arith.constant 0 : i32
    %scan3A_120 = arith.constant 0 : i32
    %scan3A_121 = arith.constant 40 : i32
    %scan3A_122 = arith.addi %scan3A_120, %scan3A_121 : i32
    %scan3A_123 = arith.constant 1 : i32
    scf.for %scan3A_211 = %scan3A_120 to %scan3A_122 step %scan3A_123  : i32 {
      %get3A = arith.index_cast %scan3A_211 : i32 to index
      %get3A_212 = arith.constant 0 : index
      %get3A_213 = tpu.vector_load %arg12[%get3A, %get3A_212] {strides = array<i32>} : memref<40x128xf32, #tpu.memory_space<vmem>>, vector<1x16xf32>,
      %get3A_214 = vector.shape_cast %get3A_213 : vector<1x16xf32> to vector<16xf32>
      %get3A_215 = arith.index_cast %scan3A_211 : i32 to index
      %get3A_216 = arith.constant 0 : index
      %get3A_217 = tpu.vector_load %arg14[%get3A_215, %get3A_216] {strides = array<i32>} : memref<40x128xf32, #tpu.memory_space<vmem>>, vector<1x16xf32>,
      %get3A_218 = vector.shape_cast %get3A_217 : vector<1x16xf32> to vector<16xf32>
      %add3A_219 = arith.addf %get3A_214, %get3A_218 : vector<16xf32>
      %max3A = arith.maximumf %add3A_219, %broadcast_in_dim3A_118 : vector<16xf32>
      %swap3A = arith.index_cast %scan3A_211 : i32 to index
      %swap3A_220 = arith.constant 0 : index
      %swap3A_221 = tpu.vector_load %arg16[%swap3A, %swap3A_220] {strides = array<i32>} : memref<40x128xf32, #tpu.memory_space<vmem>>, vector<1x16xf32>,
      %swap3A_222 = vector.shape_cast %swap3A_221 : vector<1x16xf32> to vector<16xf32>
      %swap3A_223 = vector.shape_cast %max3A : vector<16xf32> to vector<1x16xf32>
      tpu.vector_store %arg16[%swap3A, %swap3A_220], %swap3A_223 {strides = array<i32>} : memref<40x128xf32, #tpu.memory_space<vmem>>, vector<1x16xf32>,
      %get3A_224 = arith.index_cast %scan3A_211 : i32 to index
      %get3A_225 = arith.constant 16 : index
      %get3A_226 = tpu.vector_load %arg12[%get3A_224, %get3A_225] {strides = array<i32>} : memref<40x128xf32, #tpu.memory_space<vmem>>, vector<1x16xf32>,
      %get3A_227 = vector.shape_cast %get3A_226 : vector<1x16xf32> to vector<16xf32>
      %get3A_228 = arith.index_cast %scan3A_211 : i32 to index
      %get3A_229 = arith.constant 16 : index
      %get3A_230 = tpu.vector_load %arg14[%get3A_228, %get3A_229] {strides = array<i32>} : memref<40x128xf32, #tpu.memory_space<vmem>>, vector<1x16xf32>,
      %get3A_231 = vector.shape_cast %get3A_230 : vector<1x16xf32> to vector<16xf32>
      %add3A_232 = arith.addf %get3A_227, %get3A_231 : vector<16xf32>
      %max3A_233 = arith.maximumf %add3A_232, %broadcast_in_dim3A_118 : vector<16xf32>
      %swap3A_234 = arith.index_cast %scan3A_211 : i32 to index
      %swap3A_235 = arith.constant 16 : index
      %swap3A_236 = tpu.vector_load %arg16[%swap3A_234, %swap3A_235] {strides = array<i32>} : memref<40x128xf32, #tpu.memory_space<vmem>>, vector<1x16xf32>,
      %swap3A_237 = vector.shape_cast %swap3A_236 : vector<1x16xf32> to vector<16xf32>
      %swap3A_238 = vector.shape_cast %max3A_233 : vector<16xf32> to vector<1x16xf32>
      tpu.vector_store %arg16[%swap3A_234, %swap3A_235], %swap3A_238 {strides = array<i32>} : memref<40x128xf32, #tpu.memory_space<vmem>>, vector<1x16xf32>,
      %get3A_239 = arith.index_cast %scan3A_211 : i32 to index
      %get3A_240 = arith.constant 32 : index
      %get3A_241 = tpu.vector_load %arg12[%get3A_239, %get3A_240] {strides = array<i32>} : memref<40x128xf32, #tpu.memory_space<vmem>>, vector<1x16xf32>,
      %get3A_242 = vector.shape_cast %get3A_241 : vector<1x16xf32> to vector<16xf32>
      %get3A_243 = arith.index_cast %scan3A_211 : i32 to index
      %get3A_244 = arith.constant 32 : index
      %get3A_245 = tpu.vector_load %arg14[%get3A_243, %get3A_244] {strides = array<i32>} : memref<40x128xf32, #tpu.memory_space<vmem>>, vector<1x16xf32>,
      %get3A_246 = vector.shape_cast %get3A_245 : vector<1x16xf32> to vector<16xf32>
      %add3A_247 = arith.addf %get3A_242, %get3A_246 : vector<16xf32>
      %max3A_248 = arith.maximumf %add3A_247, %broadcast_in_dim3A_118 : vector<16xf32>
      %swap3A_249 = arith.index_cast %scan3A_211 : i32 to index
      %swap3A_250 = arith.constant 32 : index
      %swap3A_251 = tpu.vector_load %arg16[%swap3A_249, %swap3A_250] {strides = array<i32>} : memref<40x128xf32, #tpu.memory_space<vmem>>, vector<1x16xf32>,
      %swap3A_252 = vector.shape_cast %swap3A_251 : vector<1x16xf32> to vector<16xf32>
      %swap3A_253 = vector.shape_cast %max3A_248 : vector<16xf32> to vector<1x16xf32>
      tpu.vector_store %arg16[%swap3A_249, %swap3A_250], %swap3A_253 {strides = array<i32>} : memref<40x128xf32, #tpu.memory_space<vmem>>, vector<1x16xf32>,
      %get3A_254 = arith.index_cast %scan3A_211 : i32 to index
      %get3A_255 = arith.constant 48 : index
      %get3A_256 = tpu.vector_load %arg12[%get3A_254, %get3A_255] {strides = array<i32>} : memref<40x128xf32, #tpu.memory_space<vmem>>, vector<1x16xf32>,
      %get3A_257 = vector.shape_cast %get3A_256 : vector<1x16xf32> to vector<16xf32>
      %get3A_258 = arith.index_cast %scan3A_211 : i32 to index
      %get3A_259 = arith.constant 48 : index
      %get3A_260 = tpu.vector_load %arg14[%get3A_258, %get3A_259] {strides = array<i32>} : memref<40x128xf32, #tpu.memory_space<vmem>>, vector<1x16xf32>,
      %get3A_261 = vector.shape_cast %get3A_260 : vector<1x16xf32> to vector<16xf32>
      %add3A_262 = arith.addf %get3A_257, %get3A_261 : vector<16xf32>
      %max3A_263 = arith.maximumf %add3A_262, %broadcast_in_dim3A_118 : vector<16xf32>
      %swap3A_264 = arith.index_cast %scan3A_211 : i32 to index
      %swap3A_265 = arith.constant 48 : index
      %swap3A_266 = tpu.vector_load %arg16[%swap3A_264, %swap3A_265] {strides = array<i32>} : memref<40x128xf32, #tpu.memory_space<vmem>>, vector<1x16xf32>,
      %swap3A_267 = vector.shape_cast %swap3A_266 : vector<1x16xf32> to vector<16xf32>
      %swap3A_268 = vector.shape_cast %max3A_263 : vector<16xf32> to vector<1x16xf32>
      tpu.vector_store %arg16[%swap3A_264, %swap3A_265], %swap3A_268 {strides = array<i32>} : memref<40x128xf32, #tpu.memory_space<vmem>>, vector<1x16xf32>,
      %get3A_269 = arith.index_cast %scan3A_211 : i32 to index
      %get3A_270 = arith.constant 64 : index
      %get3A_271 = tpu.vector_load %arg12[%get3A_269, %get3A_270] {strides = array<i32>} : memref<40x128xf32, #tpu.memory_space<vmem>>, vector<1x16xf32>,
      %get3A_272 = vector.shape_cast %get3A_271 : vector<1x16xf32> to vector<16xf32>
      %get3A_273 = arith.index_cast %scan3A_211 : i32 to index
      %get3A_274 = arith.constant 64 : index
      %get3A_275 = tpu.vector_load %arg14[%get3A_273, %get3A_274] {strides = array<i32>} : memref<40x128xf32, #tpu.memory_space<vmem>>, vector<1x16xf32>,
      %get3A_276 = vector.shape_cast %get3A_275 : vector<1x16xf32> to vector<16xf32>
      %add3A_277 = arith.addf %get3A_272, %get3A_276 : vector<16xf32>
      %max3A_278 = arith.maximumf %add3A_277, %broadcast_in_dim3A_118 : vector<16xf32>
      %swap3A_279 = arith.index_cast %scan3A_211 : i32 to index
      %swap3A_280 = arith.constant 64 : index
      %swap3A_281 = tpu.vector_load %arg16[%swap3A_279, %swap3A_280] {strides = array<i32>} : memref<40x128xf32, #tpu.memory_space<vmem>>, vector<1x16xf32>,
      %swap3A_282 = vector.shape_cast %swap3A_281 : vector<1x16xf32> to vector<16xf32>
      %swap3A_283 = vector.shape_cast %max3A_278 : vector<16xf32> to vector<1x16xf32>
      tpu.vector_store %arg16[%swap3A_279, %swap3A_280], %swap3A_283 {strides = array<i32>} : memref<40x128xf32, #tpu.memory_space<vmem>>, vector<1x16xf32>,
      %get3A_284 = arith.index_cast %scan3A_211 : i32 to index
      %get3A_285 = arith.constant 80 : index
      %get3A_286 = tpu.vector_load %arg12[%get3A_284, %get3A_285] {strides = array<i32>} : memref<40x128xf32, #tpu.memory_space<vmem>>, vector<1x16xf32>,
      %get3A_287 = vector.shape_cast %get3A_286 : vector<1x16xf32> to vector<16xf32>
      %get3A_288 = arith.index_cast %scan3A_211 : i32 to index
      %get3A_289 = arith.constant 80 : index
      %get3A_290 = tpu.vector_load %arg14[%get3A_288, %get3A_289] {strides = array<i32>} : memref<40x128xf32, #tpu.memory_space<vmem>>, vector<1x16xf32>,
      %get3A_291 = vector.shape_cast %get3A_290 : vector<1x16xf32> to vector<16xf32>
      %add3A_292 = arith.addf %get3A_287, %get3A_291 : vector<16xf32>
      %max3A_293 = arith.maximumf %add3A_292, %broadcast_in_dim3A_118 : vector<16xf32>
      %swap3A_294 = arith.index_cast %scan3A_211 : i32 to index
      %swap3A_295 = arith.constant 80 : index
      %swap3A_296 = tpu.vector_load %arg16[%swap3A_294, %swap3A_295] {strides = array<i32>} : memref<40x128xf32, #tpu.memory_space<vmem>>, vector<1x16xf32>,
      %swap3A_297 = vector.shape_cast %swap3A_296 : vector<1x16xf32> to vector<16xf32>
      %swap3A_298 = vector.shape_cast %max3A_293 : vector<16xf32> to vector<1x16xf32>
      tpu.vector_store %arg16[%swap3A_294, %swap3A_295], %swap3A_298 {strides = array<i32>} : memref<40x128xf32, #tpu.memory_space<vmem>>, vector<1x16xf32>,
      %get3A_299 = arith.index_cast %scan3A_211 : i32 to index
      %get3A_300 = arith.constant 96 : index
      %get3A_301 = tpu.vector_load %arg12[%get3A_299, %get3A_300] {strides = array<i32>} : memref<40x128xf32, #tpu.memory_space<vmem>>, vector<1x16xf32>,
      %get3A_302 = vector.shape_cast %get3A_301 : vector<1x16xf32> to vector<16xf32>
      %get3A_303 = arith.index_cast %scan3A_211 : i32 to index
      %get3A_304 = arith.constant 96 : index
      %get3A_305 = tpu.vector_load %arg14[%get3A_303, %get3A_304] {strides = array<i32>} : memref<40x128xf32, #tpu.memory_space<vmem>>, vector<1x16xf32>,
      %get3A_306 = vector.shape_cast %get3A_305 : vector<1x16xf32> to vector<16xf32>
      %add3A_307 = arith.addf %get3A_302, %get3A_306 : vector<16xf32>
      %max3A_308 = arith.maximumf %add3A_307, %broadcast_in_dim3A_118 : vector<16xf32>
      %swap3A_309 = arith.index_cast %scan3A_211 : i32 to index
      %swap3A_310 = arith.constant 96 : index
      %swap3A_311 = tpu.vector_load %arg16[%swap3A_309, %swap3A_310] {strides = array<i32>} : memref<40x128xf32, #tpu.memory_space<vmem>>, vector<1x16xf32>,
      %swap3A_312 = vector.shape_cast %swap3A_311 : vector<1x16xf32> to vector<16xf32>
      %swap3A_313 = vector.shape_cast %max3A_308 : vector<16xf32> to vector<1x16xf32>
      tpu.vector_store %arg16[%swap3A_309, %swap3A_310], %swap3A_313 {strides = array<i32>} : memref<40x128xf32, #tpu.memory_space<vmem>>, vector<1x16xf32>,
      %get3A_314 = arith.index_cast %scan3A_211 : i32 to index
      %get3A_315 = arith.constant 112 : index
      %get3A_316 = tpu.vector_load %arg12[%get3A_314, %get3A_315] {strides = array<i32>} : memref<40x128xf32, #tpu.memory_space<vmem>>, vector<1x16xf32>,
      %get3A_317 = vector.shape_cast %get3A_316 : vector<1x16xf32> to vector<16xf32>
      %get3A_318 = arith.index_cast %scan3A_211 : i32 to index
      %get3A_319 = arith.constant 112 : index
      %get3A_320 = tpu.vector_load %arg14[%get3A_318, %get3A_319] {strides = array<i32>} : memref<40x128xf32, #tpu.memory_space<vmem>>, vector<1x16xf32>,
      %get3A_321 = vector.shape_cast %get3A_320 : vector<1x16xf32> to vector<16xf32>
      %add3A_322 = arith.addf %get3A_317, %get3A_321 : vector<16xf32>
      %max3A_323 = arith.maximumf %add3A_322, %broadcast_in_dim3A_118 : vector<16xf32>
      %swap3A_324 = arith.index_cast %scan3A_211 : i32 to index
      %swap3A_325 = arith.constant 112 : index
      %swap3A_326 = tpu.vector_load %arg16[%swap3A_324, %swap3A_325] {strides = array<i32>} : memref<40x128xf32, #tpu.memory_space<vmem>>, vector<1x16xf32>,
      %swap3A_327 = vector.shape_cast %swap3A_326 : vector<1x16xf32> to vector<16xf32>
      %swap3A_328 = vector.shape_cast %max3A_323 : vector<16xf32> to vector<1x16xf32>
      tpu.vector_store %arg16[%swap3A_324, %swap3A_325], %swap3A_328 {strides = array<i32>} : memref<40x128xf32, #tpu.memory_space<vmem>>, vector<1x16xf32>,
    }
    %scan3A_124 = arith.constant 40 : i32
    %dma_start3A_125 = arith.constant 0 : i32
    %dma_start3A_126 = arith.constant 0 : i32
    %dma_start3A_127 = tpu.memref_slice %arg7[%dma_start3A_125, %dma_start3A_126] : memref<10240x128xf32, #tpu.memory_space<vmem_shared>> -> memref<10240x128xf32, #tpu.memory_space<vmem_shared>>
    tpu.enqueue_indirect_dma source(%arg16 : memref<40x128xf32, #tpu.memory_space<vmem>>) target(%dma_start3A_127 : memref<10240x128xf32, #tpu.memory_space<vmem_shared>>) offsets(%arg10 : memref<40xi32, #tpu.memory_space<vmem>>) semaphore(%arg22 : memref<!tpu.dma_semaphore, #tpu.memory_space<semaphore_mem>>) {add = true}
    %add3A_128 = arith.constant 120 : i32
    %add3A_129 = arith.addi %mul3A_4, %add3A_128 : i32
    %dma_start3A_130 = arith.constant 120 : i32
    %dma_start3A_131 = tpu.memref_slice %arg8[%dma_start3A_130] : memref<10000xi32, #tpu.memory_space<vmem>> -> memref<40xi32, #tpu.memory_space<vmem>>
    %dma_start3A_132 = arith.constant 0 : i32
    %dma_start3A_133 = arith.constant 0 : i32
    %dma_start3A_134 = tpu.memref_slice %arg2[%dma_start3A_132, %dma_start3A_133] : memref<10000x128xf32, #tpu.memory_space<hbm>> -> memref<10000x128xf32, #tpu.memory_space<hbm>>
    tpu.enqueue_indirect_dma source(%dma_start3A_134 : memref<10000x128xf32, #tpu.memory_space<hbm>>) target(%arg12 : memref<40x128xf32, #tpu.memory_space<vmem>>) offsets(%dma_start3A_131 : memref<40xi32, #tpu.memory_space<vmem>>) semaphore(%arg18 : memref<!tpu.dma_semaphore, #tpu.memory_space<semaphore_mem>>)
    %dma_start3A_135 = arith.constant 0 : i32
    %dma_start3A_136 = tpu.memref_slice %arg3[%add3A_129, %dma_start3A_135] : memref<320000x128xf32, #tpu.memory_space<hbm>> -> memref<40x128xf32, #tpu.memory_space<hbm>>
    %dma_start3A_137 = arith.constant 0 : i32
    %dma_start3A_138 = tpu.memref_slice %arg3[%add3A_129, %dma_start3A_137] : memref<320000x128xf32, #tpu.memory_space<hbm>> -> memref<40x128xf32, #tpu.memory_space<hbm>>
    tpu.enqueue_dma source(%dma_start3A_138 : memref<40x128xf32, #tpu.memory_space<hbm>>) target(%arg14 : memref<40x128xf32, #tpu.memory_space<vmem>>) target_semaphore(%arg20 : memref<!tpu.dma_semaphore, #tpu.memory_space<semaphore_mem>>)
    %dma_start3A_139 = tpu.memref_slice %arg5[%add3A_129] : memref<320000xi32, #tpu.memory_space<hbm>> -> memref<40xi32, #tpu.memory_space<hbm>>
    %dma_start3A_140 = tpu.memref_slice %arg5[%add3A_129] : memref<320000xi32, #tpu.memory_space<hbm>> -> memref<40xi32, #tpu.memory_space<hbm>>
    tpu.enqueue_dma source(%dma_start3A_140 : memref<40xi32, #tpu.memory_space<hbm>>) target(%arg10 : memref<40xi32, #tpu.memory_space<vmem>>) target_semaphore(%arg24 : memref<!tpu.dma_semaphore, #tpu.memory_space<semaphore_mem>>)
    %scan3A_141 = arith.constant 0 : i32
    %scan3A_142 = arith.constant 1 : i32
    %scan3A_143 = arith.constant 123 : i32
    %scan3A_144 = arith.addi %scan3A_142, %scan3A_143 : i32
    %scan3A_145 = arith.constant 1 : i32
    scf.for %scan3A_211 = %scan3A_142 to %scan3A_144 step %scan3A_145  : i32 {
      %dma_wait3A_212 = arith.constant 0 : i32
      %dma_wait3A_213 = arith.constant 0 : i32
      %dma_wait3A_214 = tpu.memref_slice %arg7[%dma_wait3A_212, %dma_wait3A_213] : memref<10240x128xf32, #tpu.memory_space<vmem_shared>> -> memref<10240x128xf32, #tpu.memory_space<vmem_shared>>
      tpu.wait_indirect_dma semaphore(%arg21 : memref<!tpu.dma_semaphore, #tpu.memory_space<semaphore_mem>>) src(%arg15 : memref<40x128xf32, #tpu.memory_space<vmem>>) dst(%dma_wait3A_214 : memref<10240x128xf32, #tpu.memory_space<vmem_shared>>)
      %mul3A_215 = arith.constant 2 : i32
      %mul3A_216 = arith.muli %mul3A_215, %scan3A_211 : i32
      %mul3A_217 = arith.constant 40 : i32
      %mul3A_218 = arith.muli %mul3A_216, %mul3A_217 : i32
      %add3A_219 = arith.addi %mul3A_4, %mul3A_218 : i32
      %mul3A_220 = arith.constant 40 : i32
      %mul3A_221 = arith.muli %mul3A_216, %mul3A_220 : i32
      %dma_wait3A_222 = tpu.memref_slice %arg8[%mul3A_221] : memref<10000xi32, #tpu.memory_space<vmem>> -> memref<40xi32, #tpu.memory_space<vmem>>
      %dma_wait3A_223 = arith.constant 0 : i32
      %dma_wait3A_224 = arith.constant 0 : i32
      %dma_wait3A_225 = tpu.memref_slice %arg2[%dma_wait3A_223, %dma_wait3A_224] : memref<10000x128xf32, #tpu.memory_space<hbm>> -> memref<10000x128xf32, #tpu.memory_space<hbm>>
      tpu.wait_indirect_dma semaphore(%arg17 : memref<!tpu.dma_semaphore, #tpu.memory_space<semaphore_mem>>) src(%dma_wait3A_225 : memref<10000x128xf32, #tpu.memory_space<hbm>>) dst(%arg11 : memref<40x128xf32, #tpu.memory_space<vmem>>)
      %dma_wait3A_226 = arith.constant 0 : i32
      %dma_wait3A_227 = tpu.memref_slice %arg3[%add3A_219, %dma_wait3A_226] : memref<320000x128xf32, #tpu.memory_space<hbm>> -> memref<40x128xf32, #tpu.memory_space<hbm>>
      %dma_wait3A_228 = arith.constant 0 : i32
      %dma_wait3A_229 = tpu.memref_slice %arg3[%add3A_219, %dma_wait3A_228] : memref<320000x128xf32, #tpu.memory_space<hbm>> -> memref<40x128xf32, #tpu.memory_space<hbm>>
      tpu.wait_dma2 semaphore(%arg19 : memref<!tpu.dma_semaphore, #tpu.memory_space<semaphore_mem>>) src(%dma_wait3A_229 : memref<40x128xf32, #tpu.memory_space<hbm>>) dst(%arg13 : memref<40x128xf32, #tpu.memory_space<vmem>>)
      %dma_wait3A_230 = tpu.memref_slice %arg5[%add3A_219] : memref<320000xi32, #tpu.memory_space<hbm>> -> memref<40xi32, #tpu.memory_space<hbm>>
      %dma_wait3A_231 = tpu.memref_slice %arg5[%add3A_219] : memref<320000xi32, #tpu.memory_space<hbm>> -> memref<40xi32, #tpu.memory_space<hbm>>
      tpu.wait_dma2 semaphore(%arg23 : memref<!tpu.dma_semaphore, #tpu.memory_space<semaphore_mem>>) src(%dma_wait3A_231 : memref<40xi32, #tpu.memory_space<hbm>>) dst(%arg9 : memref<40xi32, #tpu.memory_space<vmem>>)
      %broadcast_in_dim3A_232 = arith.constant 0.000000e+00 : f32
      %broadcast_in_dim3A_233 = vector.broadcast %broadcast_in_dim3A_232 : f32 to vector<16xf32>
      %scan3A_234 = arith.constant 0 : i32
      %scan3A_235 = arith.constant 0 : i32
      %scan3A_236 = arith.constant 40 : i32
      %scan3A_237 = arith.addi %scan3A_235, %scan3A_236 : i32
      %scan3A_238 = arith.constant 1 : i32
      scf.for %scan3A_314 = %scan3A_235 to %scan3A_237 step %scan3A_238  : i32 {
        %get3A = arith.index_cast %scan3A_314 : i32 to index
        %get3A_315 = arith.constant 0 : index
        %get3A_316 = tpu.vector_load %arg11[%get3A, %get3A_315] {strides = array<i32>} : memref<40x128xf32, #tpu.memory_space<vmem>>, vector<1x16xf32>,
        %get3A_317 = vector.shape_cast %get3A_316 : vector<1x16xf32> to vector<16xf32>
        %get3A_318 = arith.index_cast %scan3A_314 : i32 to index
        %get3A_319 = arith.constant 0 : index
        %get3A_320 = tpu.vector_load %arg13[%get3A_318, %get3A_319] {strides = array<i32>} : memref<40x128xf32, #tpu.memory_space<vmem>>, vector<1x16xf32>,
        %get3A_321 = vector.shape_cast %get3A_320 : vector<1x16xf32> to vector<16xf32>
        %add3A_322 = arith.addf %get3A_317, %get3A_321 : vector<16xf32>
        %max3A = arith.maximumf %add3A_322, %broadcast_in_dim3A_233 : vector<16xf32>
        %swap3A = arith.index_cast %scan3A_314 : i32 to index
        %swap3A_323 = arith.constant 0 : index
        %swap3A_324 = tpu.vector_load %arg15[%swap3A, %swap3A_323] {strides = array<i32>} : memref<40x128xf32, #tpu.memory_space<vmem>>, vector<1x16xf32>,
        %swap3A_325 = vector.shape_cast %swap3A_324 : vector<1x16xf32> to vector<16xf32>
        %swap3A_326 = vector.shape_cast %max3A : vector<16xf32> to vector<1x16xf32>
        tpu.vector_store %arg15[%swap3A, %swap3A_323], %swap3A_326 {strides = array<i32>} : memref<40x128xf32, #tpu.memory_space<vmem>>, vector<1x16xf32>,
        %get3A_327 = arith.index_cast %scan3A_314 : i32 to index
        %get3A_328 = arith.constant 16 : index
        %get3A_329 = tpu.vector_load %arg11[%get3A_327, %get3A_328] {strides = array<i32>} : memref<40x128xf32, #tpu.memory_space<vmem>>, vector<1x16xf32>,
        %get3A_330 = vector.shape_cast %get3A_329 : vector<1x16xf32> to vector<16xf32>
        %get3A_331 = arith.index_cast %scan3A_314 : i32 to index
        %get3A_332 = arith.constant 16 : index
        %get3A_333 = tpu.vector_load %arg13[%get3A_331, %get3A_332] {strides = array<i32>} : memref<40x128xf32, #tpu.memory_space<vmem>>, vector<1x16xf32>,
        %get3A_334 = vector.shape_cast %get3A_333 : vector<1x16xf32> to vector<16xf32>
        %add3A_335 = arith.addf %get3A_330, %get3A_334 : vector<16xf32>
        %max3A_336 = arith.maximumf %add3A_335, %broadcast_in_dim3A_233 : vector<16xf32>
        %swap3A_337 = arith.index_cast %scan3A_314 : i32 to index
        %swap3A_338 = arith.constant 16 : index
        %swap3A_339 = tpu.vector_load %arg15[%swap3A_337, %swap3A_338] {strides = array<i32>} : memref<40x128xf32, #tpu.memory_space<vmem>>, vector<1x16xf32>,
        %swap3A_340 = vector.shape_cast %swap3A_339 : vector<1x16xf32> to vector<16xf32>
        %swap3A_341 = vector.shape_cast %max3A_336 : vector<16xf32> to vector<1x16xf32>
        tpu.vector_store %arg15[%swap3A_337, %swap3A_338], %swap3A_341 {strides = array<i32>} : memref<40x128xf32, #tpu.memory_space<vmem>>, vector<1x16xf32>,
        %get3A_342 = arith.index_cast %scan3A_314 : i32 to index
        %get3A_343 = arith.constant 32 : index
        %get3A_344 = tpu.vector_load %arg11[%get3A_342, %get3A_343] {strides = array<i32>} : memref<40x128xf32, #tpu.memory_space<vmem>>, vector<1x16xf32>,
        %get3A_345 = vector.shape_cast %get3A_344 : vector<1x16xf32> to vector<16xf32>
        %get3A_346 = arith.index_cast %scan3A_314 : i32 to index
        %get3A_347 = arith.constant 32 : index
        %get3A_348 = tpu.vector_load %arg13[%get3A_346, %get3A_347] {strides = array<i32>} : memref<40x128xf32, #tpu.memory_space<vmem>>, vector<1x16xf32>,
        %get3A_349 = vector.shape_cast %get3A_348 : vector<1x16xf32> to vector<16xf32>
        %add3A_350 = arith.addf %get3A_345, %get3A_349 : vector<16xf32>
        %max3A_351 = arith.maximumf %add3A_350, %broadcast_in_dim3A_233 : vector<16xf32>
        %swap3A_352 = arith.index_cast %scan3A_314 : i32 to index
        %swap3A_353 = arith.constant 32 : index
        %swap3A_354 = tpu.vector_load %arg15[%swap3A_352, %swap3A_353] {strides = array<i32>} : memref<40x128xf32, #tpu.memory_space<vmem>>, vector<1x16xf32>,
        %swap3A_355 = vector.shape_cast %swap3A_354 : vector<1x16xf32> to vector<16xf32>
        %swap3A_356 = vector.shape_cast %max3A_351 : vector<16xf32> to vector<1x16xf32>
        tpu.vector_store %arg15[%swap3A_352, %swap3A_353], %swap3A_356 {strides = array<i32>} : memref<40x128xf32, #tpu.memory_space<vmem>>, vector<1x16xf32>,
        %get3A_357 = arith.index_cast %scan3A_314 : i32 to index
        %get3A_358 = arith.constant 48 : index
        %get3A_359 = tpu.vector_load %arg11[%get3A_357, %get3A_358] {strides = array<i32>} : memref<40x128xf32, #tpu.memory_space<vmem>>, vector<1x16xf32>,
        %get3A_360 = vector.shape_cast %get3A_359 : vector<1x16xf32> to vector<16xf32>
        %get3A_361 = arith.index_cast %scan3A_314 : i32 to index
        %get3A_362 = arith.constant 48 : index
        %get3A_363 = tpu.vector_load %arg13[%get3A_361, %get3A_362] {strides = array<i32>} : memref<40x128xf32, #tpu.memory_space<vmem>>, vector<1x16xf32>,
        %get3A_364 = vector.shape_cast %get3A_363 : vector<1x16xf32> to vector<16xf32>
        %add3A_365 = arith.addf %get3A_360, %get3A_364 : vector<16xf32>
        %max3A_366 = arith.maximumf %add3A_365, %broadcast_in_dim3A_233 : vector<16xf32>
        %swap3A_367 = arith.index_cast %scan3A_314 : i32 to index
        %swap3A_368 = arith.constant 48 : index
        %swap3A_369 = tpu.vector_load %arg15[%swap3A_367, %swap3A_368] {strides = array<i32>} : memref<40x128xf32, #tpu.memory_space<vmem>>, vector<1x16xf32>,
        %swap3A_370 = vector.shape_cast %swap3A_369 : vector<1x16xf32> to vector<16xf32>
        %swap3A_371 = vector.shape_cast %max3A_366 : vector<16xf32> to vector<1x16xf32>
        tpu.vector_store %arg15[%swap3A_367, %swap3A_368], %swap3A_371 {strides = array<i32>} : memref<40x128xf32, #tpu.memory_space<vmem>>, vector<1x16xf32>,
        %get3A_372 = arith.index_cast %scan3A_314 : i32 to index
        %get3A_373 = arith.constant 64 : index
        %get3A_374 = tpu.vector_load %arg11[%get3A_372, %get3A_373] {strides = array<i32>} : memref<40x128xf32, #tpu.memory_space<vmem>>, vector<1x16xf32>,
        %get3A_375 = vector.shape_cast %get3A_374 : vector<1x16xf32> to vector<16xf32>
        %get3A_376 = arith.index_cast %scan3A_314 : i32 to index
        %get3A_377 = arith.constant 64 : index
        %get3A_378 = tpu.vector_load %arg13[%get3A_376, %get3A_377] {strides = array<i32>} : memref<40x128xf32, #tpu.memory_space<vmem>>, vector<1x16xf32>,
        %get3A_379 = vector.shape_cast %get3A_378 : vector<1x16xf32> to vector<16xf32>
        %add3A_380 = arith.addf %get3A_375, %get3A_379 : vector<16xf32>
        %max3A_381 = arith.maximumf %add3A_380, %broadcast_in_dim3A_233 : vector<16xf32>
        %swap3A_382 = arith.index_cast %scan3A_314 : i32 to index
        %swap3A_383 = arith.constant 64 : index
        %swap3A_384 = tpu.vector_load %arg15[%swap3A_382, %swap3A_383] {strides = array<i32>} : memref<40x128xf32, #tpu.memory_space<vmem>>, vector<1x16xf32>,
        %swap3A_385 = vector.shape_cast %swap3A_384 : vector<1x16xf32> to vector<16xf32>
        %swap3A_386 = vector.shape_cast %max3A_381 : vector<16xf32> to vector<1x16xf32>
        tpu.vector_store %arg15[%swap3A_382, %swap3A_383], %swap3A_386 {strides = array<i32>} : memref<40x128xf32, #tpu.memory_space<vmem>>, vector<1x16xf32>,
        %get3A_387 = arith.index_cast %scan3A_314 : i32 to index
        %get3A_388 = arith.constant 80 : index
        %get3A_389 = tpu.vector_load %arg11[%get3A_387, %get3A_388] {strides = array<i32>} : memref<40x128xf32, #tpu.memory_space<vmem>>, vector<1x16xf32>,
        %get3A_390 = vector.shape_cast %get3A_389 : vector<1x16xf32> to vector<16xf32>
        %get3A_391 = arith.index_cast %scan3A_314 : i32 to index
        %get3A_392 = arith.constant 80 : index
        %get3A_393 = tpu.vector_load %arg13[%get3A_391, %get3A_392] {strides = array<i32>} : memref<40x128xf32, #tpu.memory_space<vmem>>, vector<1x16xf32>,
        %get3A_394 = vector.shape_cast %get3A_393 : vector<1x16xf32> to vector<16xf32>
        %add3A_395 = arith.addf %get3A_390, %get3A_394 : vector<16xf32>
        %max3A_396 = arith.maximumf %add3A_395, %broadcast_in_dim3A_233 : vector<16xf32>
        %swap3A_397 = arith.index_cast %scan3A_314 : i32 to index
        %swap3A_398 = arith.constant 80 : index
        %swap3A_399 = tpu.vector_load %arg15[%swap3A_397, %swap3A_398] {strides = array<i32>} : memref<40x128xf32, #tpu.memory_space<vmem>>, vector<1x16xf32>,
        %swap3A_400 = vector.shape_cast %swap3A_399 : vector<1x16xf32> to vector<16xf32>
        %swap3A_401 = vector.shape_cast %max3A_396 : vector<16xf32> to vector<1x16xf32>
        tpu.vector_store %arg15[%swap3A_397, %swap3A_398], %swap3A_401 {strides = array<i32>} : memref<40x128xf32, #tpu.memory_space<vmem>>, vector<1x16xf32>,
        %get3A_402 = arith.index_cast %scan3A_314 : i32 to index
        %get3A_403 = arith.constant 96 : index
        %get3A_404 = tpu.vector_load %arg11[%get3A_402, %get3A_403] {strides = array<i32>} : memref<40x128xf32, #tpu.memory_space<vmem>>, vector<1x16xf32>,
        %get3A_405 = vector.shape_cast %get3A_404 : vector<1x16xf32> to vector<16xf32>
        %get3A_406 = arith.index_cast %scan3A_314 : i32 to index
        %get3A_407 = arith.constant 96 : index
        %get3A_408 = tpu.vector_load %arg13[%get3A_406, %get3A_407] {strides = array<i32>} : memref<40x128xf32, #tpu.memory_space<vmem>>, vector<1x16xf32>,
        %get3A_409 = vector.shape_cast %get3A_408 : vector<1x16xf32> to vector<16xf32>
        %add3A_410 = arith.addf %get3A_405, %get3A_409 : vector<16xf32>
        %max3A_411 = arith.maximumf %add3A_410, %broadcast_in_dim3A_233 : vector<16xf32>
        %swap3A_412 = arith.index_cast %scan3A_314 : i32 to index
        %swap3A_413 = arith.constant 96 : index
        %swap3A_414 = tpu.vector_load %arg15[%swap3A_412, %swap3A_413] {strides = array<i32>} : memref<40x128xf32, #tpu.memory_space<vmem>>, vector<1x16xf32>,
        %swap3A_415 = vector.shape_cast %swap3A_414 : vector<1x16xf32> to vector<16xf32>
        %swap3A_416 = vector.shape_cast %max3A_411 : vector<16xf32> to vector<1x16xf32>
        tpu.vector_store %arg15[%swap3A_412, %swap3A_413], %swap3A_416 {strides = array<i32>} : memref<40x128xf32, #tpu.memory_space<vmem>>, vector<1x16xf32>,
        %get3A_417 = arith.index_cast %scan3A_314 : i32 to index
        %get3A_418 = arith.constant 112 : index
        %get3A_419 = tpu.vector_load %arg11[%get3A_417, %get3A_418] {strides = array<i32>} : memref<40x128xf32, #tpu.memory_space<vmem>>, vector<1x16xf32>,
        %get3A_420 = vector.shape_cast %get3A_419 : vector<1x16xf32> to vector<16xf32>
        %get3A_421 = arith.index_cast %scan3A_314 : i32 to index
        %get3A_422 = arith.constant 112 : index
        %get3A_423 = tpu.vector_load %arg13[%get3A_421, %get3A_422] {strides = array<i32>} : memref<40x128xf32, #tpu.memory_space<vmem>>, vector<1x16xf32>,
        %get3A_424 = vector.shape_cast %get3A_423 : vector<1x16xf32> to vector<16xf32>
        %add3A_425 = arith.addf %get3A_420, %get3A_424 : vector<16xf32>
        %max3A_426 = arith.maximumf %add3A_425, %broadcast_in_dim3A_233 : vector<16xf32>
        %swap3A_427 = arith.index_cast %scan3A_314 : i32 to index
        %swap3A_428 = arith.constant 112 : index
        %swap3A_429 = tpu.vector_load %arg15[%swap3A_427, %swap3A_428] {strides = array<i32>} : memref<40x128xf32, #tpu.memory_space<vmem>>, vector<1x16xf32>,
        %swap3A_430 = vector.shape_cast %swap3A_429 : vector<1x16xf32> to vector<16xf32>
        %swap3A_431 = vector.shape_cast %max3A_426 : vector<16xf32> to vector<1x16xf32>
        tpu.vector_store %arg15[%swap3A_427, %swap3A_428], %swap3A_431 {strides = array<i32>} : memref<40x128xf32, #tpu.memory_space<vmem>>, vector<1x16xf32>,
      }
      %scan3A_239 = arith.constant 40 : i32
      %dma_start3A_240 = arith.constant 0 : i32
      %dma_start3A_241 = arith.constant 0 : i32
      %dma_start3A_242 = tpu.memref_slice %arg7[%dma_start3A_240, %dma_start3A_241] : memref<10240x128xf32, #tpu.memory_space<vmem_shared>> -> memref<10240x128xf32, #tpu.memory_space<vmem_shared>>
      tpu.enqueue_indirect_dma source(%arg15 : memref<40x128xf32, #tpu.memory_space<vmem>>) target(%dma_start3A_242 : memref<10240x128xf32, #tpu.memory_space<vmem_shared>>) offsets(%arg9 : memref<40xi32, #tpu.memory_space<vmem>>) semaphore(%arg21 : memref<!tpu.dma_semaphore, #tpu.memory_space<semaphore_mem>>) {add = true}
      %mul3A_243 = arith.constant 2 : i32
      %mul3A_244 = arith.muli %mul3A_243, %scan3A_211 : i32
      %add3A_245 = arith.constant 2 : i32
      %add3A_246 = arith.addi %mul3A_244, %add3A_245 : i32
      %mul3A_247 = arith.constant 40 : i32
      %mul3A_248 = arith.muli %add3A_246, %mul3A_247 : i32
      %add3A_249 = arith.addi %mul3A_4, %mul3A_248 : i32
      %mul3A_250 = arith.constant 40 : i32
      %mul3A_251 = arith.muli %add3A_246, %mul3A_250 : i32
      %dma_start3A_252 = tpu.memref_slice %arg8[%mul3A_251] : memref<10000xi32, #tpu.memory_space<vmem>> -> memref<40xi32, #tpu.memory_space<vmem>>
      %dma_start3A_253 = arith.constant 0 : i32
      %dma_start3A_254 = arith.constant 0 : i32
      %dma_start3A_255 = tpu.memref_slice %arg2[%dma_start3A_253, %dma_start3A_254] : memref<10000x128xf32, #tpu.memory_space<hbm>> -> memref<10000x128xf32, #tpu.memory_space<hbm>>
      tpu.enqueue_indirect_dma source(%dma_start3A_255 : memref<10000x128xf32, #tpu.memory_space<hbm>>) target(%arg11 : memref<40x128xf32, #tpu.memory_space<vmem>>) offsets(%dma_start3A_252 : memref<40xi32, #tpu.memory_space<vmem>>) semaphore(%arg17 : memref<!tpu.dma_semaphore, #tpu.memory_space<semaphore_mem>>)
      %dma_start3A_256 = arith.constant 0 : i32
      %dma_start3A_257 = tpu.memref_slice %arg3[%add3A_249, %dma_start3A_256] : memref<320000x128xf32, #tpu.memory_space<hbm>> -> memref<40x128xf32, #tpu.memory_space<hbm>>
      %dma_start3A_258 = arith.constant 0 : i32
      %dma_start3A_259 = tpu.memref_slice %arg3[%add3A_249, %dma_start3A_258] : memref<320000x128xf32, #tpu.memory_space<hbm>> -> memref<40x128xf32, #tpu.memory_space<hbm>>
      tpu.enqueue_dma source(%dma_start3A_259 : memref<40x128xf32, #tpu.memory_space<hbm>>) target(%arg13 : memref<40x128xf32, #tpu.memory_space<vmem>>) target_semaphore(%arg19 : memref<!tpu.dma_semaphore, #tpu.memory_space<semaphore_mem>>)
      %dma_start3A_260 = tpu.memref_slice %arg5[%add3A_249] : memref<320000xi32, #tpu.memory_space<hbm>> -> memref<40xi32, #tpu.memory_space<hbm>>
      %dma_start3A_261 = tpu.memref_slice %arg5[%add3A_249] : memref<320000xi32, #tpu.memory_space<hbm>> -> memref<40xi32, #tpu.memory_space<hbm>>
      tpu.enqueue_dma source(%dma_start3A_261 : memref<40xi32, #tpu.memory_space<hbm>>) target(%arg9 : memref<40xi32, #tpu.memory_space<vmem>>) target_semaphore(%arg23 : memref<!tpu.dma_semaphore, #tpu.memory_space<semaphore_mem>>)
      %dma_wait3A_262 = arith.constant 0 : i32
      %dma_wait3A_263 = arith.constant 0 : i32
      %dma_wait3A_264 = tpu.memref_slice %arg7[%dma_wait3A_262, %dma_wait3A_263] : memref<10240x128xf32, #tpu.memory_space<vmem_shared>> -> memref<10240x128xf32, #tpu.memory_space<vmem_shared>>
      tpu.wait_indirect_dma semaphore(%arg22 : memref<!tpu.dma_semaphore, #tpu.memory_space<semaphore_mem>>) src(%arg16 : memref<40x128xf32, #tpu.memory_space<vmem>>) dst(%dma_wait3A_264 : memref<10240x128xf32, #tpu.memory_space<vmem_shared>>)
      %mul3A_265 = arith.constant 2 : i32
      %mul3A_266 = arith.muli %mul3A_265, %scan3A_211 : i32
      %add3A_267 = arith.constant 1 : i32
      %add3A_268 = arith.addi %mul3A_266, %add3A_267 : i32
      %mul3A_269 = arith.constant 40 : i32
      %mul3A_270 = arith.muli %add3A_268, %mul3A_269 : i32
      %add3A_271 = arith.addi %mul3A_4, %mul3A_270 : i32
      %mul3A_272 = arith.constant 40 : i32
      %mul3A_273 = arith.muli %add3A_268, %mul3A_272 : i32
      %dma_wait3A_274 = tpu.memref_slice %arg8[%mul3A_273] : memref<10000xi32, #tpu.memory_space<vmem>> -> memref<40xi32, #tpu.memory_space<vmem>>
      %dma_wait3A_275 = arith.constant 0 : i32
      %dma_wait3A_276 = arith.constant 0 : i32
      %dma_wait3A_277 = tpu.memref_slice %arg2[%dma_wait3A_275, %dma_wait3A_276] : memref<10000x128xf32, #tpu.memory_space<hbm>> -> memref<10000x128xf32, #tpu.memory_space<hbm>>
      tpu.wait_indirect_dma semaphore(%arg18 : memref<!tpu.dma_semaphore, #tpu.memory_space<semaphore_mem>>) src(%dma_wait3A_277 : memref<10000x128xf32, #tpu.memory_space<hbm>>) dst(%arg12 : memref<40x128xf32, #tpu.memory_space<vmem>>)
      %dma_wait3A_278 = arith.constant 0 : i32
      %dma_wait3A_279 = tpu.memref_slice %arg3[%add3A_271, %dma_wait3A_278] : memref<320000x128xf32, #tpu.memory_space<hbm>> -> memref<40x128xf32, #tpu.memory_space<hbm>>
      %dma_wait3A_280 = arith.constant 0 : i32
      %dma_wait3A_281 = tpu.memref_slice %arg3[%add3A_271, %dma_wait3A_280] : memref<320000x128xf32, #tpu.memory_space<hbm>> -> memref<40x128xf32, #tpu.memory_space<hbm>>
      tpu.wait_dma2 semaphore(%arg20 : memref<!tpu.dma_semaphore, #tpu.memory_space<semaphore_mem>>) src(%dma_wait3A_281 : memref<40x128xf32, #tpu.memory_space<hbm>>) dst(%arg14 : memref<40x128xf32, #tpu.memory_space<vmem>>)
      %dma_wait3A_282 = tpu.memref_slice %arg5[%add3A_271] : memref<320000xi32, #tpu.memory_space<hbm>> -> memref<40xi32, #tpu.memory_space<hbm>>
      %dma_wait3A_283 = tpu.memref_slice %arg5[%add3A_271] : memref<320000xi32, #tpu.memory_space<hbm>> -> memref<40xi32, #tpu.memory_space<hbm>>
      tpu.wait_dma2 semaphore(%arg24 : memref<!tpu.dma_semaphore, #tpu.memory_space<semaphore_mem>>) src(%dma_wait3A_283 : memref<40xi32, #tpu.memory_space<hbm>>) dst(%arg10 : memref<40xi32, #tpu.memory_space<vmem>>)
      %broadcast_in_dim3A_284 = arith.constant 0.000000e+00 : f32
      %broadcast_in_dim3A_285 = vector.broadcast %broadcast_in_dim3A_284 : f32 to vector<16xf32>
      %scan3A_286 = arith.constant 0 : i32
      %scan3A_287 = arith.constant 0 : i32
      %scan3A_288 = arith.constant 40 : i32
      %scan3A_289 = arith.addi %scan3A_287, %scan3A_288 : i32
      %scan3A_290 = arith.constant 1 : i32
      scf.for %scan3A_314 = %scan3A_287 to %scan3A_289 step %scan3A_290  : i32 {
        %get3A = arith.index_cast %scan3A_314 : i32 to index
        %get3A_315 = arith.constant 0 : index
        %get3A_316 = tpu.vector_load %arg12[%get3A, %get3A_315] {strides = array<i32>} : memref<40x128xf32, #tpu.memory_space<vmem>>, vector<1x16xf32>,
        %get3A_317 = vector.shape_cast %get3A_316 : vector<1x16xf32> to vector<16xf32>
        %get3A_318 = arith.index_cast %scan3A_314 : i32 to index
        %get3A_319 = arith.constant 0 : index
        %get3A_320 = tpu.vector_load %arg14[%get3A_318, %get3A_319] {strides = array<i32>} : memref<40x128xf32, #tpu.memory_space<vmem>>, vector<1x16xf32>,
        %get3A_321 = vector.shape_cast %get3A_320 : vector<1x16xf32> to vector<16xf32>
        %add3A_322 = arith.addf %get3A_317, %get3A_321 : vector<16xf32>
        %max3A = arith.maximumf %add3A_322, %broadcast_in_dim3A_285 : vector<16xf32>
        %swap3A = arith.index_cast %scan3A_314 : i32 to index
        %swap3A_323 = arith.constant 0 : index
        %swap3A_324 = tpu.vector_load %arg16[%swap3A, %swap3A_323] {strides = array<i32>} : memref<40x128xf32, #tpu.memory_space<vmem>>, vector<1x16xf32>,
        %swap3A_325 = vector.shape_cast %swap3A_324 : vector<1x16xf32> to vector<16xf32>
        %swap3A_326 = vector.shape_cast %max3A : vector<16xf32> to vector<1x16xf32>
        tpu.vector_store %arg16[%swap3A, %swap3A_323], %swap3A_326 {strides = array<i32>} : memref<40x128xf32, #tpu.memory_space<vmem>>, vector<1x16xf32>,
        %get3A_327 = arith.index_cast %scan3A_314 : i32 to index
        %get3A_328 = arith.constant 16 : index
        %get3A_329 = tpu.vector_load %arg12[%get3A_327, %get3A_328] {strides = array<i32>} : memref<40x128xf32, #tpu.memory_space<vmem>>, vector<1x16xf32>,
        %get3A_330 = vector.shape_cast %get3A_329 : vector<1x16xf32> to vector<16xf32>
        %get3A_331 = arith.index_cast %scan3A_314 : i32 to index
        %get3A_332 = arith.constant 16 : index
        %get3A_333 = tpu.vector_load %arg14[%get3A_331, %get3A_332] {strides = array<i32>} : memref<40x128xf32, #tpu.memory_space<vmem>>, vector<1x16xf32>,
        %get3A_334 = vector.shape_cast %get3A_333 : vector<1x16xf32> to vector<16xf32>
        %add3A_335 = arith.addf %get3A_330, %get3A_334 : vector<16xf32>
        %max3A_336 = arith.maximumf %add3A_335, %broadcast_in_dim3A_285 : vector<16xf32>
        %swap3A_337 = arith.index_cast %scan3A_314 : i32 to index
        %swap3A_338 = arith.constant 16 : index
        %swap3A_339 = tpu.vector_load %arg16[%swap3A_337, %swap3A_338] {strides = array<i32>} : memref<40x128xf32, #tpu.memory_space<vmem>>, vector<1x16xf32>,
        %swap3A_340 = vector.shape_cast %swap3A_339 : vector<1x16xf32> to vector<16xf32>
        %swap3A_341 = vector.shape_cast %max3A_336 : vector<16xf32> to vector<1x16xf32>
        tpu.vector_store %arg16[%swap3A_337, %swap3A_338], %swap3A_341 {strides = array<i32>} : memref<40x128xf32, #tpu.memory_space<vmem>>, vector<1x16xf32>,
        %get3A_342 = arith.index_cast %scan3A_314 : i32 to index
        %get3A_343 = arith.constant 32 : index
        %get3A_344 = tpu.vector_load %arg12[%get3A_342, %get3A_343] {strides = array<i32>} : memref<40x128xf32, #tpu.memory_space<vmem>>, vector<1x16xf32>,
        %get3A_345 = vector.shape_cast %get3A_344 : vector<1x16xf32> to vector<16xf32>
        %get3A_346 = arith.index_cast %scan3A_314 : i32 to index
        %get3A_347 = arith.constant 32 : index
        %get3A_348 = tpu.vector_load %arg14[%get3A_346, %get3A_347] {strides = array<i32>} : memref<40x128xf32, #tpu.memory_space<vmem>>, vector<1x16xf32>,
        %get3A_349 = vector.shape_cast %get3A_348 : vector<1x16xf32> to vector<16xf32>
        %add3A_350 = arith.addf %get3A_345, %get3A_349 : vector<16xf32>
        %max3A_351 = arith.maximumf %add3A_350, %broadcast_in_dim3A_285 : vector<16xf32>
        %swap3A_352 = arith.index_cast %scan3A_314 : i32 to index
        %swap3A_353 = arith.constant 32 : index
        %swap3A_354 = tpu.vector_load %arg16[%swap3A_352, %swap3A_353] {strides = array<i32>} : memref<40x128xf32, #tpu.memory_space<vmem>>, vector<1x16xf32>,
        %swap3A_355 = vector.shape_cast %swap3A_354 : vector<1x16xf32> to vector<16xf32>
        %swap3A_356 = vector.shape_cast %max3A_351 : vector<16xf32> to vector<1x16xf32>
        tpu.vector_store %arg16[%swap3A_352, %swap3A_353], %swap3A_356 {strides = array<i32>} : memref<40x128xf32, #tpu.memory_space<vmem>>, vector<1x16xf32>,
        %get3A_357 = arith.index_cast %scan3A_314 : i32 to index
        %get3A_358 = arith.constant 48 : index
        %get3A_359 = tpu.vector_load %arg12[%get3A_357, %get3A_358] {strides = array<i32>} : memref<40x128xf32, #tpu.memory_space<vmem>>, vector<1x16xf32>,
        %get3A_360 = vector.shape_cast %get3A_359 : vector<1x16xf32> to vector<16xf32>
        %get3A_361 = arith.index_cast %scan3A_314 : i32 to index
        %get3A_362 = arith.constant 48 : index
        %get3A_363 = tpu.vector_load %arg14[%get3A_361, %get3A_362] {strides = array<i32>} : memref<40x128xf32, #tpu.memory_space<vmem>>, vector<1x16xf32>,
        %get3A_364 = vector.shape_cast %get3A_363 : vector<1x16xf32> to vector<16xf32>
        %add3A_365 = arith.addf %get3A_360, %get3A_364 : vector<16xf32>
        %max3A_366 = arith.maximumf %add3A_365, %broadcast_in_dim3A_285 : vector<16xf32>
        %swap3A_367 = arith.index_cast %scan3A_314 : i32 to index
        %swap3A_368 = arith.constant 48 : index
        %swap3A_369 = tpu.vector_load %arg16[%swap3A_367, %swap3A_368] {strides = array<i32>} : memref<40x128xf32, #tpu.memory_space<vmem>>, vector<1x16xf32>,
        %swap3A_370 = vector.shape_cast %swap3A_369 : vector<1x16xf32> to vector<16xf32>
        %swap3A_371 = vector.shape_cast %max3A_366 : vector<16xf32> to vector<1x16xf32>
        tpu.vector_store %arg16[%swap3A_367, %swap3A_368], %swap3A_371 {strides = array<i32>} : memref<40x128xf32, #tpu.memory_space<vmem>>, vector<1x16xf32>,
        %get3A_372 = arith.index_cast %scan3A_314 : i32 to index
        %get3A_373 = arith.constant 64 : index
        %get3A_374 = tpu.vector_load %arg12[%get3A_372, %get3A_373] {strides = array<i32>} : memref<40x128xf32, #tpu.memory_space<vmem>>, vector<1x16xf32>,
        %get3A_375 = vector.shape_cast %get3A_374 : vector<1x16xf32> to vector<16xf32>
        %get3A_376 = arith.index_cast %scan3A_314 : i32 to index
        %get3A_377 = arith.constant 64 : index
        %get3A_378 = tpu.vector_load %arg14[%get3A_376, %get3A_377] {strides = array<i32>} : memref<40x128xf32, #tpu.memory_space<vmem>>, vector<1x16xf32>,
        %get3A_379 = vector.shape_cast %get3A_378 : vector<1x16xf32> to vector<16xf32>
        %add3A_380 = arith.addf %get3A_375, %get3A_379 : vector<16xf32>
        %max3A_381 = arith.maximumf %add3A_380, %broadcast_in_dim3A_285 : vector<16xf32>
        %swap3A_382 = arith.index_cast %scan3A_314 : i32 to index
        %swap3A_383 = arith.constant 64 : index
        %swap3A_384 = tpu.vector_load %arg16[%swap3A_382, %swap3A_383] {strides = array<i32>} : memref<40x128xf32, #tpu.memory_space<vmem>>, vector<1x16xf32>,
        %swap3A_385 = vector.shape_cast %swap3A_384 : vector<1x16xf32> to vector<16xf32>
        %swap3A_386 = vector.shape_cast %max3A_381 : vector<16xf32> to vector<1x16xf32>
        tpu.vector_store %arg16[%swap3A_382, %swap3A_383], %swap3A_386 {strides = array<i32>} : memref<40x128xf32, #tpu.memory_space<vmem>>, vector<1x16xf32>,
        %get3A_387 = arith.index_cast %scan3A_314 : i32 to index
        %get3A_388 = arith.constant 80 : index
        %get3A_389 = tpu.vector_load %arg12[%get3A_387, %get3A_388] {strides = array<i32>} : memref<40x128xf32, #tpu.memory_space<vmem>>, vector<1x16xf32>,
        %get3A_390 = vector.shape_cast %get3A_389 : vector<1x16xf32> to vector<16xf32>
        %get3A_391 = arith.index_cast %scan3A_314 : i32 to index
        %get3A_392 = arith.constant 80 : index
        %get3A_393 = tpu.vector_load %arg14[%get3A_391, %get3A_392] {strides = array<i32>} : memref<40x128xf32, #tpu.memory_space<vmem>>, vector<1x16xf32>,
        %get3A_394 = vector.shape_cast %get3A_393 : vector<1x16xf32> to vector<16xf32>
        %add3A_395 = arith.addf %get3A_390, %get3A_394 : vector<16xf32>
        %max3A_396 = arith.maximumf %add3A_395, %broadcast_in_dim3A_285 : vector<16xf32>
        %swap3A_397 = arith.index_cast %scan3A_314 : i32 to index
        %swap3A_398 = arith.constant 80 : index
        %swap3A_399 = tpu.vector_load %arg16[%swap3A_397, %swap3A_398] {strides = array<i32>} : memref<40x128xf32, #tpu.memory_space<vmem>>, vector<1x16xf32>,
        %swap3A_400 = vector.shape_cast %swap3A_399 : vector<1x16xf32> to vector<16xf32>
        %swap3A_401 = vector.shape_cast %max3A_396 : vector<16xf32> to vector<1x16xf32>
        tpu.vector_store %arg16[%swap3A_397, %swap3A_398], %swap3A_401 {strides = array<i32>} : memref<40x128xf32, #tpu.memory_space<vmem>>, vector<1x16xf32>,
        %get3A_402 = arith.index_cast %scan3A_314 : i32 to index
        %get3A_403 = arith.constant 96 : index
        %get3A_404 = tpu.vector_load %arg12[%get3A_402, %get3A_403] {strides = array<i32>} : memref<40x128xf32, #tpu.memory_space<vmem>>, vector<1x16xf32>,
        %get3A_405 = vector.shape_cast %get3A_404 : vector<1x16xf32> to vector<16xf32>
        %get3A_406 = arith.index_cast %scan3A_314 : i32 to index
        %get3A_407 = arith.constant 96 : index
        %get3A_408 = tpu.vector_load %arg14[%get3A_406, %get3A_407] {strides = array<i32>} : memref<40x128xf32, #tpu.memory_space<vmem>>, vector<1x16xf32>,
        %get3A_409 = vector.shape_cast %get3A_408 : vector<1x16xf32> to vector<16xf32>
        %add3A_410 = arith.addf %get3A_405, %get3A_409 : vector<16xf32>
        %max3A_411 = arith.maximumf %add3A_410, %broadcast_in_dim3A_285 : vector<16xf32>
        %swap3A_412 = arith.index_cast %scan3A_314 : i32 to index
        %swap3A_413 = arith.constant 96 : index
        %swap3A_414 = tpu.vector_load %arg16[%swap3A_412, %swap3A_413] {strides = array<i32>} : memref<40x128xf32, #tpu.memory_space<vmem>>, vector<1x16xf32>,
        %swap3A_415 = vector.shape_cast %swap3A_414 : vector<1x16xf32> to vector<16xf32>
        %swap3A_416 = vector.shape_cast %max3A_411 : vector<16xf32> to vector<1x16xf32>
        tpu.vector_store %arg16[%swap3A_412, %swap3A_413], %swap3A_416 {strides = array<i32>} : memref<40x128xf32, #tpu.memory_space<vmem>>, vector<1x16xf32>,
        %get3A_417 = arith.index_cast %scan3A_314 : i32 to index
        %get3A_418 = arith.constant 112 : index
        %get3A_419 = tpu.vector_load %arg12[%get3A_417, %get3A_418] {strides = array<i32>} : memref<40x128xf32, #tpu.memory_space<vmem>>, vector<1x16xf32>,
        %get3A_420 = vector.shape_cast %get3A_419 : vector<1x16xf32> to vector<16xf32>
        %get3A_421 = arith.index_cast %scan3A_314 : i32 to index
        %get3A_422 = arith.constant 112 : index
        %get3A_423 = tpu.vector_load %arg14[%get3A_421, %get3A_422] {strides = array<i32>} : memref<40x128xf32, #tpu.memory_space<vmem>>, vector<1x16xf32>,
        %get3A_424 = vector.shape_cast %get3A_423 : vector<1x16xf32> to vector<16xf32>
        %add3A_425 = arith.addf %get3A_420, %get3A_424 : vector<16xf32>
        %max3A_426 = arith.maximumf %add3A_425, %broadcast_in_dim3A_285 : vector<16xf32>
        %swap3A_427 = arith.index_cast %scan3A_314 : i32 to index
        %swap3A_428 = arith.constant 112 : index
        %swap3A_429 = tpu.vector_load %arg16[%swap3A_427, %swap3A_428] {strides = array<i32>} : memref<40x128xf32, #tpu.memory_space<vmem>>, vector<1x16xf32>,
        %swap3A_430 = vector.shape_cast %swap3A_429 : vector<1x16xf32> to vector<16xf32>
        %swap3A_431 = vector.shape_cast %max3A_426 : vector<16xf32> to vector<1x16xf32>
        tpu.vector_store %arg16[%swap3A_427, %swap3A_428], %swap3A_431 {strides = array<i32>} : memref<40x128xf32, #tpu.memory_space<vmem>>, vector<1x16xf32>,
      }
      %scan3A_291 = arith.constant 40 : i32
      %dma_start3A_292 = arith.constant 0 : i32
      %dma_start3A_293 = arith.constant 0 : i32
      %dma_start3A_294 = tpu.memref_slice %arg7[%dma_start3A_292, %dma_start3A_293] : memref<10240x128xf32, #tpu.memory_space<vmem_shared>> -> memref<10240x128xf32, #tpu.memory_space<vmem_shared>>
      tpu.enqueue_indirect_dma source(%arg16 : memref<40x128xf32, #tpu.memory_space<vmem>>) target(%dma_start3A_294 : memref<10240x128xf32, #tpu.memory_space<vmem_shared>>) offsets(%arg10 : memref<40xi32, #tpu.memory_space<vmem>>) semaphore(%arg22 : memref<!tpu.dma_semaphore, #tpu.memory_space<semaphore_mem>>) {add = true}
      %mul3A_295 = arith.constant 2 : i32
      %mul3A_296 = arith.muli %mul3A_295, %scan3A_211 : i32
      %add3A_297 = arith.constant 3 : i32
      %add3A_298 = arith.addi %mul3A_296, %add3A_297 : i32
      %mul3A_299 = arith.constant 40 : i32
      %mul3A_300 = arith.muli %add3A_298, %mul3A_299 : i32
      %add3A_301 = arith.addi %mul3A_4, %mul3A_300 : i32
      %mul3A_302 = arith.constant 40 : i32
      %mul3A_303 = arith.muli %add3A_298, %mul3A_302 : i32
      %dma_start3A_304 = tpu.memref_slice %arg8[%mul3A_303] : memref<10000xi32, #tpu.memory_space<vmem>> -> memref<40xi32, #tpu.memory_space<vmem>>
      %dma_start3A_305 = arith.constant 0 : i32
      %dma_start3A_306 = arith.constant 0 : i32
      %dma_start3A_307 = tpu.memref_slice %arg2[%dma_start3A_305, %dma_start3A_306] : memref<10000x128xf32, #tpu.memory_space<hbm>> -> memref<10000x128xf32, #tpu.memory_space<hbm>>
      tpu.enqueue_indirect_dma source(%dma_start3A_307 : memref<10000x128xf32, #tpu.memory_space<hbm>>) target(%arg12 : memref<40x128xf32, #tpu.memory_space<vmem>>) offsets(%dma_start3A_304 : memref<40xi32, #tpu.memory_space<vmem>>) semaphore(%arg18 : memref<!tpu.dma_semaphore, #tpu.memory_space<semaphore_mem>>)
      %dma_start3A_308 = arith.constant 0 : i32
      %dma_start3A_309 = tpu.memref_slice %arg3[%add3A_301, %dma_start3A_308] : memref<320000x128xf32, #tpu.memory_space<hbm>> -> memref<40x128xf32, #tpu.memory_space<hbm>>
      %dma_start3A_310 = arith.constant 0 : i32
      %dma_start3A_311 = tpu.memref_slice %arg3[%add3A_301, %dma_start3A_310] : memref<320000x128xf32, #tpu.memory_space<hbm>> -> memref<40x128xf32, #tpu.memory_space<hbm>>
      tpu.enqueue_dma source(%dma_start3A_311 : memref<40x128xf32, #tpu.memory_space<hbm>>) target(%arg14 : memref<40x128xf32, #tpu.memory_space<vmem>>) target_semaphore(%arg20 : memref<!tpu.dma_semaphore, #tpu.memory_space<semaphore_mem>>)
      %dma_start3A_312 = tpu.memref_slice %arg5[%add3A_301] : memref<320000xi32, #tpu.memory_space<hbm>> -> memref<40xi32, #tpu.memory_space<hbm>>
      %dma_start3A_313 = tpu.memref_slice %arg5[%add3A_301] : memref<320000xi32, #tpu.memory_space<hbm>> -> memref<40xi32, #tpu.memory_space<hbm>>
      tpu.enqueue_dma source(%dma_start3A_313 : memref<40xi32, #tpu.memory_space<hbm>>) target(%arg10 : memref<40xi32, #tpu.memory_space<vmem>>) target_semaphore(%arg24 : memref<!tpu.dma_semaphore, #tpu.memory_space<semaphore_mem>>)
    }
    %scan3A_146 = arith.constant 123 : i32
    %dma_wait3A_147 = arith.constant 0 : i32
    %dma_wait3A_148 = arith.constant 0 : i32
    %dma_wait3A_149 = tpu.memref_slice %arg7[%dma_wait3A_147, %dma_wait3A_148] : memref<10240x128xf32, #tpu.memory_space<vmem_shared>> -> memref<10240x128xf32, #tpu.memory_space<vmem_shared>>
    tpu.wait_indirect_dma semaphore(%arg21 : memref<!tpu.dma_semaphore, #tpu.memory_space<semaphore_mem>>) src(%arg15 : memref<40x128xf32, #tpu.memory_space<vmem>>) dst(%dma_wait3A_149 : memref<10240x128xf32, #tpu.memory_space<vmem_shared>>)
    %add3A_150 = arith.constant 9920 : i32
    %add3A_151 = arith.addi %mul3A_4, %add3A_150 : i32
    %dma_wait3A_152 = arith.constant 9920 : i32
    %dma_wait3A_153 = tpu.memref_slice %arg8[%dma_wait3A_152] : memref<10000xi32, #tpu.memory_space<vmem>> -> memref<40xi32, #tpu.memory_space<vmem>>
    %dma_wait3A_154 = arith.constant 0 : i32
    %dma_wait3A_155 = arith.constant 0 : i32
    %dma_wait3A_156 = tpu.memref_slice %arg2[%dma_wait3A_154, %dma_wait3A_155] : memref<10000x128xf32, #tpu.memory_space<hbm>> -> memref<10000x128xf32, #tpu.memory_space<hbm>>
    tpu.wait_indirect_dma semaphore(%arg17 : memref<!tpu.dma_semaphore, #tpu.memory_space<semaphore_mem>>) src(%dma_wait3A_156 : memref<10000x128xf32, #tpu.memory_space<hbm>>) dst(%arg11 : memref<40x128xf32, #tpu.memory_space<vmem>>)
    %dma_wait3A_157 = arith.constant 0 : i32
    %dma_wait3A_158 = tpu.memref_slice %arg3[%add3A_151, %dma_wait3A_157] : memref<320000x128xf32, #tpu.memory_space<hbm>> -> memref<40x128xf32, #tpu.memory_space<hbm>>
    %dma_wait3A_159 = arith.constant 0 : i32
    %dma_wait3A_160 = tpu.memref_slice %arg3[%add3A_151, %dma_wait3A_159] : memref<320000x128xf32, #tpu.memory_space<hbm>> -> memref<40x128xf32, #tpu.memory_space<hbm>>
    tpu.wait_dma2 semaphore(%arg19 : memref<!tpu.dma_semaphore, #tpu.memory_space<semaphore_mem>>) src(%dma_wait3A_160 : memref<40x128xf32, #tpu.memory_space<hbm>>) dst(%arg13 : memref<40x128xf32, #tpu.memory_space<vmem>>)
    %dma_wait3A_161 = tpu.memref_slice %arg5[%add3A_151] : memref<320000xi32, #tpu.memory_space<hbm>> -> memref<40xi32, #tpu.memory_space<hbm>>
    %dma_wait3A_162 = tpu.memref_slice %arg5[%add3A_151] : memref<320000xi32, #tpu.memory_space<hbm>> -> memref<40xi32, #tpu.memory_space<hbm>>
    tpu.wait_dma2 semaphore(%arg23 : memref<!tpu.dma_semaphore, #tpu.memory_space<semaphore_mem>>) src(%dma_wait3A_162 : memref<40xi32, #tpu.memory_space<hbm>>) dst(%arg9 : memref<40xi32, #tpu.memory_space<vmem>>)
    %broadcast_in_dim3A_163 = arith.constant 0.000000e+00 : f32
    %broadcast_in_dim3A_164 = vector.broadcast %broadcast_in_dim3A_163 : f32 to vector<16xf32>
    %scan3A_165 = arith.constant 0 : i32
    %scan3A_166 = arith.constant 0 : i32
    %scan3A_167 = arith.constant 40 : i32
    %scan3A_168 = arith.addi %scan3A_166, %scan3A_167 : i32
    %scan3A_169 = arith.constant 1 : i32
    scf.for %scan3A_211 = %scan3A_166 to %scan3A_168 step %scan3A_169  : i32 {
      %get3A = arith.index_cast %scan3A_211 : i32 to index
      %get3A_212 = arith.constant 0 : index
      %get3A_213 = tpu.vector_load %arg11[%get3A, %get3A_212] {strides = array<i32>} : memref<40x128xf32, #tpu.memory_space<vmem>>, vector<1x16xf32>,
      %get3A_214 = vector.shape_cast %get3A_213 : vector<1x16xf32> to vector<16xf32>
      %get3A_215 = arith.index_cast %scan3A_211 : i32 to index
      %get3A_216 = arith.constant 0 : index
      %get3A_217 = tpu.vector_load %arg13[%get3A_215, %get3A_216] {strides = array<i32>} : memref<40x128xf32, #tpu.memory_space<vmem>>, vector<1x16xf32>,
      %get3A_218 = vector.shape_cast %get3A_217 : vector<1x16xf32> to vector<16xf32>
      %add3A_219 = arith.addf %get3A_214, %get3A_218 : vector<16xf32>
      %max3A = arith.maximumf %add3A_219, %broadcast_in_dim3A_164 : vector<16xf32>
      %swap3A = arith.index_cast %scan3A_211 : i32 to index
      %swap3A_220 = arith.constant 0 : index
      %swap3A_221 = tpu.vector_load %arg15[%swap3A, %swap3A_220] {strides = array<i32>} : memref<40x128xf32, #tpu.memory_space<vmem>>, vector<1x16xf32>,
      %swap3A_222 = vector.shape_cast %swap3A_221 : vector<1x16xf32> to vector<16xf32>
      %swap3A_223 = vector.shape_cast %max3A : vector<16xf32> to vector<1x16xf32>
      tpu.vector_store %arg15[%swap3A, %swap3A_220], %swap3A_223 {strides = array<i32>} : memref<40x128xf32, #tpu.memory_space<vmem>>, vector<1x16xf32>,
      %get3A_224 = arith.index_cast %scan3A_211 : i32 to index
      %get3A_225 = arith.constant 16 : index
      %get3A_226 = tpu.vector_load %arg11[%get3A_224, %get3A_225] {strides = array<i32>} : memref<40x128xf32, #tpu.memory_space<vmem>>, vector<1x16xf32>,
      %get3A_227 = vector.shape_cast %get3A_226 : vector<1x16xf32> to vector<16xf32>
      %get3A_228 = arith.index_cast %scan3A_211 : i32 to index
      %get3A_229 = arith.constant 16 : index
      %get3A_230 = tpu.vector_load %arg13[%get3A_228, %get3A_229] {strides = array<i32>} : memref<40x128xf32, #tpu.memory_space<vmem>>, vector<1x16xf32>,
      %get3A_231 = vector.shape_cast %get3A_230 : vector<1x16xf32> to vector<16xf32>
      %add3A_232 = arith.addf %get3A_227, %get3A_231 : vector<16xf32>
      %max3A_233 = arith.maximumf %add3A_232, %broadcast_in_dim3A_164 : vector<16xf32>
      %swap3A_234 = arith.index_cast %scan3A_211 : i32 to index
      %swap3A_235 = arith.constant 16 : index
      %swap3A_236 = tpu.vector_load %arg15[%swap3A_234, %swap3A_235] {strides = array<i32>} : memref<40x128xf32, #tpu.memory_space<vmem>>, vector<1x16xf32>,
      %swap3A_237 = vector.shape_cast %swap3A_236 : vector<1x16xf32> to vector<16xf32>
      %swap3A_238 = vector.shape_cast %max3A_233 : vector<16xf32> to vector<1x16xf32>
      tpu.vector_store %arg15[%swap3A_234, %swap3A_235], %swap3A_238 {strides = array<i32>} : memref<40x128xf32, #tpu.memory_space<vmem>>, vector<1x16xf32>,
      %get3A_239 = arith.index_cast %scan3A_211 : i32 to index
      %get3A_240 = arith.constant 32 : index
      %get3A_241 = tpu.vector_load %arg11[%get3A_239, %get3A_240] {strides = array<i32>} : memref<40x128xf32, #tpu.memory_space<vmem>>, vector<1x16xf32>,
      %get3A_242 = vector.shape_cast %get3A_241 : vector<1x16xf32> to vector<16xf32>
      %get3A_243 = arith.index_cast %scan3A_211 : i32 to index
      %get3A_244 = arith.constant 32 : index
      %get3A_245 = tpu.vector_load %arg13[%get3A_243, %get3A_244] {strides = array<i32>} : memref<40x128xf32, #tpu.memory_space<vmem>>, vector<1x16xf32>,
      %get3A_246 = vector.shape_cast %get3A_245 : vector<1x16xf32> to vector<16xf32>
      %add3A_247 = arith.addf %get3A_242, %get3A_246 : vector<16xf32>
      %max3A_248 = arith.maximumf %add3A_247, %broadcast_in_dim3A_164 : vector<16xf32>
      %swap3A_249 = arith.index_cast %scan3A_211 : i32 to index
      %swap3A_250 = arith.constant 32 : index
      %swap3A_251 = tpu.vector_load %arg15[%swap3A_249, %swap3A_250] {strides = array<i32>} : memref<40x128xf32, #tpu.memory_space<vmem>>, vector<1x16xf32>,
      %swap3A_252 = vector.shape_cast %swap3A_251 : vector<1x16xf32> to vector<16xf32>
      %swap3A_253 = vector.shape_cast %max3A_248 : vector<16xf32> to vector<1x16xf32>
      tpu.vector_store %arg15[%swap3A_249, %swap3A_250], %swap3A_253 {strides = array<i32>} : memref<40x128xf32, #tpu.memory_space<vmem>>, vector<1x16xf32>,
      %get3A_254 = arith.index_cast %scan3A_211 : i32 to index
      %get3A_255 = arith.constant 48 : index
      %get3A_256 = tpu.vector_load %arg11[%get3A_254, %get3A_255] {strides = array<i32>} : memref<40x128xf32, #tpu.memory_space<vmem>>, vector<1x16xf32>,
      %get3A_257 = vector.shape_cast %get3A_256 : vector<1x16xf32> to vector<16xf32>
      %get3A_258 = arith.index_cast %scan3A_211 : i32 to index
      %get3A_259 = arith.constant 48 : index
      %get3A_260 = tpu.vector_load %arg13[%get3A_258, %get3A_259] {strides = array<i32>} : memref<40x128xf32, #tpu.memory_space<vmem>>, vector<1x16xf32>,
      %get3A_261 = vector.shape_cast %get3A_260 : vector<1x16xf32> to vector<16xf32>
      %add3A_262 = arith.addf %get3A_257, %get3A_261 : vector<16xf32>
      %max3A_263 = arith.maximumf %add3A_262, %broadcast_in_dim3A_164 : vector<16xf32>
      %swap3A_264 = arith.index_cast %scan3A_211 : i32 to index
      %swap3A_265 = arith.constant 48 : index
      %swap3A_266 = tpu.vector_load %arg15[%swap3A_264, %swap3A_265] {strides = array<i32>} : memref<40x128xf32, #tpu.memory_space<vmem>>, vector<1x16xf32>,
      %swap3A_267 = vector.shape_cast %swap3A_266 : vector<1x16xf32> to vector<16xf32>
      %swap3A_268 = vector.shape_cast %max3A_263 : vector<16xf32> to vector<1x16xf32>
      tpu.vector_store %arg15[%swap3A_264, %swap3A_265], %swap3A_268 {strides = array<i32>} : memref<40x128xf32, #tpu.memory_space<vmem>>, vector<1x16xf32>,
      %get3A_269 = arith.index_cast %scan3A_211 : i32 to index
      %get3A_270 = arith.constant 64 : index
      %get3A_271 = tpu.vector_load %arg11[%get3A_269, %get3A_270] {strides = array<i32>} : memref<40x128xf32, #tpu.memory_space<vmem>>, vector<1x16xf32>,
      %get3A_272 = vector.shape_cast %get3A_271 : vector<1x16xf32> to vector<16xf32>
      %get3A_273 = arith.index_cast %scan3A_211 : i32 to index
      %get3A_274 = arith.constant 64 : index
      %get3A_275 = tpu.vector_load %arg13[%get3A_273, %get3A_274] {strides = array<i32>} : memref<40x128xf32, #tpu.memory_space<vmem>>, vector<1x16xf32>,
      %get3A_276 = vector.shape_cast %get3A_275 : vector<1x16xf32> to vector<16xf32>
      %add3A_277 = arith.addf %get3A_272, %get3A_276 : vector<16xf32>
      %max3A_278 = arith.maximumf %add3A_277, %broadcast_in_dim3A_164 : vector<16xf32>
      %swap3A_279 = arith.index_cast %scan3A_211 : i32 to index
      %swap3A_280 = arith.constant 64 : index
      %swap3A_281 = tpu.vector_load %arg15[%swap3A_279, %swap3A_280] {strides = array<i32>} : memref<40x128xf32, #tpu.memory_space<vmem>>, vector<1x16xf32>,
      %swap3A_282 = vector.shape_cast %swap3A_281 : vector<1x16xf32> to vector<16xf32>
      %swap3A_283 = vector.shape_cast %max3A_278 : vector<16xf32> to vector<1x16xf32>
      tpu.vector_store %arg15[%swap3A_279, %swap3A_280], %swap3A_283 {strides = array<i32>} : memref<40x128xf32, #tpu.memory_space<vmem>>, vector<1x16xf32>,
      %get3A_284 = arith.index_cast %scan3A_211 : i32 to index
      %get3A_285 = arith.constant 80 : index
      %get3A_286 = tpu.vector_load %arg11[%get3A_284, %get3A_285] {strides = array<i32>} : memref<40x128xf32, #tpu.memory_space<vmem>>, vector<1x16xf32>,
      %get3A_287 = vector.shape_cast %get3A_286 : vector<1x16xf32> to vector<16xf32>
      %get3A_288 = arith.index_cast %scan3A_211 : i32 to index
      %get3A_289 = arith.constant 80 : index
      %get3A_290 = tpu.vector_load %arg13[%get3A_288, %get3A_289] {strides = array<i32>} : memref<40x128xf32, #tpu.memory_space<vmem>>, vector<1x16xf32>,
      %get3A_291 = vector.shape_cast %get3A_290 : vector<1x16xf32> to vector<16xf32>
      %add3A_292 = arith.addf %get3A_287, %get3A_291 : vector<16xf32>
      %max3A_293 = arith.maximumf %add3A_292, %broadcast_in_dim3A_164 : vector<16xf32>
      %swap3A_294 = arith.index_cast %scan3A_211 : i32 to index
      %swap3A_295 = arith.constant 80 : index
      %swap3A_296 = tpu.vector_load %arg15[%swap3A_294, %swap3A_295] {strides = array<i32>} : memref<40x128xf32, #tpu.memory_space<vmem>>, vector<1x16xf32>,
      %swap3A_297 = vector.shape_cast %swap3A_296 : vector<1x16xf32> to vector<16xf32>
      %swap3A_298 = vector.shape_cast %max3A_293 : vector<16xf32> to vector<1x16xf32>
      tpu.vector_store %arg15[%swap3A_294, %swap3A_295], %swap3A_298 {strides = array<i32>} : memref<40x128xf32, #tpu.memory_space<vmem>>, vector<1x16xf32>,
      %get3A_299 = arith.index_cast %scan3A_211 : i32 to index
      %get3A_300 = arith.constant 96 : index
      %get3A_301 = tpu.vector_load %arg11[%get3A_299, %get3A_300] {strides = array<i32>} : memref<40x128xf32, #tpu.memory_space<vmem>>, vector<1x16xf32>,
      %get3A_302 = vector.shape_cast %get3A_301 : vector<1x16xf32> to vector<16xf32>
      %get3A_303 = arith.index_cast %scan3A_211 : i32 to index
      %get3A_304 = arith.constant 96 : index
      %get3A_305 = tpu.vector_load %arg13[%get3A_303, %get3A_304] {strides = array<i32>} : memref<40x128xf32, #tpu.memory_space<vmem>>, vector<1x16xf32>,
      %get3A_306 = vector.shape_cast %get3A_305 : vector<1x16xf32> to vector<16xf32>
      %add3A_307 = arith.addf %get3A_302, %get3A_306 : vector<16xf32>
      %max3A_308 = arith.maximumf %add3A_307, %broadcast_in_dim3A_164 : vector<16xf32>
      %swap3A_309 = arith.index_cast %scan3A_211 : i32 to index
      %swap3A_310 = arith.constant 96 : index
      %swap3A_311 = tpu.vector_load %arg15[%swap3A_309, %swap3A_310] {strides = array<i32>} : memref<40x128xf32, #tpu.memory_space<vmem>>, vector<1x16xf32>,
      %swap3A_312 = vector.shape_cast %swap3A_311 : vector<1x16xf32> to vector<16xf32>
      %swap3A_313 = vector.shape_cast %max3A_308 : vector<16xf32> to vector<1x16xf32>
      tpu.vector_store %arg15[%swap3A_309, %swap3A_310], %swap3A_313 {strides = array<i32>} : memref<40x128xf32, #tpu.memory_space<vmem>>, vector<1x16xf32>,
      %get3A_314 = arith.index_cast %scan3A_211 : i32 to index
      %get3A_315 = arith.constant 112 : index
      %get3A_316 = tpu.vector_load %arg11[%get3A_314, %get3A_315] {strides = array<i32>} : memref<40x128xf32, #tpu.memory_space<vmem>>, vector<1x16xf32>,
      %get3A_317 = vector.shape_cast %get3A_316 : vector<1x16xf32> to vector<16xf32>
      %get3A_318 = arith.index_cast %scan3A_211 : i32 to index
      %get3A_319 = arith.constant 112 : index
      %get3A_320 = tpu.vector_load %arg13[%get3A_318, %get3A_319] {strides = array<i32>} : memref<40x128xf32, #tpu.memory_space<vmem>>, vector<1x16xf32>,
      %get3A_321 = vector.shape_cast %get3A_320 : vector<1x16xf32> to vector<16xf32>
      %add3A_322 = arith.addf %get3A_317, %get3A_321 : vector<16xf32>
      %max3A_323 = arith.maximumf %add3A_322, %broadcast_in_dim3A_164 : vector<16xf32>
      %swap3A_324 = arith.index_cast %scan3A_211 : i32 to index
      %swap3A_325 = arith.constant 112 : index
      %swap3A_326 = tpu.vector_load %arg15[%swap3A_324, %swap3A_325] {strides = array<i32>} : memref<40x128xf32, #tpu.memory_space<vmem>>, vector<1x16xf32>,
      %swap3A_327 = vector.shape_cast %swap3A_326 : vector<1x16xf32> to vector<16xf32>
      %swap3A_328 = vector.shape_cast %max3A_323 : vector<16xf32> to vector<1x16xf32>
      tpu.vector_store %arg15[%swap3A_324, %swap3A_325], %swap3A_328 {strides = array<i32>} : memref<40x128xf32, #tpu.memory_space<vmem>>, vector<1x16xf32>,
    }
    %scan3A_170 = arith.constant 40 : i32
    %dma_start3A_171 = arith.constant 0 : i32
    %dma_start3A_172 = arith.constant 0 : i32
    %dma_start3A_173 = tpu.memref_slice %arg7[%dma_start3A_171, %dma_start3A_172] : memref<10240x128xf32, #tpu.memory_space<vmem_shared>> -> memref<10240x128xf32, #tpu.memory_space<vmem_shared>>
    tpu.enqueue_indirect_dma source(%arg15 : memref<40x128xf32, #tpu.memory_space<vmem>>) target(%dma_start3A_173 : memref<10240x128xf32, #tpu.memory_space<vmem_shared>>) offsets(%arg9 : memref<40xi32, #tpu.memory_space<vmem>>) semaphore(%arg21 : memref<!tpu.dma_semaphore, #tpu.memory_space<semaphore_mem>>) {add = true}
    %dma_wait3A_174 = arith.constant 0 : i32
    %dma_wait3A_175 = arith.constant 0 : i32
    %dma_wait3A_176 = tpu.memref_slice %arg7[%dma_wait3A_174, %dma_wait3A_175] : memref<10240x128xf32, #tpu.memory_space<vmem_shared>> -> memref<10240x128xf32, #tpu.memory_space<vmem_shared>>
    tpu.wait_indirect_dma semaphore(%arg22 : memref<!tpu.dma_semaphore, #tpu.memory_space<semaphore_mem>>) src(%arg16 : memref<40x128xf32, #tpu.memory_space<vmem>>) dst(%dma_wait3A_176 : memref<10240x128xf32, #tpu.memory_space<vmem_shared>>)
    %add3A_177 = arith.constant 9960 : i32
    %add3A_178 = arith.addi %mul3A_4, %add3A_177 : i32
    %dma_wait3A_179 = arith.constant 9960 : i32
    %dma_wait3A_180 = tpu.memref_slice %arg8[%dma_wait3A_179] : memref<10000xi32, #tpu.memory_space<vmem>> -> memref<40xi32, #tpu.memory_space<vmem>>
    %dma_wait3A_181 = arith.constant 0 : i32
    %dma_wait3A_182 = arith.constant 0 : i32
    %dma_wait3A_183 = tpu.memref_slice %arg2[%dma_wait3A_181, %dma_wait3A_182] : memref<10000x128xf32, #tpu.memory_space<hbm>> -> memref<10000x128xf32, #tpu.memory_space<hbm>>
    tpu.wait_indirect_dma semaphore(%arg18 : memref<!tpu.dma_semaphore, #tpu.memory_space<semaphore_mem>>) src(%dma_wait3A_183 : memref<10000x128xf32, #tpu.memory_space<hbm>>) dst(%arg12 : memref<40x128xf32, #tpu.memory_space<vmem>>)
    %dma_wait3A_184 = arith.constant 0 : i32
    %dma_wait3A_185 = tpu.memref_slice %arg3[%add3A_178, %dma_wait3A_184] : memref<320000x128xf32, #tpu.memory_space<hbm>> -> memref<40x128xf32, #tpu.memory_space<hbm>>
    %dma_wait3A_186 = arith.constant 0 : i32
    %dma_wait3A_187 = tpu.memref_slice %arg3[%add3A_178, %dma_wait3A_186] : memref<320000x128xf32, #tpu.memory_space<hbm>> -> memref<40x128xf32, #tpu.memory_space<hbm>>
    tpu.wait_dma2 semaphore(%arg20 : memref<!tpu.dma_semaphore, #tpu.memory_space<semaphore_mem>>) src(%dma_wait3A_187 : memref<40x128xf32, #tpu.memory_space<hbm>>) dst(%arg14 : memref<40x128xf32, #tpu.memory_space<vmem>>)
    %dma_wait3A_188 = tpu.memref_slice %arg5[%add3A_178] : memref<320000xi32, #tpu.memory_space<hbm>> -> memref<40xi32, #tpu.memory_space<hbm>>
    %dma_wait3A_189 = tpu.memref_slice %arg5[%add3A_178] : memref<320000xi32, #tpu.memory_space<hbm>> -> memref<40xi32, #tpu.memory_space<hbm>>
    tpu.wait_dma2 semaphore(%arg24 : memref<!tpu.dma_semaphore, #tpu.memory_space<semaphore_mem>>) src(%dma_wait3A_189 : memref<40xi32, #tpu.memory_space<hbm>>) dst(%arg10 : memref<40xi32, #tpu.memory_space<vmem>>)
    %broadcast_in_dim3A_190 = arith.constant 0.000000e+00 : f32
    %broadcast_in_dim3A_191 = vector.broadcast %broadcast_in_dim3A_190 : f32 to vector<16xf32>
    %scan3A_192 = arith.constant 0 : i32
    %scan3A_193 = arith.constant 0 : i32
    %scan3A_194 = arith.constant 40 : i32
    %scan3A_195 = arith.addi %scan3A_193, %scan3A_194 : i32
    %scan3A_196 = arith.constant 1 : i32
    scf.for %scan3A_211 = %scan3A_193 to %scan3A_195 step %scan3A_196  : i32 {
      %get3A = arith.index_cast %scan3A_211 : i32 to index
      %get3A_212 = arith.constant 0 : index
      %get3A_213 = tpu.vector_load %arg12[%get3A, %get3A_212] {strides = array<i32>} : memref<40x128xf32, #tpu.memory_space<vmem>>, vector<1x16xf32>,
      %get3A_214 = vector.shape_cast %get3A_213 : vector<1x16xf32> to vector<16xf32>
      %get3A_215 = arith.index_cast %scan3A_211 : i32 to index
      %get3A_216 = arith.constant 0 : index
      %get3A_217 = tpu.vector_load %arg14[%get3A_215, %get3A_216] {strides = array<i32>} : memref<40x128xf32, #tpu.memory_space<vmem>>, vector<1x16xf32>,
      %get3A_218 = vector.shape_cast %get3A_217 : vector<1x16xf32> to vector<16xf32>
      %add3A_219 = arith.addf %get3A_214, %get3A_218 : vector<16xf32>
      %max3A = arith.maximumf %add3A_219, %broadcast_in_dim3A_191 : vector<16xf32>
      %swap3A = arith.index_cast %scan3A_211 : i32 to index
      %swap3A_220 = arith.constant 0 : index
      %swap3A_221 = tpu.vector_load %arg16[%swap3A, %swap3A_220] {strides = array<i32>} : memref<40x128xf32, #tpu.memory_space<vmem>>, vector<1x16xf32>,
      %swap3A_222 = vector.shape_cast %swap3A_221 : vector<1x16xf32> to vector<16xf32>
      %swap3A_223 = vector.shape_cast %max3A : vector<16xf32> to vector<1x16xf32>
      tpu.vector_store %arg16[%swap3A, %swap3A_220], %swap3A_223 {strides = array<i32>} : memref<40x128xf32, #tpu.memory_space<vmem>>, vector<1x16xf32>,
      %get3A_224 = arith.index_cast %scan3A_211 : i32 to index
      %get3A_225 = arith.constant 16 : index
      %get3A_226 = tpu.vector_load %arg12[%get3A_224, %get3A_225] {strides = array<i32>} : memref<40x128xf32, #tpu.memory_space<vmem>>, vector<1x16xf32>,
      %get3A_227 = vector.shape_cast %get3A_226 : vector<1x16xf32> to vector<16xf32>
      %get3A_228 = arith.index_cast %scan3A_211 : i32 to index
      %get3A_229 = arith.constant 16 : index
      %get3A_230 = tpu.vector_load %arg14[%get3A_228, %get3A_229] {strides = array<i32>} : memref<40x128xf32, #tpu.memory_space<vmem>>, vector<1x16xf32>,
      %get3A_231 = vector.shape_cast %get3A_230 : vector<1x16xf32> to vector<16xf32>
      %add3A_232 = arith.addf %get3A_227, %get3A_231 : vector<16xf32>
      %max3A_233 = arith.maximumf %add3A_232, %broadcast_in_dim3A_191 : vector<16xf32>
      %swap3A_234 = arith.index_cast %scan3A_211 : i32 to index
      %swap3A_235 = arith.constant 16 : index
      %swap3A_236 = tpu.vector_load %arg16[%swap3A_234, %swap3A_235] {strides = array<i32>} : memref<40x128xf32, #tpu.memory_space<vmem>>, vector<1x16xf32>,
      %swap3A_237 = vector.shape_cast %swap3A_236 : vector<1x16xf32> to vector<16xf32>
      %swap3A_238 = vector.shape_cast %max3A_233 : vector<16xf32> to vector<1x16xf32>
      tpu.vector_store %arg16[%swap3A_234, %swap3A_235], %swap3A_238 {strides = array<i32>} : memref<40x128xf32, #tpu.memory_space<vmem>>, vector<1x16xf32>,
      %get3A_239 = arith.index_cast %scan3A_211 : i32 to index
      %get3A_240 = arith.constant 32 : index
      %get3A_241 = tpu.vector_load %arg12[%get3A_239, %get3A_240] {strides = array<i32>} : memref<40x128xf32, #tpu.memory_space<vmem>>, vector<1x16xf32>,
      %get3A_242 = vector.shape_cast %get3A_241 : vector<1x16xf32> to vector<16xf32>
      %get3A_243 = arith.index_cast %scan3A_211 : i32 to index
      %get3A_244 = arith.constant 32 : index
      %get3A_245 = tpu.vector_load %arg14[%get3A_243, %get3A_244] {strides = array<i32>} : memref<40x128xf32, #tpu.memory_space<vmem>>, vector<1x16xf32>,
      %get3A_246 = vector.shape_cast %get3A_245 : vector<1x16xf32> to vector<16xf32>
      %add3A_247 = arith.addf %get3A_242, %get3A_246 : vector<16xf32>
      %max3A_248 = arith.maximumf %add3A_247, %broadcast_in_dim3A_191 : vector<16xf32>
      %swap3A_249 = arith.index_cast %scan3A_211 : i32 to index
      %swap3A_250 = arith.constant 32 : index
      %swap3A_251 = tpu.vector_load %arg16[%swap3A_249, %swap3A_250] {strides = array<i32>} : memref<40x128xf32, #tpu.memory_space<vmem>>, vector<1x16xf32>,
      %swap3A_252 = vector.shape_cast %swap3A_251 : vector<1x16xf32> to vector<16xf32>
      %swap3A_253 = vector.shape_cast %max3A_248 : vector<16xf32> to vector<1x16xf32>
      tpu.vector_store %arg16[%swap3A_249, %swap3A_250], %swap3A_253 {strides = array<i32>} : memref<40x128xf32, #tpu.memory_space<vmem>>, vector<1x16xf32>,
      %get3A_254 = arith.index_cast %scan3A_211 : i32 to index
      %get3A_255 = arith.constant 48 : index
      %get3A_256 = tpu.vector_load %arg12[%get3A_254, %get3A_255] {strides = array<i32>} : memref<40x128xf32, #tpu.memory_space<vmem>>, vector<1x16xf32>,
      %get3A_257 = vector.shape_cast %get3A_256 : vector<1x16xf32> to vector<16xf32>
      %get3A_258 = arith.index_cast %scan3A_211 : i32 to index
      %get3A_259 = arith.constant 48 : index
      %get3A_260 = tpu.vector_load %arg14[%get3A_258, %get3A_259] {strides = array<i32>} : memref<40x128xf32, #tpu.memory_space<vmem>>, vector<1x16xf32>,
      %get3A_261 = vector.shape_cast %get3A_260 : vector<1x16xf32> to vector<16xf32>
      %add3A_262 = arith.addf %get3A_257, %get3A_261 : vector<16xf32>
      %max3A_263 = arith.maximumf %add3A_262, %broadcast_in_dim3A_191 : vector<16xf32>
      %swap3A_264 = arith.index_cast %scan3A_211 : i32 to index
      %swap3A_265 = arith.constant 48 : index
      %swap3A_266 = tpu.vector_load %arg16[%swap3A_264, %swap3A_265] {strides = array<i32>} : memref<40x128xf32, #tpu.memory_space<vmem>>, vector<1x16xf32>,
      %swap3A_267 = vector.shape_cast %swap3A_266 : vector<1x16xf32> to vector<16xf32>
      %swap3A_268 = vector.shape_cast %max3A_263 : vector<16xf32> to vector<1x16xf32>
      tpu.vector_store %arg16[%swap3A_264, %swap3A_265], %swap3A_268 {strides = array<i32>} : memref<40x128xf32, #tpu.memory_space<vmem>>, vector<1x16xf32>,
      %get3A_269 = arith.index_cast %scan3A_211 : i32 to index
      %get3A_270 = arith.constant 64 : index
      %get3A_271 = tpu.vector_load %arg12[%get3A_269, %get3A_270] {strides = array<i32>} : memref<40x128xf32, #tpu.memory_space<vmem>>, vector<1x16xf32>,
      %get3A_272 = vector.shape_cast %get3A_271 : vector<1x16xf32> to vector<16xf32>
      %get3A_273 = arith.index_cast %scan3A_211 : i32 to index
      %get3A_274 = arith.constant 64 : index
      %get3A_275 = tpu.vector_load %arg14[%get3A_273, %get3A_274] {strides = array<i32>} : memref<40x128xf32, #tpu.memory_space<vmem>>, vector<1x16xf32>,
      %get3A_276 = vector.shape_cast %get3A_275 : vector<1x16xf32> to vector<16xf32>
      %add3A_277 = arith.addf %get3A_272, %get3A_276 : vector<16xf32>
      %max3A_278 = arith.maximumf %add3A_277, %broadcast_in_dim3A_191 : vector<16xf32>
      %swap3A_279 = arith.index_cast %scan3A_211 : i32 to index
      %swap3A_280 = arith.constant 64 : index
      %swap3A_281 = tpu.vector_load %arg16[%swap3A_279, %swap3A_280] {strides = array<i32>} : memref<40x128xf32, #tpu.memory_space<vmem>>, vector<1x16xf32>,
      %swap3A_282 = vector.shape_cast %swap3A_281 : vector<1x16xf32> to vector<16xf32>
      %swap3A_283 = vector.shape_cast %max3A_278 : vector<16xf32> to vector<1x16xf32>
      tpu.vector_store %arg16[%swap3A_279, %swap3A_280], %swap3A_283 {strides = array<i32>} : memref<40x128xf32, #tpu.memory_space<vmem>>, vector<1x16xf32>,
      %get3A_284 = arith.index_cast %scan3A_211 : i32 to index
      %get3A_285 = arith.constant 80 : index
      %get3A_286 = tpu.vector_load %arg12[%get3A_284, %get3A_285] {strides = array<i32>} : memref<40x128xf32, #tpu.memory_space<vmem>>, vector<1x16xf32>,
      %get3A_287 = vector.shape_cast %get3A_286 : vector<1x16xf32> to vector<16xf32>
      %get3A_288 = arith.index_cast %scan3A_211 : i32 to index
      %get3A_289 = arith.constant 80 : index
      %get3A_290 = tpu.vector_load %arg14[%get3A_288, %get3A_289] {strides = array<i32>} : memref<40x128xf32, #tpu.memory_space<vmem>>, vector<1x16xf32>,
      %get3A_291 = vector.shape_cast %get3A_290 : vector<1x16xf32> to vector<16xf32>
      %add3A_292 = arith.addf %get3A_287, %get3A_291 : vector<16xf32>
      %max3A_293 = arith.maximumf %add3A_292, %broadcast_in_dim3A_191 : vector<16xf32>
      %swap3A_294 = arith.index_cast %scan3A_211 : i32 to index
      %swap3A_295 = arith.constant 80 : index
      %swap3A_296 = tpu.vector_load %arg16[%swap3A_294, %swap3A_295] {strides = array<i32>} : memref<40x128xf32, #tpu.memory_space<vmem>>, vector<1x16xf32>,
      %swap3A_297 = vector.shape_cast %swap3A_296 : vector<1x16xf32> to vector<16xf32>
      %swap3A_298 = vector.shape_cast %max3A_293 : vector<16xf32> to vector<1x16xf32>
      tpu.vector_store %arg16[%swap3A_294, %swap3A_295], %swap3A_298 {strides = array<i32>} : memref<40x128xf32, #tpu.memory_space<vmem>>, vector<1x16xf32>,
      %get3A_299 = arith.index_cast %scan3A_211 : i32 to index
      %get3A_300 = arith.constant 96 : index
      %get3A_301 = tpu.vector_load %arg12[%get3A_299, %get3A_300] {strides = array<i32>} : memref<40x128xf32, #tpu.memory_space<vmem>>, vector<1x16xf32>,
      %get3A_302 = vector.shape_cast %get3A_301 : vector<1x16xf32> to vector<16xf32>
      %get3A_303 = arith.index_cast %scan3A_211 : i32 to index
      %get3A_304 = arith.constant 96 : index
      %get3A_305 = tpu.vector_load %arg14[%get3A_303, %get3A_304] {strides = array<i32>} : memref<40x128xf32, #tpu.memory_space<vmem>>, vector<1x16xf32>,
      %get3A_306 = vector.shape_cast %get3A_305 : vector<1x16xf32> to vector<16xf32>
      %add3A_307 = arith.addf %get3A_302, %get3A_306 : vector<16xf32>
      %max3A_308 = arith.maximumf %add3A_307, %broadcast_in_dim3A_191 : vector<16xf32>
      %swap3A_309 = arith.index_cast %scan3A_211 : i32 to index
      %swap3A_310 = arith.constant 96 : index
      %swap3A_311 = tpu.vector_load %arg16[%swap3A_309, %swap3A_310] {strides = array<i32>} : memref<40x128xf32, #tpu.memory_space<vmem>>, vector<1x16xf32>,
      %swap3A_312 = vector.shape_cast %swap3A_311 : vector<1x16xf32> to vector<16xf32>
      %swap3A_313 = vector.shape_cast %max3A_308 : vector<16xf32> to vector<1x16xf32>
      tpu.vector_store %arg16[%swap3A_309, %swap3A_310], %swap3A_313 {strides = array<i32>} : memref<40x128xf32, #tpu.memory_space<vmem>>, vector<1x16xf32>,
      %get3A_314 = arith.index_cast %scan3A_211 : i32 to index
      %get3A_315 = arith.constant 112 : index
      %get3A_316 = tpu.vector_load %arg12[%get3A_314, %get3A_315] {strides = array<i32>} : memref<40x128xf32, #tpu.memory_space<vmem>>, vector<1x16xf32>,
      %get3A_317 = vector.shape_cast %get3A_316 : vector<1x16xf32> to vector<16xf32>
      %get3A_318 = arith.index_cast %scan3A_211 : i32 to index
      %get3A_319 = arith.constant 112 : index
      %get3A_320 = tpu.vector_load %arg14[%get3A_318, %get3A_319] {strides = array<i32>} : memref<40x128xf32, #tpu.memory_space<vmem>>, vector<1x16xf32>,
      %get3A_321 = vector.shape_cast %get3A_320 : vector<1x16xf32> to vector<16xf32>
      %add3A_322 = arith.addf %get3A_317, %get3A_321 : vector<16xf32>
      %max3A_323 = arith.maximumf %add3A_322, %broadcast_in_dim3A_191 : vector<16xf32>
      %swap3A_324 = arith.index_cast %scan3A_211 : i32 to index
      %swap3A_325 = arith.constant 112 : index
      %swap3A_326 = tpu.vector_load %arg16[%swap3A_324, %swap3A_325] {strides = array<i32>} : memref<40x128xf32, #tpu.memory_space<vmem>>, vector<1x16xf32>,
      %swap3A_327 = vector.shape_cast %swap3A_326 : vector<1x16xf32> to vector<16xf32>
      %swap3A_328 = vector.shape_cast %max3A_323 : vector<16xf32> to vector<1x16xf32>
      tpu.vector_store %arg16[%swap3A_324, %swap3A_325], %swap3A_328 {strides = array<i32>} : memref<40x128xf32, #tpu.memory_space<vmem>>, vector<1x16xf32>,
    }
    %scan3A_197 = arith.constant 40 : i32
    %dma_start3A_198 = arith.constant 0 : i32
    %dma_start3A_199 = arith.constant 0 : i32
    %dma_start3A_200 = tpu.memref_slice %arg7[%dma_start3A_198, %dma_start3A_199] : memref<10240x128xf32, #tpu.memory_space<vmem_shared>> -> memref<10240x128xf32, #tpu.memory_space<vmem_shared>>
    tpu.enqueue_indirect_dma source(%arg16 : memref<40x128xf32, #tpu.memory_space<vmem>>) target(%dma_start3A_200 : memref<10240x128xf32, #tpu.memory_space<vmem_shared>>) offsets(%arg10 : memref<40xi32, #tpu.memory_space<vmem>>) semaphore(%arg22 : memref<!tpu.dma_semaphore, #tpu.memory_space<semaphore_mem>>) {add = true}
    %dma_wait3A_201 = arith.constant 0 : i32
    %dma_wait3A_202 = arith.constant 0 : i32
    %dma_wait3A_203 = tpu.memref_slice %arg7[%dma_wait3A_201, %dma_wait3A_202] : memref<10240x128xf32, #tpu.memory_space<vmem_shared>> -> memref<10240x128xf32, #tpu.memory_space<vmem_shared>>
    tpu.wait_indirect_dma semaphore(%arg21 : memref<!tpu.dma_semaphore, #tpu.memory_space<semaphore_mem>>) src(%arg15 : memref<40x128xf32, #tpu.memory_space<vmem>>) dst(%dma_wait3A_203 : memref<10240x128xf32, #tpu.memory_space<vmem_shared>>)
    %dma_wait3A_204 = arith.constant 0 : i32
    %dma_wait3A_205 = arith.constant 0 : i32
    %dma_wait3A_206 = tpu.memref_slice %arg7[%dma_wait3A_204, %dma_wait3A_205] : memref<10240x128xf32, #tpu.memory_space<vmem_shared>> -> memref<10240x128xf32, #tpu.memory_space<vmem_shared>>
    tpu.wait_indirect_dma semaphore(%arg22 : memref<!tpu.dma_semaphore, #tpu.memory_space<semaphore_mem>>) src(%arg16 : memref<40x128xf32, #tpu.memory_space<vmem>>) dst(%dma_wait3A_206 : memref<10240x128xf32, #tpu.memory_space<vmem_shared>>)
    %barrier3A_207 = arith.constant 0 : index
    tpu.barrier barrier_id(%barrier3A_207)
    %mul3A_208 = arith.constant 10240 : i32
    %mul3A_209 = arith.muli %arg0, %mul3A_208 : i32
    %add3A_210 = arith.addi %mul3A_209, %mul3A_2 : i32
    "tpu.region"() ({
      %run_scoped3A = tpu.sem_alloc : memref<!tpu.dma_semaphore, #tpu.memory_space<semaphore_mem>>
      %dma_start3A_211 = arith.constant 0 : i32
      %dma_start3A_212 = tpu.memref_slice %arg6[%add3A_210, %dma_start3A_211] : memref<20480x128xf32, #tpu.memory_space<hbm>> -> memref<640x128xf32, #tpu.memory_space<hbm>>
      %dma_start3A_213 = arith.constant 0 : i32
      %dma_start3A_214 = tpu.memref_slice %arg7[%mul3A_2, %dma_start3A_213] : memref<10240x128xf32, #tpu.memory_space<vmem_shared>> -> memref<640x128xf32, #tpu.memory_space<vmem_shared>>
      tpu.enqueue_dma source(%dma_start3A_214 : memref<640x128xf32, #tpu.memory_space<vmem_shared>>) target(%dma_start3A_212 : memref<640x128xf32, #tpu.memory_space<hbm>>) target_semaphore(%run_scoped3A : memref<!tpu.dma_semaphore, #tpu.memory_space<semaphore_mem>>)
      %dma_wait3A_215 = arith.constant 0 : i32
      %dma_wait3A_216 = tpu.memref_slice %arg6[%add3A_210, %dma_wait3A_215] : memref<20480x128xf32, #tpu.memory_space<hbm>> -> memref<640x128xf32, #tpu.memory_space<hbm>>
      %dma_wait3A_217 = arith.constant 0 : i32
      %dma_wait3A_218 = tpu.memref_slice %arg7[%mul3A_2, %dma_wait3A_217] : memref<10240x128xf32, #tpu.memory_space<vmem_shared>> -> memref<640x128xf32, #tpu.memory_space<vmem_shared>>
      tpu.wait_dma2 semaphore(%run_scoped3A : memref<!tpu.dma_semaphore, #tpu.memory_space<semaphore_mem>>) src(%dma_wait3A_218 : memref<640x128xf32, #tpu.memory_space<vmem_shared>>) dst(%dma_wait3A_216 : memref<640x128xf32, #tpu.memory_space<hbm>>)
      tpu.yield
    }) : () -> ()
    return
  }
}

module attributes {stable_mosaic.version = 14 : i64} {
  func.func @_edge_tf_body(%arg0: i32, %arg1: memref<4000x16xf32, #tpu.memory_space<vmem>>, %arg2: memref<16x128xf32, #tpu.memory_space<vmem>>, %arg3: memref<1x128xf32, #tpu.memory_space<vmem>>, %arg4: memref<4000x128xf32, #tpu.memory_space<vmem>>) attributes {dimension_semantics = [#tpu.dimension_semantics<arbitrary>], iteration_bounds = array<i64: 80>, scalar_prefetch = 0 : i64, scratch_operands = 0 : i64, tpu.core_type = #tpu.core_type<tc>, window_params = [{transform_indices = @transform_0, window_bounds = array<i64: 4000, 16>}, {pipeline_mode = #tpu.pipeline_mode<synchronous>, transform_indices = @transform_1, window_bounds = array<i64: 16, 128>}, {pipeline_mode = #tpu.pipeline_mode<synchronous>, transform_indices = @transform_2, window_bounds = array<i64: 1, 128>}, {transform_indices = @transform_3, window_bounds = array<i64: 4000, 128>}]} {
    %get3A = arith.constant 0 : index
    %get3A_0 = arith.constant 0 : index
    %get3A_1 = vector.load %arg1[%get3A, %get3A_0] : memref<4000x16xf32, #tpu.memory_space<vmem>>, vector<4000x16xf32>
    %get3A_2 = arith.constant 0 : index
    %get3A_3 = arith.constant 0 : index
    %get3A_4 = vector.load %arg2[%get3A_2, %get3A_3] : memref<16x128xf32, #tpu.memory_space<vmem>>, vector<16x128xf32>
    %dot_general3A = arith.constant dense<0.000000e+00> : vector<4000x128xf32>
    %dot_general3A_5 = tpu.matmul %get3A_1, %get3A_4, %dot_general3A {dimension_numbers = #tpu.dot_dimension_numbers<[1], [0], [0], [1], [0, 0, 1, 1], [], []>, transpose_lhs_hint = false} : vector<4000x16xf32>, vector<16x128xf32>, vector<4000x128xf32> -> vector<4000x128xf32>
    %get3A_6 = arith.constant 0 : index
    %get3A_7 = arith.constant 0 : index
    %get3A_8 = vector.load %arg3[%get3A_6, %get3A_7] : memref<1x128xf32, #tpu.memory_space<vmem>>, vector<1x128xf32>
    %add3A = vector.broadcast %get3A_8 : vector<1x128xf32> to vector<4000x128xf32>
    %add3A_9 = arith.addf %dot_general3A_5, %add3A : vector<4000x128xf32>
    %swap3A = arith.constant 0 : index
    %swap3A_10 = arith.constant 0 : index
    %swap3A_11 = vector.load %arg4[%swap3A, %swap3A_10] : memref<4000x128xf32, #tpu.memory_space<vmem>>, vector<4000x128xf32>
    tpu.vector_store %arg4[%swap3A, %swap3A_10], %add3A_9 {strides = array<i32>} : memref<4000x128xf32, #tpu.memory_space<vmem>>, vector<4000x128xf32>,
    return
  }
  func.func @transform_0(%arg0: i32) -> (i32, i32) {
    %c0_i32 = arith.constant 0 : i32
    %c0_i32_0 = arith.constant 0 : i32
    return %arg0, %c0_i32 : i32, i32
  }
  func.func @transform_1(%arg0: i32) -> (i32, i32) {
    %c0_i32 = arith.constant 0 : i32
    %c0_i32_0 = arith.constant 0 : i32
    %c0_i32_1 = arith.constant 0 : i32
    return %c0_i32, %c0_i32_0 : i32, i32
  }
  func.func @transform_2(%arg0: i32) -> (i32, i32) {
    %c0_i32 = arith.constant 0 : i32
    %c0_i32_0 = arith.constant 0 : i32
    %c0_i32_1 = arith.constant 0 : i32
    return %c0_i32, %c0_i32_0 : i32, i32
  }
  func.func @transform_3(%arg0: i32) -> (i32, i32) {
    %c0_i32 = arith.constant 0 : i32
    %c0_i32_0 = arith.constant 0 : i32
    return %arg0, %c0_i32 : i32, i32
  }
}

module attributes {stable_mosaic.version = 14 : i64} {
  func.func @_dense_body(%arg0: memref<10000x128xf32, #tpu.memory_space<vmem>>, %arg1: memref<20480x128xf32, #tpu.memory_space<vmem>>, %arg2: memref<128x128xf32, #tpu.memory_space<vmem>>, %arg3: memref<1x128xf32, #tpu.memory_space<vmem>>, %arg4: memref<128x128xf32, #tpu.memory_space<vmem>>, %arg5: memref<1x128xf32, #tpu.memory_space<vmem>>, %arg6: memref<1x128xf32, #tpu.memory_space<vmem>>, %arg7: memref<1x128xf32, #tpu.memory_space<vmem>>, %arg8: memref<10000x128xf32, #tpu.memory_space<vmem>>) attributes {dimension_semantics = [], scalar_prefetch = 0 : i64, scratch_operands = 0 : i64, tpu.core_type = #tpu.core_type<tc>} {
    %get3A = arith.constant 0 : index
    %get3A_0 = arith.constant 0 : index
    %get3A_1 = vector.load %arg0[%get3A, %get3A_0] : memref<10000x128xf32, #tpu.memory_space<vmem>>, vector<10000x128xf32>
    %get3A_2 = arith.constant 0 : index
    %get3A_3 = arith.constant 0 : index
    %get3A_4 = vector.load %arg1[%get3A_2, %get3A_3] : memref<20480x128xf32, #tpu.memory_space<vmem>>, vector<10000x128xf32>
    %add3A = arith.addf %get3A_1, %get3A_4 : vector<10000x128xf32>
    %get3A_5 = arith.constant 10240 : index
    %get3A_6 = arith.constant 0 : index
    %get3A_7 = vector.load %arg1[%get3A_5, %get3A_6] : memref<20480x128xf32, #tpu.memory_space<vmem>>, vector<10000x128xf32>
    %add3A_8 = arith.addf %add3A, %get3A_7 : vector<10000x128xf32>
    %get3A_9 = arith.constant 0 : index
    %get3A_10 = arith.constant 0 : index
    %get3A_11 = vector.load %arg2[%get3A_9, %get3A_10] : memref<128x128xf32, #tpu.memory_space<vmem>>, vector<128x128xf32>
    %dot_general3A = arith.constant dense<0.000000e+00> : vector<10000x128xf32>
    %dot_general3A_12 = tpu.matmul %add3A_8, %get3A_11, %dot_general3A {dimension_numbers = #tpu.dot_dimension_numbers<[1], [0], [0], [1], [0, 0, 1, 1], [], []>, transpose_lhs_hint = false} : vector<10000x128xf32>, vector<128x128xf32>, vector<10000x128xf32> -> vector<10000x128xf32>
    %get3A_13 = arith.constant 0 : index
    %get3A_14 = arith.constant 0 : index
    %get3A_15 = vector.load %arg3[%get3A_13, %get3A_14] : memref<1x128xf32, #tpu.memory_space<vmem>>, vector<1x128xf32>
    %add3A_16 = vector.broadcast %get3A_15 : vector<1x128xf32> to vector<10000x128xf32>
    %add3A_17 = arith.addf %dot_general3A_12, %add3A_16 : vector<10000x128xf32>
    %max3A = arith.constant 0.000000e+00 : f32
    %max3A_18 = vector.broadcast %max3A : f32 to vector<10000x128xf32>
    %max3A_19 = arith.maximumf %add3A_17, %max3A_18 : vector<10000x128xf32>
    %get3A_20 = arith.constant 0 : index
    %get3A_21 = arith.constant 0 : index
    %get3A_22 = vector.load %arg4[%get3A_20, %get3A_21] : memref<128x128xf32, #tpu.memory_space<vmem>>, vector<128x128xf32>
    %dot_general3A_23 = arith.constant dense<0.000000e+00> : vector<10000x128xf32>
    %dot_general3A_24 = tpu.matmul %max3A_19, %get3A_22, %dot_general3A_23 {dimension_numbers = #tpu.dot_dimension_numbers<[1], [0], [0], [1], [0, 0, 1, 1], [], []>, transpose_lhs_hint = false} : vector<10000x128xf32>, vector<128x128xf32>, vector<10000x128xf32> -> vector<10000x128xf32>
    %get3A_25 = arith.constant 0 : index
    %get3A_26 = arith.constant 0 : index
    %get3A_27 = vector.load %arg5[%get3A_25, %get3A_26] : memref<1x128xf32, #tpu.memory_space<vmem>>, vector<1x128xf32>
    %add3A_28 = vector.broadcast %get3A_27 : vector<1x128xf32> to vector<10000x128xf32>
    %add3A_29 = arith.addf %dot_general3A_24, %add3A_28 : vector<10000x128xf32>
    %reduce_sum3A = arith.constant dense<0.000000e+00> : vector<128xf32>
    %reduce_sum3A_30 = vector.multi_reduction <add>, %add3A_29, %reduce_sum3A [0] : vector<10000x128xf32> to vector<128xf32>
    %broadcast_in_dim3A = vector.shape_cast %reduce_sum3A_30 : vector<128xf32> to vector<1x128xf32>
    %div3A = arith.constant 1.000000e+04 : f32
    %div3A_31 = vector.broadcast %div3A : f32 to vector<1x128xf32>
    %div3A_32 = arith.divf %broadcast_in_dim3A, %div3A_31 : vector<1x128xf32>
    %sub3A = vector.broadcast %div3A_32 : vector<1x128xf32> to vector<10000x128xf32>
    %sub3A_33 = arith.subf %add3A_29, %sub3A : vector<10000x128xf32>
    %square3A = arith.mulf %sub3A_33, %sub3A_33 : vector<10000x128xf32>
    %reduce_sum3A_34 = arith.constant dense<0.000000e+00> : vector<128xf32>
    %reduce_sum3A_35 = vector.multi_reduction <add>, %square3A, %reduce_sum3A_34 [0] : vector<10000x128xf32> to vector<128xf32>
    %broadcast_in_dim3A_36 = vector.shape_cast %reduce_sum3A_35 : vector<128xf32> to vector<1x128xf32>
    %div3A_37 = arith.constant 1.000000e+04 : f32
    %div3A_38 = vector.broadcast %div3A_37 : f32 to vector<1x128xf32>
    %div3A_39 = arith.divf %broadcast_in_dim3A_36, %div3A_38 : vector<1x128xf32>
    %sub3A_40 = vector.broadcast %div3A_32 : vector<1x128xf32> to vector<10000x128xf32>
    %sub3A_41 = arith.subf %add3A_29, %sub3A_40 : vector<10000x128xf32>
    %add3A_42 = arith.constant 9.99999974E-6 : f32
    %add3A_43 = vector.broadcast %add3A_42 : f32 to vector<1x128xf32>
    %add3A_44 = arith.addf %div3A_39, %add3A_43 : vector<1x128xf32>
    %rsqrt3A = math.rsqrt %add3A_44 : vector<1x128xf32>
    %mul3A = vector.broadcast %rsqrt3A : vector<1x128xf32> to vector<10000x128xf32>
    %mul3A_45 = arith.mulf %sub3A_41, %mul3A : vector<10000x128xf32>
    %get3A_46 = arith.constant 0 : index
    %get3A_47 = arith.constant 0 : index
    %get3A_48 = vector.load %arg6[%get3A_46, %get3A_47] : memref<1x128xf32, #tpu.memory_space<vmem>>, vector<1x128xf32>
    %mul3A_49 = vector.broadcast %get3A_48 : vector<1x128xf32> to vector<10000x128xf32>
    %mul3A_50 = arith.mulf %mul3A_45, %mul3A_49 : vector<10000x128xf32>
    %get3A_51 = arith.constant 0 : index
    %get3A_52 = arith.constant 0 : index
    %get3A_53 = vector.load %arg7[%get3A_51, %get3A_52] : memref<1x128xf32, #tpu.memory_space<vmem>>, vector<1x128xf32>
    %add3A_54 = vector.broadcast %get3A_53 : vector<1x128xf32> to vector<10000x128xf32>
    %add3A_55 = arith.addf %mul3A_50, %add3A_54 : vector<10000x128xf32>
    %max3A_56 = arith.constant 0.000000e+00 : f32
    %max3A_57 = vector.broadcast %max3A_56 : f32 to vector<10000x128xf32>
    %max3A_58 = arith.maximumf %add3A_55, %max3A_57 : vector<10000x128xf32>
    %add3A_59 = arith.addf %max3A_58, %get3A_1 : vector<10000x128xf32>
    %swap3A = arith.constant 0 : index
    %swap3A_60 = arith.constant 0 : index
    %swap3A_61 = vector.load %arg8[%swap3A, %swap3A_60] : memref<10000x128xf32, #tpu.memory_space<vmem>>, vector<10000x128xf32>
    tpu.vector_store %arg8[%swap3A, %swap3A_60], %add3A_59 {strides = array<i32>} : memref<10000x128xf32, #tpu.memory_space<vmem>>, vector<10000x128xf32>,
    return
  }
}

</mosaic_0001>

<sc_bundles>
// kernel: closed_call.9.cloned.1.call-start
scs
__scs_entry_jumppad:
0x0: {  	(pc) =	sbr.rel $0x88, $3  }
0x1: {  	(tag) =	ssettag $0x0;
	lr =	simm.s32 $0x1  }
0x2: {  	[smem:$0x3F96] =	sst lr;
	_ =	strace $0xD0000000  }
0x3: {  	_ = 	snop  }
0x4: {  	_ = 	snop  }
0x5: {  	_ = 	snop  }
0x6: {  	_ = 	snop  }
0x7: {  	_ = 	snop  }
__scs_overlays_trampoline_lowered:
0x8: {  	[smem:$0x3FA5] =	sst s0  }
0x9: {  	[smem:$0x3FA6] =	sst s1  }
0xa: {  	[smem:$0x3FA7] =	sst s2  }
0xb: {  	[smem:$0x3FA8] =	sst s3  }
0xc: {  	[smem:$0x3FA9] =	sst s4  }
0xd: {  	[smem:$0x3FAA] =	sst s5  }
0xe: {  	[smem:$0x3FAB] =	sst s6  }
0xf: {  	[smem:$0x3FAC] =	sst s7  }
0x10: {  	[smem:$0x3FAD] =	sst s8  }
0x11: {  	[smem:$0x3FAE] =	sst s9;
	s0 =	simm.s32 @!p0 $0x0  }
0x12: {  	s1 =	sld [smem:$0x3F94];
	s0 =	simm.s32 @p0 $0x1  }
0x13: {  	[smem:$0x3FAF] =	sst s0;
	s0 =	simm.s32 @!p1 $0x0  }
0x14: {  	s2 =	sld [smem:$0x3F93];
	s0 =	simm.s32 @p1 $0x1  }
0x15: {  	[smem:$0x3FB0] =	sst s0;
	s0 =	simm.s32 @!p2 $0x0  }
0x16: {  	s3 =	sld [smem:$0x3FDB];
	s0 =	simm.s32 @p2 $0x1  }
0x17: {  	s4 =	simm.s32 $0x1BF5;
	[smem:$0x3FB2] =	sst s0  }
0x18: {  	s0 =	sld [smem:$0x3F95];
	_ =	swait.ge [sflag:s4], $0x0  }
0x19: {  	s7 =	sld [smem:$0x3F96]  }
0x1a: {  	s8 =	sadd.s32 $0xFFFFE003, lr  }
0x1b: {  	s9 =	sadd.s32 $0xFFFFFEF7, lr;
	s5 =	simm.s32 $0xFFFFFFFF;
	p2 =	slt.u32 s8, $0xFFFFF086  }
0x1c: {  	p1 =	slt.u32 s9, $0xF7A;
	s5 =	simm.s32 @!p2 $0x0  }
0x1d: {  	s5 =	simm.s32 @p1 $0x1;
	p0 =	seq.s32 s7, s2  }
0x1e: {  	s7 =	smul.u32 @!p0 $0xF7A, s2;
	p2 =	seq.s32 @!p0 s5, $0x0  }
0x1f: {  	s9 =	smul.u32 $0xF7A, s1;
	s8 =	simm.s32 @!p0 $0x1BF5;
	p2 =	por !p2, p0  }
0x20: {  	[sflag:s8] =	ssyncset.s32 @!p0 $0xFFFFF086;
	s6 =	sadd.s32 @!p0 s3, s7;
	s7 =	simm.s32 @!p0 $0x108  }
0x21: {  	s3 =	sadd.s32 s3, s9;
	s6 =	sadd.s32 @!p0 $0x88, s6;
	s7 =	simm.s32 @p2 $0x1082  }
0x22: {  	[simem:s7], [sflag:s8] =	dma.local @!p0 [hbm:s6], $0xF7A  }
0x23: {  	s9 =	sor.u32 $0xD0000000, s2;
	s6 =	simm.s32 $0x108;
	_ =	swait.ge @!p0 [sflag:s8], $0x0  }
0x24: {  	s3 =	sadd.s32 $0x88, s3;
	s6 =	simm.s32 @!p1 $0x1082;
	[sflag:s4] =	ssyncset.s32 $0xFFFFF086  }
0x25: {  	[simem:s6], [sflag:s4] =	dma.local [hbm:s3], $0xF7A  }
0x26: {  	[smem:$0x3F96] =	sst s1;
	(tag) =	ssettag s2;
	_ =	strace s9  }
0x27: {  	s1 =	sld [smem:$0x3FA6]  }
0x28: {  	s2 =	sld [smem:$0x3FA7]  }
0x29: {  	s4 =	sld [smem:$0x3FA9]  }
0x2a: {  	p0 =	seq.s32 s5, $0x0;
	s5 =	sld [smem:$0x3FAA]  }
0x2b: {  	s6 =	sld [smem:$0x3FAB]  }
0x2c: {  	s7 =	sld [smem:$0x3FAC]  }
0x2d: {  	s3 =	simm.s32 $0x108;
	s8 =	sld [smem:$0x3FAD]  }
0x2e: {  	s3 =	simm.s32 @!p0 $0x1082;
	s9 =	sld [smem:$0x3FAE]  }
0x2f: {  	lr =	sadd.s32 s0, s3;
	s0 =	sld [smem:$0x3FA5]  }
0x30: {  	s3 =	sld [smem:$0x3FA8]  }
0x31: {  	[smem:$0x3FB1] =	sst s10  }
0x32: {  	s10 =	sld [smem:$0x3FAF];
	_ =	sdelay $0x3  }
0x33: {  	p0 =	seq.s32 s10, $0x1;
	s10 =	sld [smem:$0x3FB1];
	_ =	sdelay $0x3  }
0x34: {  	[smem:$0x3FB1] =	sst s10  }
0x35: {  	s10 =	sld [smem:$0x3FB0];
	_ =	sdelay $0x3  }
0x36: {  	p1 =	seq.s32 s10, $0x1;
	s10 =	sld [smem:$0x3FB1];
	_ =	sdelay $0x3  }
0x37: {  	[smem:$0x3FB1] =	sst s10  }
0x38: {  	s10 =	sld [smem:$0x3FB2]  }
0x39: {  	_ = 	snop;
	(pc) =	sbr.ind lr, $3  }
0x3a: {  	_ = 	snop  }
0x3b: {  	_ = 	snop  }
0x3c: {  	p2 =	seq.s32 s10, $0x1;
	s10 =	sld [smem:$0x3FB1]  }
0x3d: {  	_ =	shalt  }
0x3e: {  	_ =	shalt  }
0x3f: {  	_ =	shalt  }
0x40: {  	_ =	shalt  }
0x41: {  	_ =	shalt  }
0x42: {  	_ =	shalt  }
0x43: {  	_ =	shalt  }
0x44: {  	_ =	shalt  }
0x45: {  	_ =	shalt  }
0x46: {  	_ =	shalt  }
0x47: {  	_ =	shalt  }
0x48: {  	_ =	shalt  }
0x49: {  	_ =	shalt  }
0x4a: {  	_ =	shalt  }
0x4b: {  	_ =	shalt  }
0x4c: {  	_ =	shalt  }
0x4d: {  	_ =	shalt  }
0x4e: {  	_ =	shalt  }
0x4f: {  	_ =	shalt  }
0x50: {  	_ =	shalt  }
0x51: {  	_ =	shalt  }
0x52: {  	_ =	shalt  }
0x53: {  	_ =	shalt  }
0x54: {  	_ =	shalt  }
0x55: {  	_ =	shalt  }
0x56: {  	_ =	shalt  }
0x57: {  	_ =	shalt  }
0x58: {  	_ =	shalt  }
0x59: {  	_ =	shalt  }
0x5a: {  	_ =	shalt  }
0x5b: {  	_ =	shalt  }
0x5c: {  	_ =	shalt  }
0x5d: {  	_ =	shalt  }
0x5e: {  	_ =	shalt  }
0x5f: {  	_ =	shalt  }
0x60: {  	_ =	shalt  }
0x61: {  	_ =	shalt  }
0x62: {  	_ =	shalt  }
0x63: {  	_ =	shalt  }
0x64: {  	_ =	shalt  }
0x65: {  	_ =	shalt  }
0x66: {  	_ =	shalt  }
0x67: {  	_ =	shalt  }
0x68: {  	_ =	shalt  }
0x69: {  	_ =	shalt  }
0x6a: {  	_ =	shalt  }
0x6b: {  	_ =	shalt  }
0x6c: {  	_ =	shalt  }
0x6d: {  	_ =	shalt  }
0x6e: {  	_ =	shalt  }
0x6f: {  	_ =	shalt  }
0x70: {  	_ =	shalt  }
0x71: {  	_ =	shalt  }
0x72: {  	_ =	shalt  }
0x73: {  	_ =	shalt  }
0x74: {  	_ =	shalt  }
0x75: {  	_ =	shalt  }
0x76: {  	_ =	shalt  }
0x77: {  	_ =	shalt  }
0x78: {  	_ =	shalt  }
0x79: {  	_ =	shalt  }
0x7a: {  	_ =	shalt  }
0x7b: {  	_ =	shalt  }
0x7c: {  	_ =	shalt  }
0x7d: {  	_ =	shalt  }
0x7e: {  	_ =	shalt  }
0x7f: {  	_ =	shalt  }
0x80: {  	_ =	shalt  }
0x81: {  	_ =	shalt  }
0x82: {  	_ =	shalt  }
0x83: {  	_ =	shalt  }
0x84: {  	_ =	shalt  }
0x85: {  	_ =	shalt  }
0x86: {  	_ =	shalt  }
0x87: {  	_ =	shalt  }
.Lfunc_end0:
.L_simem_size_0:
called_computation_lowered:
.L_overlay_start_0:
0x88: {  	s2 =	sld [smem:$0x3FD9]  }
0x89: {  	s3 =	sld [smem:$0x3FFE];
	_ =	sdelay $0x1  }
0x8a: {  	s1 =	srdreg.scid  }
0x8b: {  	s0 =	sand.u32 $0x1, s1  }
0x8c: {  	s16 =	sshll.u32 s0, $0xA;
	s2 =	sadd.s32 s3, s2  }
0x8d: {  	s2 =	sadd.s32 s2, s16  }
0x8e: {  	[smem:$0x3FBD] =	sst s2  }
0x8f: {  	_ = 	snop  }
0x90: {  	(tm) =	ssettm $0x1  }
0x91: {  	s17 =	sld [smem:$0x3FFB];
	_ =	sdelay $0x3  }
0x92: {  	_ =	strace s17  }
0x93: {  	s2 =	sld [smem:$0x3FFC];
	_ =	sdelay $0x3  }
0x94: {  	_ =	strace s2  }
0x95: {  	s2 =	sld [smem:$0x3FFD];
	_ =	sdelay $0x3  }
0x96: {  	_ =	strace s2  }
0x97: {  	_ =	strace $0x8FFFFFFF  }
0x98: {  	s18 =	sld [smem:$0x3FDB];
	_ =	sdelay $0x1  }
0x99: {  	s19 =	simm.s32 $_scs_section_size  }
0x9a: {  	s4 =	simm.s32 $_size__tile_overlayer_lowered;
	s5 =	simm.s32 $_tile_overlayer_lowered  }
0x9b: {  	s22 =	simm.s32 $0x1BFF;
	s21 =	sshll.u32 s5, $0x1;
	s2 =	sadd.s32 s19, s18  }
0x9c: {  	s6 =	simm.s32 $0x0;
	s20 =	sshll.u32 s4, $0x1;
	s4 =	sadd.s32 s21, s2  }
0x9d: {  	[timem:s6], [sflag:s22] =	dma.local [hbm:s4], s20  }
0x9e: {  	_ =	swait.ge [sflag:s22], s20  }
0x9f: {  	s3 =	ssub.s32 $0x0, s20;
	[sflag:s22] =	ssyncset.done $0x0  }
0xa0: {  	[sflag:s22] =	ssyncadd.s32 s3;
	_ =	sdelay $0x1  }
0xa1: {  	s23 =	simm.s32 $0x1B8B  }
0xa2: {  	_ =	swait.ge [sflag:s23], $0x1  }
0xa3: {  	[sflag:s23] =	ssyncset.done $0x0  }
0xa4: {  	s25 =	simm.s32 $0x1B8E;
	s24 =	sld [smem:$0x3FFE];
	[sflag:s23] =	ssyncadd.s32 $0xFFFFFFFF  }
0xa5: {  	s26 =	simm.s32 $execute0_lowered;
	[smem:$0x3FD2] =	sst s25  }
0xa6: {  	s4 =	sshll.u32 s26, $0x1;
	_ =	strace $0x80000046;
	[dreg:$0x1] =	wrdreg $0xFFFFFFFF  }
0xa7: {  	s28 =	simm.s32 $_size_execute0_lowered;
	s2 =	sadd.s32 s2, s4;
	[dreg:$0x0] =	wrdreg $0x0  }
0xa8: {  	s4 =	sshll.u32 s28, $0x1;
	[dreg:$0x2] =	wrdreg s2  }
0xa9: {  	[dreg:$0x3] =	wrdreg s4  }
0xaa: {  	[dreg:$0x4] =	wrdreg $0xC0  }
0xab: {  	_ =	task [dreg:s6], $0x5FFFF  }
0xac: {  	[dreg:$0x1] =	wrdreg $0xFFFFFFFF  }
0xad: {  	[dreg:$0x0] =	wrdreg $0x60  }
0xae: {  	[dreg:$0x2] =	wrdreg s24  }
0xaf: {  	[dreg:$0x3] =	wrdreg $0x0  }
0xb0: {  	[dreg:$0x4] =	wrdreg $0x9  }
0xb1: {  	_ =	task.clear_ibuf [dreg:s6], $0x5FFFF;
	_ =	strace $0x90000046  }
0xb2: {  	s29 =	simm.s32 $0x9;
	_ =	strace $0x80000048  }
0xb3: {  	_ =	swait.ge [sflag:s29], $0x1  }
0xb4: {  	[sflag:s29] =	ssyncadd.s32 $0xFFFFFFFF  }
0xb5: {  	_ =	strace $0x90000048  }
0xb6: {  	_ =	sfence  }
0xb7: {  	s30 =	sld [smem:$0x0];
	_ =	sdelay $0x2  }
0xb8: {  	s31 =	sshll.u32 s1, $0xD;
	s1 =	sshrl.u32 s1, $0x2  }
0xb9: {  	s3 =	sand.u32 $0x4000, s31;
	s1 =	sadd.s32 s1, s30  }
0xba: {  	s0 =	sor.u32 s3, s0;
	s1 =	sshll.u32 s1, $0x11  }
0xbb: {  	s0 =	sor.u32 s1, s0  }
0xbc: {  	s0 =	sadd.s32 $0x8F2B, s0  }
0xbd: {  	[sflag:s0] =	ssyncadd.remote.s32 $0x1  }
0xbe: {  	_ =	sfence.sel $0xFFFF  }
0xbf: {  	[dreg:$0x0] =	wrdreg $0xFFFFFFFF;
	(pc) =	sbr.abs _section_cstart, $3  }
0xc0: {  	[dreg:$0x1] =	wrdreg $0xFFFFFFFF  }
0xc1: {  	_ =	task.clear_ibuf [dreg:s6], $0x2FFFF;
	_ =	strace $0x9FFFFFFF  }
0xc2: {  	(tm) =	ssettm $0x7FFFFFFF  }
0xc3: {  	_ =	shalt  }
tec
execute0_lowered:
.L_overlay_start_1:
0x0: {  	(tag) =	ssettag $0x1  }
0x1: {  	s0 =	srdreg.scid;
	s1 =	rddreg [dreg:$0x0]  }
0x2: {  	s6 =	stileid.u32;
	s2 =	rddreg [dreg:$0x1]  }
0x3: {  	s28 =	simm.s32 $0x5;
	s29 =	simm.s32 $0x6;
	s30 =	simm.s32 $0x0  }
0x4: {  	s0 =	sand.u32 $0x1, s0;
	s9 =	smul.u32 $0x2800, s6;
	s5 =	sadd.s32 $0x15400, s1  }
0x5: {  	s12 =	smul.u32 $0x50000, s6;
	s7 =	sadd.s32 $0x1800, s1;
	s3 =	sshll.u32 s0, $0x4  }
0x6: {  	s10 =	smul.u32 $0x28000, s0;
	s0 =	ssub.s32 $0x2, s0;
	s8 =	sor.u32 s6, s3  }
0x7: {  	s3 =	simm.s32 $0x0;
	s6 =	sadd.s32 $0x4E3600, s1;
	s18 =	sshrl.u32 s12, $0x2  }
0x8: {  	s19 =	sshrl.u32 s0, $0x1;
	[smem:$0x7FF] =	sst s3;
	s31 =	sadd.s32 s18, s2  }
0x9: {  	_ =	strace $0x80000047;
	s21 =	sadd.s32 $0x1400, s31;
	[dreg:$0x3] =	wrdreg s31  }
0xa: {  	s4 =	smul.u32 $0x2710, s8;
	s22 =	sadd.s32 $0x2800, s31;
	[dreg:$0x5] =	wrdreg s21  }
0xb: {  	s9 =	sadd.s32 s9, s10;
	s23 =	sadd.s32 $0x3C00, s31;
	[dreg:$0x6] =	wrdreg s22  }
0xc: {  	s0 =	ssub.s32 s0, s19;
	s24 =	sadd.s32 $0x5000, s31;
	[dreg:$0x7] =	wrdreg s23  }
0xd: {  	s8 =	smul.u32 $0x27100, s8;
	s25 =	sadd.s32 $0x6400, s31;
	[dreg:$0x8] =	wrdreg s24  }
0xe: {  	s26 =	sadd.s32 $0x7800, s31;
	s0 =	smax.u32 s0, $0x1;
	[dreg:$0x9] =	wrdreg s25  }
0xf: {  	s18 =	sadd.s32 $0x8C00, s31;
	s19 =	sadd.s32 $0xA000, s31;
	[dreg:$0xa] =	wrdreg s26  }
0x10: {  	s11 =	sshrl.u32 s4, $0x3;
	s8 =	sadd.s32 s6, s8;
	[dreg:$0x14] =	wrdreg s0  }
0x11: {  	s10 =	sadd.s32 $0x28, s4;
	s12 =	sadd.s32 $0x50, s4;
	[dreg:$0x15] =	wrdreg s18  }
0x12: {  	s15 =	sadd.s32 $0x78, s4;
	[dreg:$0x16] =	wrdreg s19;
	s21 =	sadd.s32 $0xC800, s31  }
0x13: {  	s22 =	sadd.s32 $0xDC00, s31;
	s23 =	sadd.s32 $0xF000, s31;
	[dreg:$0xb] =	wrdreg s8  }
0x14: {  	s24 =	sadd.s32 $0x10400, s31;
	s25 =	sadd.s32 $0x11800, s31;
	[dreg:$0x18] =	wrdreg s21  }
0x15: {  	s26 =	sadd.s32 $0x12C00, s31;
	s18 =	simm.s32 $0x17C80;
	[dreg:$0x19] =	wrdreg s22  }
0x16: {  	s19 =	simm.s32 $0x1A480;
	s13 =	sadd.s32 s11, s1;
	[dreg:$0x1a] =	wrdreg s23  }
0x17: {  	s1 =	sadd.s32 s9, s1;
	s9 =	sadd.s32 s7, s11;
	[dreg:$0x1b] =	wrdreg s24  }
0x18: {  	s11 =	sshll.u32 s10, $0x4;
	s8 =	sshrl.u32 s10, $0x3;
	[dreg:$0x1c] =	wrdreg s25  }
0x19: {  	s14 =	sshrl.u32 s12, $0x3;
	s16 =	sshll.u32 s15, $0x4;
	[dreg:$0x1d] =	wrdreg s26  }
0x1a: {  	s21 =	simm.s32 $0x3;
	s22 =	simm.s32 $0x7;
	s23 =	simm.s32 $0x2  }
0x1b: {  	s24 =	simm.s32 $0x4;
	s25 =	simm.s32 $0x8;
	s26 =	simm.s32 $0x1CC80  }
0x1c: {  	s20 =	sadd.s32 $0xB600, s13;
	[dreg:$0xc] =	wrdreg s9;
	s9 =	sadd.s32 s6, s11  }
0x1d: {  	s8 =	sadd.s32 s7, s8;
	s13 =	sshll.u32 s12, $0x4;
	[dreg:$0x4] =	wrdreg s20  }
0x1e: {  	s1 =	sadd.s32 $0x3C600, s1;
	s12 =	simm.s32 $0x9;
	[dreg:$0xd] =	wrdreg s9  }
0x1f: {  	s11 =	simm.s32 $0x1;
	[dreg:$0xe] =	wrdreg s8;
	s8 =	sadd.s32 s6, s13  }
0x20: {  	s9 =	sshrl.u32 s15, $0x3;
	[dreg:$0x13] =	wrdreg s1;
	s20 =	sadd.s32 $0xB400, s31  }
0x21: {  	s13 =	simm.s32 $0x1B880;
	s15 =	simm.s32 $0x16880;
	[dreg:$0xf] =	wrdreg s8  }
0x22: {  	s8 =	sadd.s32 s7, s14;
	s17 =	sadd.s32 s7, s9;
	[dreg:$0x17] =	wrdreg s20  }
0x23: {  	s14 =	simm.s32 $0x28;
	s20 =	simm.s32 $0x16800;
	[dreg:$0x10] =	wrdreg s8  }
0x24: {  	s8 =	sadd.s32 s6, s16;
	[dreg:$0x12] =	wrdreg s17;
	s16 =	simm.s32 $0x19080  }
0x25: {  	v0 =	vimm.f32 $0.0e+00;
	s17 =	simm.s32 $0x16780;
	[dreg:$0x11] =	wrdreg s8;
	s8 =	simm.s32 $0x14000  }
.LBB2_1:
0x26: {  	s0 =	rddreg [dreg:$0x4]  }
0x27: {  	[tilespmem:s8], [sflag:$0x9] =	stream.linear.gather [hbm4b:s0+s3], $0x2710, $0x38;
	[tilespmem:$0x1E080] =	vst v63  }
0x28: {  	_ =	swait.ge [sflag:s12], $0x2710  }
0x29: {  	[sflag:s12] =	ssyncset.done $0x0  }
0x2a: {  	s1 =	simm.s32 $0x200;
	s0 =	simm.s32 $0x0;
	[sflag:s12] =	ssyncadd.s32 $0xFFFFD8F0  }
.LBB2_2:
0x2b: {  	p0 =	sne.s32 s1, $0x4E00;
	[tilespmem:s0+$0x1B8F0] =	vst v0  }
0x2c: {  	[tilespmem:s0+$0x1B880] =	vst v0  }
0x2d: {  	[tilespmem:s0+$0x1B890] =	vst v0  }
.Ltmp0:
0x2e: {  	[tilespmem:s0+$0x1B8A0] =	vst v0;
	(pc) =	sbr.rel @p0 .LBB2_2-.Ltmp0, $4  }
0x2f: {  	[tilespmem:s0+$0x1B8B0] =	vst v0  }
0x30: {  	[tilespmem:s0+$0x1B8C0] =	vst v0  }
0x31: {  	[tilespmem:s0+$0x1B8D0] =	vst v0  }
0x32: {  	[tilespmem:s0+$0x1B8E0] =	vst v0;
	s0 =	sshra.s32 s1, $0x2;
	s1 =	sadd.s32 $0x200, s1  }
0x33: {  	[tilespmem:s0+$0x1B8F0] =	vst v0  }
0x34: {  	[tilespmem:s0+$0x1B880] =	vst v0  }
0x35: {  	[tilespmem:s0+$0x1B890] =	vst v0  }
0x36: {  	[tilespmem:s0+$0x1B8A0] =	vst v0  }
0x37: {  	[tilespmem:s0+$0x1B8B0] =	vst v0  }
0x38: {  	[tilespmem:s0+$0x1B8C0] =	vst v0  }
0x39: {  	[tilespmem:s0+$0x1B8D0] =	vst v0  }
0x3a: {  	[tilespmem:s0+$0x1B8E0] =	vst v0  }
0x3b: {  	[spmem:s31] =	stream.linear.scatter [tilespmem:s13], [sflag:$0x9], $0x1400, $0x38;
	[tilespmem:$0x1E080] =	vst v63  }
0x3c: {  	_ =	swait.ge [sflag:s12], $0x1400  }
0x3d: {  	[sflag:s12] =	ssyncset.done $0x0  }
0x3e: {  	s10 =	rddreg [dreg:$0x5];
	[sflag:s12] =	ssyncadd.s32 $0xFFFFEC00  }
0x3f: {  	[spmem:s10] =	stream.linear.scatter [tilespmem:s13], [sflag:$0x9], $0x1400, $0x38;
	[tilespmem:$0x1E080] =	vst v63  }
0x40: {  	_ =	swait.ge [sflag:s12], $0x1400  }
0x41: {  	[sflag:s12] =	ssyncset.done $0x0  }
0x42: {  	s31 =	rddreg [dreg:$0x6];
	[sflag:s12] =	ssyncadd.s32 $0xFFFFEC00  }
0x43: {  	[spmem:s31] =	stream.linear.scatter [tilespmem:s13], [sflag:$0x9], $0x1400, $0x38;
	[tilespmem:$0x1E080] =	vst v63  }
0x44: {  	_ =	swait.ge [sflag:s12], $0x1400  }
0x45: {  	[sflag:s12] =	ssyncset.done $0x0  }
0x46: {  	s1 =	rddreg [dreg:$0x7];
	[sflag:s12] =	ssyncadd.s32 $0xFFFFEC00  }
0x47: {  	[spmem:s1] =	stream.linear.scatter [tilespmem:s13], [sflag:$0x9], $0x1400, $0x38;
	[tilespmem:$0x1E080] =	vst v63  }
0x48: {  	_ =	swait.ge [sflag:s12], $0x1400  }
0x49: {  	[sflag:s12] =	ssyncset.done $0x0  }
0x4a: {  	s9 =	rddreg [dreg:$0x8];
	[sflag:s12] =	ssyncadd.s32 $0xFFFFEC00  }
0x4b: {  	[spmem:s9] =	stream.linear.scatter [tilespmem:s13], [sflag:$0x9], $0x1400, $0x38;
	[tilespmem:$0x1E080] =	vst v63  }
0x4c: {  	_ =	swait.ge [sflag:s12], $0x1400  }
0x4d: {  	[sflag:s12] =	ssyncset.done $0x0  }
0x4e: {  	s10 =	rddreg [dreg:$0x9];
	[sflag:s12] =	ssyncadd.s32 $0xFFFFEC00  }
0x4f: {  	[spmem:s10] =	stream.linear.scatter [tilespmem:s13], [sflag:$0x9], $0x1400, $0x38;
	[tilespmem:$0x1E080] =	vst v63  }
0x50: {  	_ =	swait.ge [sflag:s12], $0x1400  }
0x51: {  	[sflag:s12] =	ssyncset.done $0x0  }
0x52: {  	s31 =	rddreg [dreg:$0xa];
	[sflag:s12] =	ssyncadd.s32 $0xFFFFEC00  }
0x53: {  	[spmem:s31] =	stream.linear.scatter [tilespmem:s13], [sflag:$0x9], $0x1400, $0x38;
	[tilespmem:$0x1E080] =	vst v63  }
0x54: {  	_ =	swait.ge [sflag:s12], $0x1400  }
0x55: {  	[sflag:s12] =	ssyncset.done $0x0  }
0x56: {  	s1 =	rddreg [dreg:$0x15];
	[sflag:s12] =	ssyncadd.s32 $0xFFFFEC00  }
0x57: {  	[spmem:s1] =	stream.linear.scatter [tilespmem:s13], [sflag:$0x9], $0x1400, $0x38;
	[tilespmem:$0x1E080] =	vst v63  }
0x58: {  	_ =	swait.ge [sflag:s12], $0x1400  }
0x59: {  	[sflag:s12] =	ssyncset.done $0x0  }
0x5a: {  	s9 =	rddreg [dreg:$0x16];
	[sflag:s12] =	ssyncadd.s32 $0xFFFFEC00  }
0x5b: {  	[spmem:s9] =	stream.linear.scatter [tilespmem:s13], [sflag:$0x9], $0x1400, $0x38;
	[tilespmem:$0x1E080] =	vst v63  }
0x5c: {  	_ =	swait.ge [sflag:s12], $0x1400  }
0x5d: {  	[sflag:s12] =	ssyncset.done $0x0  }
0x5e: {  	s10 =	rddreg [dreg:$0x17];
	[sflag:s12] =	ssyncadd.s32 $0xFFFFEC00  }
0x5f: {  	[spmem:s10] =	stream.linear.scatter [tilespmem:s13], [sflag:$0x9], $0x1400, $0x38;
	[tilespmem:$0x1E080] =	vst v63  }
0x60: {  	_ =	swait.ge [sflag:s12], $0x1400  }
0x61: {  	[sflag:s12] =	ssyncset.done $0x0  }
0x62: {  	s31 =	rddreg [dreg:$0x18];
	[sflag:s12] =	ssyncadd.s32 $0xFFFFEC00  }
0x63: {  	[spmem:s31] =	stream.linear.scatter [tilespmem:s13], [sflag:$0x9], $0x1400, $0x38;
	[tilespmem:$0x1E080] =	vst v63  }
0x64: {  	_ =	swait.ge [sflag:s12], $0x1400  }
0x65: {  	[sflag:s12] =	ssyncset.done $0x0  }
0x66: {  	s1 =	rddreg [dreg:$0x19];
	[sflag:s12] =	ssyncadd.s32 $0xFFFFEC00  }
0x67: {  	[spmem:s1] =	stream.linear.scatter [tilespmem:s13], [sflag:$0x9], $0x1400, $0x38;
	[tilespmem:$0x1E080] =	vst v63  }
0x68: {  	_ =	swait.ge [sflag:s12], $0x1400  }
0x69: {  	[sflag:s12] =	ssyncset.done $0x0  }
0x6a: {  	s9 =	rddreg [dreg:$0x1a];
	[sflag:s12] =	ssyncadd.s32 $0xFFFFEC00  }
0x6b: {  	[spmem:s9] =	stream.linear.scatter [tilespmem:s13], [sflag:$0x9], $0x1400, $0x38;
	[tilespmem:$0x1E080] =	vst v63  }
0x6c: {  	_ =	swait.ge [sflag:s12], $0x1400  }
0x6d: {  	[sflag:s12] =	ssyncset.done $0x0  }
0x6e: {  	s10 =	rddreg [dreg:$0x1b];
	[sflag:s12] =	ssyncadd.s32 $0xFFFFEC00  }
0x6f: {  	[spmem:s10] =	stream.linear.scatter [tilespmem:s13], [sflag:$0x9], $0x1400, $0x38;
	[tilespmem:$0x1E080] =	vst v63  }
0x70: {  	_ =	swait.ge [sflag:s12], $0x1400  }
0x71: {  	[sflag:s12] =	ssyncset.done $0x0  }
0x72: {  	s31 =	rddreg [dreg:$0x1c];
	[sflag:s12] =	ssyncadd.s32 $0xFFFFEC00  }
0x73: {  	[spmem:s31] =	stream.linear.scatter [tilespmem:s13], [sflag:$0x9], $0x1400, $0x38;
	[tilespmem:$0x1E080] =	vst v63  }
0x74: {  	_ =	swait.ge [sflag:s12], $0x1400  }
0x75: {  	[sflag:s12] =	ssyncset.done $0x0  }
0x76: {  	s1 =	rddreg [dreg:$0x1d];
	[sflag:s12] =	ssyncadd.s32 $0xFFFFEC00  }
0x77: {  	[spmem:s1] =	stream.linear.scatter [tilespmem:s13], [sflag:$0x9], $0x1400, $0x38;
	[tilespmem:$0x1E080] =	vst v63  }
0x78: {  	_ =	swait.ge [sflag:s12], $0x1400  }
0x79: {  	[sflag:s12] =	ssyncset.done $0x0  }
0x7a: {  	[sflag:s12] =	ssyncadd.s32 $0xFFFFEC00  }
0x7b: {  	[bflag:$0x0] =	sbarrier.arrive $0xFFFF  }
0x7c: {  	[tilespmem:s15], [sflag:$0x1] =	stream.indirect.gather [hbm4b:s5+s14], $0x80, s8, s14, $0xb8;
	[tilespmem:$0x1E080] =	vst v63  }
0x7d: {  	s0 =	simm.s32 $0x0;
	s1 =	rddreg [dreg:$0xb]  }
0x7e: {  	[tilespmem:s16], [sflag:$0x3] =	stream.linear.gather [hbm4b:s1+s0], $0x1400, $0x38;
	[tilespmem:$0x1E080] =	vst v63  }
0x7f: {  	s8 =	rddreg [dreg:$0xc]  }
0x80: {  	[tilespmem:s17], [sflag:$0x7] =	stream.linear.gather [hbm4b:s8+s0], $0x28, $0x38;
	[tilespmem:$0x1E080] =	vst v63  }
0x81: {  	s9 =	simm.s32 $0x14028  }
0x82: {  	[tilespmem:s18], [sflag:$0x2] =	stream.indirect.gather [hbm4b:s5+s14], $0x80, s9, s14, $0xb8;
	[tilespmem:$0x1E080] =	vst v63  }
0x83: {  	s10 =	rddreg [dreg:$0xd]  }
0x84: {  	[tilespmem:s19], [sflag:$0x4] =	stream.linear.gather [hbm4b:s10+s0], $0x1400, $0x38;
	[tilespmem:$0x1E080] =	vst v63  }
0x85: {  	s31 =	rddreg [dreg:$0xe]  }
0x86: {  	[tilespmem:s20], [sflag:$0x8] =	stream.linear.gather [hbm4b:s31+s0], $0x28, $0x38;
	[tilespmem:$0x1E080] =	vst v63  }
0x87: {  	_ =	swait.ge [sflag:s11], $0x1400  }
0x88: {  	[sflag:s11] =	ssyncset.done $0x0  }
0x89: {  	[sflag:s11] =	ssyncadd.s32 $0xFFFFEC00  }
0x8a: {  	_ =	swait.ge [sflag:s21], $0x1400  }
0x8b: {  	[sflag:s21] =	ssyncset.done $0x0  }
0x8c: {  	[sflag:s21] =	ssyncadd.s32 $0xFFFFEC00  }
0x8d: {  	_ =	swait.ge [sflag:s22], $0x28  }
0x8e: {  	[sflag:s22] =	ssyncset.done $0x0  }
0x8f: {  	s0 =	simm.s32 $0x0;
	[sflag:s22] =	ssyncadd.s32 $0xFFFFFFD8  }
0x90: {  	v1 =	vld [tilespmem:s0+$0x168F0]  }
0x91: {  	v2 =	vld [tilespmem:s0+$0x190F0]  }
0x92: {  	v3 =	vld [tilespmem:s0+$0x16880]  }
0x93: {  	v4 =	vld [tilespmem:s0+$0x19080]  }
0x94: {  	v5 =	vld [tilespmem:s0+$0x16890]  }
0x95: {  	v6 =	vld [tilespmem:s0+$0x19090]  }
0x96: {  	v7 =	vld [tilespmem:s0+$0x168A0]  }
0x97: {  	v1 =	vadd.f32 v2, v1;
	v2 =	vld [tilespmem:s0+$0x190A0]  }
0x98: {  	v8 =	vld [tilespmem:s0+$0x168B0]  }
0x99: {  	v9 =	vld [tilespmem:s0+$0x190B0];
	v3 =	vadd.f32 v4, v3  }
0x9a: {  	v10 =	vld [tilespmem:s0+$0x168C0];
	v1 =	vmax.f32 v1, $0.0e+00  }
0x9b: {  	[tilespmem:s0+$0x1B8F0] =	vst v1;
	v1 =	vmax.f32 v3, $0.0e+00;
	v3 =	vadd.f32 v6, v5;
	v6 =	vld [tilespmem:s0+$0x190C0]  }
0x9c: {  	v4 =	vld [tilespmem:s0+$0x190D0];
	v2 =	vadd.f32 v2, v7  }
0x9d: {  	[tilespmem:s0+$0x1B880] =	vst v1;
	v1 =	vld [tilespmem:s0+$0x168D0];
	v3 =	vmax.f32 v3, $0.0e+00  }
0x9e: {  	v5 =	vld [tilespmem:s0+$0x190E0];
	v7 =	vadd.f32 v9, v8;
	[tilespmem:s0+$0x1B890] =	vst v3;
	v3 =	vmax.f32 v2, $0.0e+00  }
0x9f: {  	s1 =	simm.s32 $0x80;
	v2 =	vld [tilespmem:s0+$0x168E0];
	[tilespmem:s0+$0x1B8A0] =	vst v3  }
0xa0: {  	s9 =	simm.s32 $0x400;
	v7 =	vmax.f32 v7, $0.0e+00;
	v6 =	vadd.f32 v6, v10;
	v3 =	vld [tilespmem:s1+$0x168F0]  }
.LBB2_4:
0xa1: {  	p0 =	sne.s32 s9, $0x4E00;
	v8 =	vld [tilespmem:s1+$0x190F0];
	[tilespmem:s0+$0x1B8B0] =	vst v7  }
0xa2: {  	v7 =	vld [tilespmem:s1+$0x16880];
	v6 =	vmax.f32 v6, $0.0e+00;
	v1 =	vadd.f32 v4, v1  }
0xa3: {  	v4 =	vld [tilespmem:s1+$0x19080];
	[tilespmem:s0+$0x1B8C0] =	vst v6  }
0xa4: {  	v6 =	vld [tilespmem:s1+$0x16890];
	v1 =	vmax.f32 v1, $0.0e+00;
	v2 =	vadd.f32 v5, v2  }
0xa5: {  	v5 =	vld [tilespmem:s1+$0x19090];
	[tilespmem:s0+$0x1B8D0] =	vst v1  }
0xa6: {  	v1 =	vld [tilespmem:s1+$0x168A0];
	v3 =	vadd.f32 v8, v3;
	v2 =	vmax.f32 v2, $0.0e+00  }
0xa7: {  	v8 =	vld [tilespmem:s1+$0x190A0];
	[tilespmem:s0+$0x1B8E0] =	vst v2;
	s0 =	smov.u32 s1  }
0xa8: {  	v2 =	vadd.f32 v4, v7;
	v7 =	vld [tilespmem:s0+$0x168B0];
	v3 =	vmax.f32 v3, $0.0e+00  }
0xa9: {  	v9 =	vld [tilespmem:s0+$0x190B0];
	[tilespmem:s0+$0x1B8F0] =	vst v3  }
0xaa: {  	v2 =	vmax.f32 v2, $0.0e+00;
	v3 =	vadd.f32 v5, v6;
	v6 =	vld [tilespmem:s0+$0x168C0]  }
0xab: {  	[tilespmem:s0+$0x1B880] =	vst v2;
	v10 =	vld [tilespmem:s0+$0x190C0]  }
.Ltmp1:
0xac: {  	v2 =	vmax.f32 v3, $0.0e+00;
	v3 =	vadd.f32 v8, v1;
	v1 =	vld [tilespmem:s0+$0x168D0];
	(pc) =	sbr.rel @p0 .LBB2_4-.Ltmp1, $4  }
0xad: {  	[tilespmem:s0+$0x1B890] =	vst v2;
	v4 =	vld [tilespmem:s0+$0x190D0]  }
0xae: {  	v3 =	vmax.f32 v3, $0.0e+00;
	v7 =	vadd.f32 v9, v7;
	v2 =	vld [tilespmem:s0+$0x168E0]  }
0xaf: {  	s1 =	sshra.s32 s9, $0x2;
	[tilespmem:s0+$0x1B8A0] =	vst v3;
	v5 =	vld [tilespmem:s0+$0x190E0]  }
0xb0: {  	s9 =	sadd.s32 $0x200, s9;
	v3 =	vld [tilespmem:s1+$0x168F0];
	v7 =	vmax.f32 v7, $0.0e+00;
	v6 =	vadd.f32 v10, v6  }
0xb1: {  	v8 =	vld [tilespmem:s1+$0x190F0];
	[tilespmem:s0+$0x1B8B0] =	vst v7  }
0xb2: {  	v7 =	vld [tilespmem:s1+$0x16880];
	v6 =	vmax.f32 v6, $0.0e+00;
	v1 =	vadd.f32 v4, v1  }
0xb3: {  	v9 =	vld [tilespmem:s1+$0x19080];
	[tilespmem:s0+$0x1B8C0] =	vst v6  }
0xb4: {  	v4 =	vld [tilespmem:s1+$0x16890];
	v1 =	vmax.f32 v1, $0.0e+00;
	v2 =	vadd.f32 v5, v2  }
0xb5: {  	v6 =	vld [tilespmem:s1+$0x19090];
	[tilespmem:s0+$0x1B8D0] =	vst v1  }
0xb6: {  	v1 =	vld [tilespmem:s1+$0x168A0];
	v2 =	vmax.f32 v2, $0.0e+00  }
0xb7: {  	v5 =	vld [tilespmem:s1+$0x190A0];
	v3 =	vadd.f32 v8, v3;
	[tilespmem:s0+$0x1B8E0] =	vst v2  }
0xb8: {  	v7 =	vadd.f32 v9, v7;
	v2 =	vld [tilespmem:s1+$0x168B0]  }
0xb9: {  	v3 =	vmax.f32 v3, $0.0e+00;
	v8 =	vld [tilespmem:s1+$0x190B0]  }
0xba: {  	[tilespmem:s1+$0x1B8F0] =	vst v3;
	v3 =	vmax.f32 v7, $0.0e+00;
	v7 =	vld [tilespmem:s1+$0x168C0]  }
0xbb: {  	v4 =	vadd.f32 v6, v4;
	v6 =	vld [tilespmem:s1+$0x168D0]  }
0xbc: {  	[tilespmem:s1+$0x1B880] =	vst v3;
	v3 =	vld [tilespmem:s1+$0x190C0];
	v1 =	vadd.f32 v5, v1  }
0xbd: {  	v4 =	vmax.f32 v4, $0.0e+00;
	v5 =	vld [tilespmem:s1+$0x168E0]  }
0xbe: {  	[tilespmem:s1+$0x1B890] =	vst v4;
	v4 =	vld [tilespmem:s1+$0x190D0];
	v1 =	vmax.f32 v1, $0.0e+00  }
0xbf: {  	[tilespmem:s1+$0x1B8A0] =	vst v1;
	v1 =	vld [tilespmem:s1+$0x190E0];
	_ =	sdelay $0x1  }
0xc0: {  	v2 =	vadd.f32 v8, v2  }
0xc1: {  	v3 =	vadd.f32 v3, v7  }
0xc2: {  	v2 =	vmax.f32 v2, $0.0e+00;
	v4 =	vadd.f32 v4, v6  }
0xc3: {  	[tilespmem:s1+$0x1B8B0] =	vst v2;
	v2 =	vmax.f32 v3, $0.0e+00;
	v1 =	vadd.f32 v1, v5  }
0xc4: {  	[tilespmem:s1+$0x1B8C0] =	vst v2;
	v2 =	vmax.f32 v4, $0.0e+00  }
0xc5: {  	[tilespmem:s1+$0x1B8D0] =	vst v2;
	v1 =	vmax.f32 v1, $0.0e+00  }
0xc6: {  	[tilespmem:s1+$0x1B8E0] =	vst v1  }
0xc7: {  	[spmem:s2] =	stream.indirect.scatter.add.f32 [tilespmem:s13], [sflag:$0x5], $0x80, s17, s14, $0xb8;
	[tilespmem:$0x1E080] =	vst v63  }
0xc8: {  	s8 =	simm.s32 $0x14050  }
0xc9: {  	[tilespmem:s15], [sflag:$0x1] =	stream.indirect.gather [hbm4b:s5+s14], $0x80, s8, s14, $0xb8;
	[tilespmem:$0x1E080] =	vst v63  }
0xca: {  	s9 =	simm.s32 $0x0;
	s10 =	rddreg [dreg:$0xf]  }
0xcb: {  	[tilespmem:s16], [sflag:$0x3] =	stream.linear.gather [hbm4b:s10+s9], $0x1400, $0x38;
	[tilespmem:$0x1E080] =	vst v63  }
0xcc: {  	s31 =	rddreg [dreg:$0x10]  }
0xcd: {  	[tilespmem:s17], [sflag:$0x7] =	stream.linear.gather [hbm4b:s31+s9], $0x28, $0x38;
	[tilespmem:$0x1E080] =	vst v63  }
0xce: {  	_ =	swait.ge [sflag:s23], $0x1400  }
0xcf: {  	[sflag:s23] =	ssyncset.done $0x0  }
0xd0: {  	[sflag:s23] =	ssyncadd.s32 $0xFFFFEC00  }
0xd1: {  	_ =	swait.ge [sflag:s24], $0x1400  }
0xd2: {  	[sflag:s24] =	ssyncset.done $0x0  }
0xd3: {  	[sflag:s24] =	ssyncadd.s32 $0xFFFFEC00  }
0xd4: {  	_ =	swait.ge [sflag:s25], $0x28  }
0xd5: {  	[sflag:s25] =	ssyncset.done $0x0  }
0xd6: {  	s0 =	simm.s32 $0x0;
	[sflag:s25] =	ssyncadd.s32 $0xFFFFFFD8  }
0xd7: {  	v1 =	vld [tilespmem:s0+$0x17CF0]  }
0xd8: {  	v2 =	vld [tilespmem:s0+$0x1A4F0]  }
0xd9: {  	v3 =	vld [tilespmem:s0+$0x17C80]  }
0xda: {  	v4 =	vld [tilespmem:s0+$0x1A480]  }
0xdb: {  	v5 =	vld [tilespmem:s0+$0x17C90]  }
0xdc: {  	v6 =	vld [tilespmem:s0+$0x1A490]  }
0xdd: {  	v7 =	vld [tilespmem:s0+$0x17CA0]  }
0xde: {  	v1 =	vadd.f32 v2, v1;
	v2 =	vld [tilespmem:s0+$0x1A4A0]  }
0xdf: {  	v8 =	vld [tilespmem:s0+$0x17CB0]  }
0xe0: {  	v63 =	vld [tilespmem:s0+$0x1A4B0];
	v3 =	vadd.f32 v4, v3  }
0xe1: {  	v10 =	vld [tilespmem:s0+$0x17CC0];
	v1 =	vmax.f32 v1, $0.0e+00  }
0xe2: {  	[tilespmem:s0+$0x1CCF0] =	vst v1;
	v1 =	vmax.f32 v3, $0.0e+00;
	v3 =	vadd.f32 v6, v5;
	v6 =	vld [tilespmem:s0+$0x1A4C0]  }
0xe3: {  	v4 =	vld [tilespmem:s0+$0x1A4D0];
	v2 =	vadd.f32 v2, v7  }
0xe4: {  	[tilespmem:s0+$0x1CC80] =	vst v1;
	v1 =	vld [tilespmem:s0+$0x17CD0];
	v3 =	vmax.f32 v3, $0.0e+00  }
0xe5: {  	v5 =	vld [tilespmem:s0+$0x1A4E0];
	v7 =	vadd.f32 v63, v8;
	[tilespmem:s0+$0x1CC90] =	vst v3;
	v3 =	vmax.f32 v2, $0.0e+00  }
0xe6: {  	s1 =	simm.s32 $0x80;
	v2 =	vld [tilespmem:s0+$0x17CE0];
	[tilespmem:s0+$0x1CCA0] =	vst v3  }
0xe7: {  	s9 =	simm.s32 $0x400;
	v7 =	vmax.f32 v7, $0.0e+00;
	v6 =	vadd.f32 v6, v10;
	v3 =	vld [tilespmem:s1+$0x17CF0]  }
.LBB2_6:
0xe8: {  	p0 =	sne.s32 s9, $0x4E00;
	v8 =	vld [tilespmem:s1+$0x1A4F0];
	[tilespmem:s0+$0x1CCB0] =	vst v7  }
0xe9: {  	v7 =	vld [tilespmem:s1+$0x17C80];
	v6 =	vmax.f32 v6, $0.0e+00;
	v1 =	vadd.f32 v4, v1  }
0xea: {  	v4 =	vld [tilespmem:s1+$0x1A480];
	[tilespmem:s0+$0x1CCC0] =	vst v6  }
0xeb: {  	v6 =	vld [tilespmem:s1+$0x17C90];
	v1 =	vmax.f32 v1, $0.0e+00;
	v2 =	vadd.f32 v5, v2  }
0xec: {  	v5 =	vld [tilespmem:s1+$0x1A490];
	[tilespmem:s0+$0x1CCD0] =	vst v1  }
0xed: {  	v1 =	vld [tilespmem:s1+$0x17CA0];
	v3 =	vadd.f32 v8, v3;
	v2 =	vmax.f32 v2, $0.0e+00  }
0xee: {  	v8 =	vld [tilespmem:s1+$0x1A4A0];
	[tilespmem:s0+$0x1CCE0] =	vst v2;
	s0 =	smov.u32 s1  }
0xef: {  	v2 =	vadd.f32 v4, v7;
	v7 =	vld [tilespmem:s0+$0x17CB0];
	v3 =	vmax.f32 v3, $0.0e+00  }
0xf0: {  	v9 =	vld [tilespmem:s0+$0x1A4B0];
	[tilespmem:s0+$0x1CCF0] =	vst v3  }
0xf1: {  	v2 =	vmax.f32 v2, $0.0e+00;
	v3 =	vadd.f32 v5, v6;
	v6 =	vld [tilespmem:s0+$0x17CC0]  }
0xf2: {  	[tilespmem:s0+$0x1CC80] =	vst v2;
	v10 =	vld [tilespmem:s0+$0x1A4C0]  }
.Ltmp2:
0xf3: {  	v2 =	vmax.f32 v3, $0.0e+00;
	v3 =	vadd.f32 v8, v1;
	v1 =	vld [tilespmem:s0+$0x17CD0];
	(pc) =	sbr.rel @p0 .LBB2_6-.Ltmp2, $4  }
0xf4: {  	[tilespmem:s0+$0x1CC90] =	vst v2;
	v4 =	vld [tilespmem:s0+$0x1A4D0]  }
0xf5: {  	v3 =	vmax.f32 v3, $0.0e+00;
	v7 =	vadd.f32 v9, v7;
	v2 =	vld [tilespmem:s0+$0x17CE0]  }
0xf6: {  	s1 =	sshra.s32 s9, $0x2;
	[tilespmem:s0+$0x1CCA0] =	vst v3;
	v5 =	vld [tilespmem:s0+$0x1A4E0]  }
0xf7: {  	s9 =	sadd.s32 $0x200, s9;
	v3 =	vld [tilespmem:s1+$0x17CF0];
	v7 =	vmax.f32 v7, $0.0e+00;
	v6 =	vadd.f32 v10, v6  }
0xf8: {  	v8 =	vld [tilespmem:s1+$0x1A4F0];
	[tilespmem:s0+$0x1CCB0] =	vst v7  }
0xf9: {  	v7 =	vld [tilespmem:s1+$0x17C80];
	v6 =	vmax.f32 v6, $0.0e+00;
	v1 =	vadd.f32 v4, v1  }
0xfa: {  	v9 =	vld [tilespmem:s1+$0x1A480];
	[tilespmem:s0+$0x1CCC0] =	vst v6  }
0xfb: {  	v57 =	vld [tilespmem:s1+$0x17C90];
	v1 =	vmax.f32 v1, $0.0e+00;
	v2 =	vadd.f32 v5, v2  }
0xfc: {  	v6 =	vld [tilespmem:s1+$0x1A490];
	[tilespmem:s0+$0x1CCD0] =	vst v1  }
0xfd: {  	v1 =	vld [tilespmem:s1+$0x17CA0];
	v2 =	vmax.f32 v2, $0.0e+00  }
0xfe: {  	v58 =	vld [tilespmem:s1+$0x1A4A0];
	[tilespmem:s0+$0x1CCE0] =	vst v2  }
0xff: {  	v2 =	vld [tilespmem:s1+$0x17CB0]  }
0x100: {  	v3 =	vadd.f32 v8, v3;
	v59 =	vld [tilespmem:s1+$0x1A4B0]  }
0x101: {  	v7 =	vadd.f32 v9, v7;
	v60 =	vld [tilespmem:s1+$0x17CC0]  }
0x102: {  	v3 =	vmax.f32 v3, $0.0e+00;
	v61 =	vld [tilespmem:s1+$0x17CD0]  }
0x103: {  	v62 =	vld [tilespmem:s1+$0x1A4D0];
	[tilespmem:s1+$0x1CCF0] =	vst v3;
	v3 =	vmax.f32 v7, $0.0e+00;
	v1 =	vadd.f32 v58, v1  }
0x104: {  	[tilespmem:s1+$0x1CC80] =	vst v3;
	v3 =	vld [tilespmem:s1+$0x1A4C0]  }
0x105: {  	v63 =	vld [tilespmem:s1+$0x17CE0];
	v1 =	vmax.f32 v1, $0.0e+00  }
0x106: {  	[tilespmem:s1+$0x1CCA0] =	vst v1;
	v1 =	vld [tilespmem:s1+$0x1A4E0]  }
0x107: {  	v4 =	vadd.f32 v6, v57  }
0x108: {  	v2 =	vadd.f32 v59, v2  }
0x109: {  	v4 =	vmax.f32 v4, $0.0e+00;
	v3 =	vadd.f32 v3, v60  }
0x10a: {  	[tilespmem:s1+$0x1CC90] =	vst v4;
	v4 =	vadd.f32 v62, v61;
	v2 =	vmax.f32 v2, $0.0e+00  }
0x10b: {  	[tilespmem:s1+$0x1CCB0] =	vst v2;
	v2 =	vmax.f32 v3, $0.0e+00;
	v1 =	vadd.f32 v1, v63  }
0x10c: {  	[tilespmem:s1+$0x1CCC0] =	vst v2;
	v2 =	vmax.f32 v4, $0.0e+00  }
0x10d: {  	[tilespmem:s1+$0x1CCD0] =	vst v2;
	v1 =	vmax.f32 v1, $0.0e+00  }
0x10e: {  	[tilespmem:s1+$0x1CCE0] =	vst v1  }
0x10f: {  	[spmem:s2] =	stream.indirect.scatter.add.f32 [tilespmem:s26], [sflag:$0x6], $0x80, s20, s14, $0xb8;
	[tilespmem:$0x1E080] =	vst v63  }
0x110: {  	s8 =	simm.s32 $0x14078  }
0x111: {  	[tilespmem:s18], [sflag:$0x2] =	stream.indirect.gather [hbm4b:s5+s14], $0x80, s8, s14, $0xb8;
	[tilespmem:$0x1E080] =	vst v63  }
0x112: {  	s9 =	rddreg [dreg:$0x11]  }
0x113: {  	[tilespmem:s19], [sflag:$0x4] =	stream.linear.gather [hbm4b:s9+s3], $0x1400, $0x38;
	[tilespmem:$0x1E080] =	vst v63  }
0x114: {  	s10 =	rddreg [dreg:$0x12];
	s31 =	simm.s32 $0x1  }
0x115: {  	[tilespmem:s20], [sflag:$0x8] =	stream.linear.gather [hbm4b:s10+s3], $0x28, $0x38;
	[tilespmem:$0x1E080] =	vst v63  }
.LBB2_8:
0x116: {  	_ =	swait.ge [sflag:s28], $0x1400  }
0x117: {  	[sflag:s28] =	ssyncset.done $0x0  }
0x118: {  	[sflag:s28] =	ssyncadd.s32 $0xFFFFEC00  }
0x119: {  	_ =	swait.ge [sflag:s11], $0x1400  }
0x11a: {  	[sflag:s11] =	ssyncset.done $0x0  }
0x11b: {  	[sflag:s11] =	ssyncadd.s32 $0xFFFFEC00  }
0x11c: {  	_ =	swait.ge [sflag:s21], $0x1400  }
0x11d: {  	[sflag:s21] =	ssyncset.done $0x0  }
0x11e: {  	[sflag:s21] =	ssyncadd.s32 $0xFFFFEC00  }
0x11f: {  	_ =	swait.ge [sflag:s22], $0x28  }
0x120: {  	[sflag:s22] =	ssyncset.done $0x0  }
0x121: {  	s0 =	simm.s32 $0x0;
	[sflag:s22] =	ssyncadd.s32 $0xFFFFFFD8  }
0x122: {  	v1 =	vld [tilespmem:s0+$0x168F0]  }
0x123: {  	v2 =	vld [tilespmem:s0+$0x190F0]  }
0x124: {  	v3 =	vld [tilespmem:s0+$0x16880]  }
0x125: {  	v4 =	vld [tilespmem:s0+$0x19080]  }
0x126: {  	v5 =	vld [tilespmem:s0+$0x16890]  }
0x127: {  	v6 =	vld [tilespmem:s0+$0x19090]  }
0x128: {  	v7 =	vld [tilespmem:s0+$0x168A0]  }
0x129: {  	v1 =	vadd.f32 v2, v1;
	v2 =	vld [tilespmem:s0+$0x190A0]  }
0x12a: {  	v8 =	vld [tilespmem:s0+$0x168B0]  }
0x12b: {  	v9 =	vld [tilespmem:s0+$0x190B0];
	v3 =	vadd.f32 v4, v3  }
0x12c: {  	v10 =	vld [tilespmem:s0+$0x168C0];
	v1 =	vmax.f32 v1, $0.0e+00  }
0x12d: {  	[tilespmem:s0+$0x1B8F0] =	vst v1;
	v1 =	vmax.f32 v3, $0.0e+00;
	v3 =	vadd.f32 v6, v5;
	v6 =	vld [tilespmem:s0+$0x190C0]  }
0x12e: {  	v4 =	vld [tilespmem:s0+$0x190D0];
	v2 =	vadd.f32 v2, v7  }
0x12f: {  	[tilespmem:s0+$0x1B880] =	vst v1;
	v1 =	vld [tilespmem:s0+$0x168D0];
	v3 =	vmax.f32 v3, $0.0e+00  }
0x130: {  	v5 =	vld [tilespmem:s0+$0x190E0];
	v7 =	vadd.f32 v9, v8;
	[tilespmem:s0+$0x1B890] =	vst v3;
	v3 =	vmax.f32 v2, $0.0e+00  }
0x131: {  	s1 =	simm.s32 $0x80;
	v2 =	vld [tilespmem:s0+$0x168E0];
	[tilespmem:s0+$0x1B8A0] =	vst v3  }
0x132: {  	s9 =	simm.s32 $0x400;
	v7 =	vmax.f32 v7, $0.0e+00;
	v6 =	vadd.f32 v6, v10;
	v3 =	vld [tilespmem:s1+$0x168F0]  }
.LBB2_9:
0x133: {  	p0 =	sne.s32 s9, $0x4E00;
	v8 =	vld [tilespmem:s1+$0x190F0];
	[tilespmem:s0+$0x1B8B0] =	vst v7  }
0x134: {  	v7 =	vld [tilespmem:s1+$0x16880];
	v6 =	vmax.f32 v6, $0.0e+00;
	v1 =	vadd.f32 v4, v1  }
0x135: {  	v4 =	vld [tilespmem:s1+$0x19080];
	[tilespmem:s0+$0x1B8C0] =	vst v6  }
0x136: {  	v6 =	vld [tilespmem:s1+$0x16890];
	v1 =	vmax.f32 v1, $0.0e+00;
	v2 =	vadd.f32 v5, v2  }
0x137: {  	v5 =	vld [tilespmem:s1+$0x19090];
	[tilespmem:s0+$0x1B8D0] =	vst v1  }
0x138: {  	v1 =	vld [tilespmem:s1+$0x168A0];
	v3 =	vadd.f32 v8, v3;
	v2 =	vmax.f32 v2, $0.0e+00  }
0x139: {  	v8 =	vld [tilespmem:s1+$0x190A0];
	[tilespmem:s0+$0x1B8E0] =	vst v2;
	s0 =	smov.u32 s1  }
0x13a: {  	v2 =	vadd.f32 v4, v7;
	v7 =	vld [tilespmem:s0+$0x168B0];
	v3 =	vmax.f32 v3, $0.0e+00  }
0x13b: {  	v9 =	vld [tilespmem:s0+$0x190B0];
	[tilespmem:s0+$0x1B8F0] =	vst v3  }
0x13c: {  	v2 =	vmax.f32 v2, $0.0e+00;
	v3 =	vadd.f32 v5, v6;
	v6 =	vld [tilespmem:s0+$0x168C0]  }
0x13d: {  	[tilespmem:s0+$0x1B880] =	vst v2;
	v10 =	vld [tilespmem:s0+$0x190C0]  }
.Ltmp3:
0x13e: {  	v2 =	vmax.f32 v3, $0.0e+00;
	v3 =	vadd.f32 v8, v1;
	v1 =	vld [tilespmem:s0+$0x168D0];
	(pc) =	sbr.rel @p0 .LBB2_9-.Ltmp3, $4  }
0x13f: {  	[tilespmem:s0+$0x1B890] =	vst v2;
	v4 =	vld [tilespmem:s0+$0x190D0]  }
0x140: {  	v3 =	vmax.f32 v3, $0.0e+00;
	v7 =	vadd.f32 v9, v7;
	v2 =	vld [tilespmem:s0+$0x168E0]  }
0x141: {  	s1 =	sshra.s32 s9, $0x2;
	[tilespmem:s0+$0x1B8A0] =	vst v3;
	v5 =	vld [tilespmem:s0+$0x190E0]  }
0x142: {  	s9 =	sadd.s32 $0x200, s9;
	v3 =	vld [tilespmem:s1+$0x168F0];
	v7 =	vmax.f32 v7, $0.0e+00;
	v6 =	vadd.f32 v10, v6  }
0x143: {  	v8 =	vld [tilespmem:s1+$0x190F0];
	[tilespmem:s0+$0x1B8B0] =	vst v7  }
0x144: {  	v7 =	vld [tilespmem:s1+$0x16880];
	v6 =	vmax.f32 v6, $0.0e+00;
	v1 =	vadd.f32 v4, v1  }
0x145: {  	v9 =	vld [tilespmem:s1+$0x19080];
	[tilespmem:s0+$0x1B8C0] =	vst v6  }
0x146: {  	v4 =	vld [tilespmem:s1+$0x16890];
	v1 =	vmax.f32 v1, $0.0e+00;
	v2 =	vadd.f32 v5, v2  }
0x147: {  	v6 =	vld [tilespmem:s1+$0x19090];
	[tilespmem:s0+$0x1B8D0] =	vst v1  }
0x148: {  	v1 =	vld [tilespmem:s1+$0x168A0];
	v2 =	vmax.f32 v2, $0.0e+00  }
0x149: {  	v5 =	vld [tilespmem:s1+$0x190A0];
	v3 =	vadd.f32 v8, v3;
	[tilespmem:s0+$0x1B8E0] =	vst v2  }
0x14a: {  	v7 =	vadd.f32 v9, v7;
	v2 =	vld [tilespmem:s1+$0x168B0]  }
0x14b: {  	v3 =	vmax.f32 v3, $0.0e+00;
	v8 =	vld [tilespmem:s1+$0x190B0]  }
0x14c: {  	[tilespmem:s1+$0x1B8F0] =	vst v3;
	v3 =	vmax.f32 v7, $0.0e+00;
	v7 =	vld [tilespmem:s1+$0x168C0]  }
0x14d: {  	v4 =	vadd.f32 v6, v4;
	v6 =	vld [tilespmem:s1+$0x168D0]  }
0x14e: {  	[tilespmem:s1+$0x1B880] =	vst v3;
	v3 =	vld [tilespmem:s1+$0x190C0];
	v1 =	vadd.f32 v5, v1  }
0x14f: {  	v4 =	vmax.f32 v4, $0.0e+00;
	v5 =	vld [tilespmem:s1+$0x168E0]  }
0x150: {  	[tilespmem:s1+$0x1B890] =	vst v4;
	v4 =	vld [tilespmem:s1+$0x190D0];
	v1 =	vmax.f32 v1, $0.0e+00  }
0x151: {  	[tilespmem:s1+$0x1B8A0] =	vst v1;
	v1 =	vld [tilespmem:s1+$0x190E0];
	_ =	sdelay $0x1  }
0x152: {  	v2 =	vadd.f32 v8, v2  }
0x153: {  	v3 =	vadd.f32 v3, v7  }
0x154: {  	v2 =	vmax.f32 v2, $0.0e+00;
	v4 =	vadd.f32 v4, v6  }
0x155: {  	[tilespmem:s1+$0x1B8B0] =	vst v2;
	v2 =	vmax.f32 v3, $0.0e+00;
	v1 =	vadd.f32 v1, v5  }
0x156: {  	[tilespmem:s1+$0x1B8C0] =	vst v2;
	v2 =	vmax.f32 v4, $0.0e+00  }
0x157: {  	[tilespmem:s1+$0x1B8D0] =	vst v2;
	v1 =	vmax.f32 v1, $0.0e+00  }
0x158: {  	[tilespmem:s1+$0x1B8E0] =	vst v1;
	s1 =	smul.u32 $0x50, s31  }
0x159: {  	[spmem:s2] =	stream.indirect.scatter.add.f32 [tilespmem:s13], [sflag:$0x5], $0x80, s17, s14, $0xb8;
	[tilespmem:$0x1E080] =	vst v63  }
0x15a: {  	s0 =	sadd.s32 s4, s1  }
0x15b: {  	s9 =	sadd.s32 $0x14050, s1;
	s8 =	sadd.s32 $0x50, s0  }
0x15c: {  	[tilespmem:s15], [sflag:$0x1] =	stream.indirect.gather [hbm4b:s5+s14], $0x80, s9, s14, $0xb8;
	[tilespmem:$0x1E080] =	vst v63  }
0x15d: {  	s10 =	sshll.u32 s8, $0x4  }
0x15e: {  	s8 =	sshrl.u32 s8, $0x3;
	s9 =	sadd.s32 s6, s10;
	s10 =	simm.s32 $0x0  }
0x15f: {  	[tilespmem:s16], [sflag:$0x3] =	stream.linear.gather [hbm4b:s9+s10], $0x1400, $0x38;
	[tilespmem:$0x1E080] =	vst v63  }
0x160: {  	s8 =	sadd.s32 s7, s8  }
0x161: {  	[tilespmem:s17], [sflag:$0x7] =	stream.linear.gather [hbm4b:s8+s10], $0x28, $0x38;
	[tilespmem:$0x1E080] =	vst v63  }
0x162: {  	_ =	swait.ge [sflag:s29], $0x1400  }
0x163: {  	[sflag:s29] =	ssyncset.done $0x0  }
0x164: {  	[sflag:s29] =	ssyncadd.s32 $0xFFFFEC00  }
0x165: {  	_ =	swait.ge [sflag:s23], $0x1400  }
0x166: {  	[sflag:s23] =	ssyncset.done $0x0  }
0x167: {  	[sflag:s23] =	ssyncadd.s32 $0xFFFFEC00  }
0x168: {  	_ =	swait.ge [sflag:s24], $0x1400  }
0x169: {  	[sflag:s24] =	ssyncset.done $0x0  }
0x16a: {  	[sflag:s24] =	ssyncadd.s32 $0xFFFFEC00  }
0x16b: {  	_ =	swait.ge [sflag:s25], $0x28  }
0x16c: {  	[sflag:s25] =	ssyncset.done $0x0  }
0x16d: {  	s9 =	simm.s32 $0x0;
	[sflag:s25] =	ssyncadd.s32 $0xFFFFFFD8  }
0x16e: {  	v1 =	vld [tilespmem:s9+$0x17CF0]  }
0x16f: {  	v2 =	vld [tilespmem:s9+$0x1A4F0]  }
0x170: {  	v3 =	vld [tilespmem:s9+$0x17C80]  }
0x171: {  	v4 =	vld [tilespmem:s9+$0x1A480]  }
0x172: {  	v5 =	vld [tilespmem:s9+$0x17C90]  }
0x173: {  	v6 =	vld [tilespmem:s9+$0x1A490]  }
0x174: {  	v7 =	vld [tilespmem:s9+$0x17CA0]  }
0x175: {  	v1 =	vadd.f32 v2, v1;
	v2 =	vld [tilespmem:s9+$0x1A4A0]  }
0x176: {  	v8 =	vld [tilespmem:s9+$0x17CB0]  }
0x177: {  	v63 =	vld [tilespmem:s9+$0x1A4B0];
	v3 =	vadd.f32 v4, v3  }
0x178: {  	v10 =	vld [tilespmem:s9+$0x17CC0];
	v1 =	vmax.f32 v1, $0.0e+00  }
0x179: {  	[tilespmem:s9+$0x1CCF0] =	vst v1;
	v1 =	vmax.f32 v3, $0.0e+00;
	v3 =	vadd.f32 v6, v5;
	v6 =	vld [tilespmem:s9+$0x1A4C0]  }
0x17a: {  	v4 =	vld [tilespmem:s9+$0x1A4D0];
	v2 =	vadd.f32 v2, v7  }
0x17b: {  	[tilespmem:s9+$0x1CC80] =	vst v1;
	v1 =	vld [tilespmem:s9+$0x17CD0];
	v3 =	vmax.f32 v3, $0.0e+00  }
0x17c: {  	v5 =	vld [tilespmem:s9+$0x1A4E0];
	v7 =	vadd.f32 v63, v8;
	[tilespmem:s9+$0x1CC90] =	vst v3;
	v3 =	vmax.f32 v2, $0.0e+00  }
0x17d: {  	s10 =	simm.s32 $0x80;
	v2 =	vld [tilespmem:s9+$0x17CE0];
	[tilespmem:s9+$0x1CCA0] =	vst v3  }
0x17e: {  	s8 =	simm.s32 $0x400;
	v7 =	vmax.f32 v7, $0.0e+00;
	v6 =	vadd.f32 v6, v10;
	v3 =	vld [tilespmem:s10+$0x17CF0]  }
.LBB2_11:
0x17f: {  	p0 =	sne.s32 s8, $0x4E00;
	v8 =	vld [tilespmem:s10+$0x1A4F0];
	[tilespmem:s9+$0x1CCB0] =	vst v7  }
0x180: {  	v7 =	vld [tilespmem:s10+$0x17C80];
	v6 =	vmax.f32 v6, $0.0e+00;
	v1 =	vadd.f32 v4, v1  }
0x181: {  	v4 =	vld [tilespmem:s10+$0x1A480];
	[tilespmem:s9+$0x1CCC0] =	vst v6  }
0x182: {  	v6 =	vld [tilespmem:s10+$0x17C90];
	v1 =	vmax.f32 v1, $0.0e+00;
	v2 =	vadd.f32 v5, v2  }
0x183: {  	v5 =	vld [tilespmem:s10+$0x1A490];
	[tilespmem:s9+$0x1CCD0] =	vst v1  }
0x184: {  	v1 =	vld [tilespmem:s10+$0x17CA0];
	v3 =	vadd.f32 v8, v3;
	v2 =	vmax.f32 v2, $0.0e+00  }
0x185: {  	v8 =	vld [tilespmem:s10+$0x1A4A0];
	[tilespmem:s9+$0x1CCE0] =	vst v2;
	s9 =	smov.u32 s10  }
0x186: {  	v2 =	vadd.f32 v4, v7;
	v7 =	vld [tilespmem:s9+$0x17CB0];
	v3 =	vmax.f32 v3, $0.0e+00  }
0x187: {  	v9 =	vld [tilespmem:s9+$0x1A4B0];
	[tilespmem:s9+$0x1CCF0] =	vst v3  }
0x188: {  	v2 =	vmax.f32 v2, $0.0e+00;
	v3 =	vadd.f32 v5, v6;
	v6 =	vld [tilespmem:s9+$0x17CC0]  }
0x189: {  	[tilespmem:s9+$0x1CC80] =	vst v2;
	v10 =	vld [tilespmem:s9+$0x1A4C0]  }
.Ltmp4:
0x18a: {  	v2 =	vmax.f32 v3, $0.0e+00;
	v3 =	vadd.f32 v8, v1;
	v1 =	vld [tilespmem:s9+$0x17CD0];
	(pc) =	sbr.rel @p0 .LBB2_11-.Ltmp4, $4  }
0x18b: {  	[tilespmem:s9+$0x1CC90] =	vst v2;
	v4 =	vld [tilespmem:s9+$0x1A4D0]  }
0x18c: {  	v3 =	vmax.f32 v3, $0.0e+00;
	v7 =	vadd.f32 v9, v7;
	v2 =	vld [tilespmem:s9+$0x17CE0]  }
0x18d: {  	s10 =	sshra.s32 s8, $0x2;
	[tilespmem:s9+$0x1CCA0] =	vst v3;
	v5 =	vld [tilespmem:s9+$0x1A4E0]  }
0x18e: {  	s8 =	sadd.s32 $0x200, s8;
	v3 =	vld [tilespmem:s10+$0x17CF0];
	v7 =	vmax.f32 v7, $0.0e+00;
	v6 =	vadd.f32 v10, v6  }
0x18f: {  	v8 =	vld [tilespmem:s10+$0x1A4F0];
	[tilespmem:s9+$0x1CCB0] =	vst v7  }
0x190: {  	v7 =	vld [tilespmem:s10+$0x17C80];
	v6 =	vmax.f32 v6, $0.0e+00;
	v1 =	vadd.f32 v4, v1  }
0x191: {  	v9 =	vld [tilespmem:s10+$0x1A480];
	[tilespmem:s9+$0x1CCC0] =	vst v6  }
0x192: {  	v57 =	vld [tilespmem:s10+$0x17C90];
	v1 =	vmax.f32 v1, $0.0e+00;
	v2 =	vadd.f32 v5, v2  }
0x193: {  	v6 =	vld [tilespmem:s10+$0x1A490];
	[tilespmem:s9+$0x1CCD0] =	vst v1  }
0x194: {  	v1 =	vld [tilespmem:s10+$0x17CA0];
	v2 =	vmax.f32 v2, $0.0e+00  }
0x195: {  	v58 =	vld [tilespmem:s10+$0x1A4A0];
	[tilespmem:s9+$0x1CCE0] =	vst v2  }
0x196: {  	v2 =	vld [tilespmem:s10+$0x17CB0]  }
0x197: {  	v3 =	vadd.f32 v8, v3;
	v59 =	vld [tilespmem:s10+$0x1A4B0]  }
0x198: {  	v7 =	vadd.f32 v9, v7;
	v60 =	vld [tilespmem:s10+$0x17CC0]  }
0x199: {  	v3 =	vmax.f32 v3, $0.0e+00;
	v61 =	vld [tilespmem:s10+$0x17CD0]  }
0x19a: {  	v62 =	vld [tilespmem:s10+$0x1A4D0];
	[tilespmem:s10+$0x1CCF0] =	vst v3;
	v3 =	vmax.f32 v7, $0.0e+00;
	v1 =	vadd.f32 v58, v1  }
0x19b: {  	[tilespmem:s10+$0x1CC80] =	vst v3;
	v3 =	vld [tilespmem:s10+$0x1A4C0]  }
0x19c: {  	v63 =	vld [tilespmem:s10+$0x17CE0];
	v1 =	vmax.f32 v1, $0.0e+00  }
0x19d: {  	[tilespmem:s10+$0x1CCA0] =	vst v1;
	v1 =	vld [tilespmem:s10+$0x1A4E0]  }
0x19e: {  	v4 =	vadd.f32 v6, v57  }
0x19f: {  	v2 =	vadd.f32 v59, v2  }
0x1a0: {  	v4 =	vmax.f32 v4, $0.0e+00;
	v3 =	vadd.f32 v3, v60  }
0x1a1: {  	[tilespmem:s10+$0x1CC90] =	vst v4;
	v4 =	vadd.f32 v62, v61;
	v2 =	vmax.f32 v2, $0.0e+00  }
0x1a2: {  	[tilespmem:s10+$0x1CCB0] =	vst v2;
	v2 =	vmax.f32 v3, $0.0e+00;
	v1 =	vadd.f32 v1, v63  }
0x1a3: {  	[tilespmem:s10+$0x1CCC0] =	vst v2;
	v2 =	vmax.f32 v4, $0.0e+00  }
0x1a4: {  	[tilespmem:s10+$0x1CCD0] =	vst v2;
	v1 =	vmax.f32 v1, $0.0e+00  }
0x1a5: {  	s31 =	sadd.s32 $0x1, s31;
	[tilespmem:s10+$0x1CCE0] =	vst v1  }
0x1a6: {  	[spmem:s2] =	stream.indirect.scatter.add.f32 [tilespmem:s26], [sflag:$0x6], $0x80, s20, s14, $0xb8;
	[tilespmem:$0x1E080] =	vst v63  }
0x1a7: {  	s0 =	sadd.s32 $0x78, s0;
	s1 =	sadd.s32 $0x14078, s1;
	p0 =	sne.s32 s31, $0x7C  }
0x1a8: {  	[tilespmem:s18], [sflag:$0x2] =	stream.indirect.gather [hbm4b:s5+s14], $0x80, s1, s14, $0xb8;
	[tilespmem:$0x1E080] =	vst v63  }
.Ltmp5:
0x1a9: {  	s10 =	sshll.u32 s0, $0x4;
	(pc) =	sbr.rel @p0 .LBB2_8-.Ltmp5, $4  }
0x1aa: {  	s0 =	sshrl.u32 s0, $0x3;
	s1 =	sadd.s32 s6, s10  }
0x1ab: {  	[tilespmem:s19], [sflag:$0x4] =	stream.linear.gather [hbm4b:s1+s3], $0x1400, $0x38;
	[tilespmem:$0x1E080] =	vst v63  }
0x1ac: {  	s0 =	sadd.s32 s7, s0  }
0x1ad: {  	[tilespmem:s20], [sflag:$0x8] =	stream.linear.gather [hbm4b:s0+s3], $0x28, $0x38;
	[tilespmem:$0x1E080] =	vst v63  }
0x1ae: {  	_ =	swait.ge [sflag:s28], $0x1400  }
0x1af: {  	[sflag:s28] =	ssyncset.done $0x0  }
0x1b0: {  	[sflag:s28] =	ssyncadd.s32 $0xFFFFEC00  }
0x1b1: {  	_ =	swait.ge [sflag:s11], $0x1400  }
0x1b2: {  	[sflag:s11] =	ssyncset.done $0x0  }
0x1b3: {  	[sflag:s11] =	ssyncadd.s32 $0xFFFFEC00  }
0x1b4: {  	_ =	swait.ge [sflag:s21], $0x1400  }
0x1b5: {  	[sflag:s21] =	ssyncset.done $0x0  }
0x1b6: {  	[sflag:s21] =	ssyncadd.s32 $0xFFFFEC00  }
0x1b7: {  	_ =	swait.ge [sflag:s22], $0x28  }
0x1b8: {  	[sflag:s22] =	ssyncset.done $0x0  }
0x1b9: {  	s0 =	simm.s32 $0x0;
	[sflag:s22] =	ssyncadd.s32 $0xFFFFFFD8  }
0x1ba: {  	v1 =	vld [tilespmem:s0+$0x168F0]  }
0x1bb: {  	v2 =	vld [tilespmem:s0+$0x190F0]  }
0x1bc: {  	v3 =	vld [tilespmem:s0+$0x16880]  }
0x1bd: {  	v4 =	vld [tilespmem:s0+$0x19080]  }
0x1be: {  	v5 =	vld [tilespmem:s0+$0x16890]  }
0x1bf: {  	v6 =	vld [tilespmem:s0+$0x19090]  }
0x1c0: {  	v7 =	vld [tilespmem:s0+$0x168A0]  }
0x1c1: {  	v1 =	vadd.f32 v2, v1;
	v2 =	vld [tilespmem:s0+$0x190A0]  }
0x1c2: {  	v8 =	vld [tilespmem:s0+$0x168B0]  }
0x1c3: {  	v9 =	vld [tilespmem:s0+$0x190B0];
	v3 =	vadd.f32 v4, v3  }
0x1c4: {  	v10 =	vld [tilespmem:s0+$0x168C0];
	v1 =	vmax.f32 v1, $0.0e+00  }
0x1c5: {  	[tilespmem:s0+$0x1B8F0] =	vst v1;
	v1 =	vmax.f32 v3, $0.0e+00;
	v3 =	vadd.f32 v6, v5;
	v6 =	vld [tilespmem:s0+$0x190C0]  }
0x1c6: {  	v4 =	vld [tilespmem:s0+$0x190D0];
	v2 =	vadd.f32 v2, v7  }
0x1c7: {  	[tilespmem:s0+$0x1B880] =	vst v1;
	v1 =	vld [tilespmem:s0+$0x168D0];
	v3 =	vmax.f32 v3, $0.0e+00  }
0x1c8: {  	v5 =	vld [tilespmem:s0+$0x190E0];
	v7 =	vadd.f32 v9, v8;
	[tilespmem:s0+$0x1B890] =	vst v3;
	v3 =	vmax.f32 v2, $0.0e+00  }
0x1c9: {  	s1 =	simm.s32 $0x80;
	v2 =	vld [tilespmem:s0+$0x168E0];
	[tilespmem:s0+$0x1B8A0] =	vst v3  }
0x1ca: {  	s8 =	simm.s32 $0x400;
	s31 =	rddreg [dreg:$0x3];
	v7 =	vmax.f32 v7, $0.0e+00;
	v6 =	vadd.f32 v6, v10;
	v3 =	vld [tilespmem:s1+$0x168F0]  }
.LBB2_14:
0x1cb: {  	p0 =	sne.s32 s8, $0x4E00;
	v8 =	vld [tilespmem:s1+$0x190F0];
	[tilespmem:s0+$0x1B8B0] =	vst v7  }
0x1cc: {  	v7 =	vld [tilespmem:s1+$0x16880];
	v6 =	vmax.f32 v6, $0.0e+00;
	v1 =	vadd.f32 v4, v1  }
0x1cd: {  	v4 =	vld [tilespmem:s1+$0x19080];
	[tilespmem:s0+$0x1B8C0] =	vst v6  }
0x1ce: {  	v6 =	vld [tilespmem:s1+$0x16890];
	v1 =	vmax.f32 v1, $0.0e+00;
	v2 =	vadd.f32 v5, v2  }
0x1cf: {  	v5 =	vld [tilespmem:s1+$0x19090];
	[tilespmem:s0+$0x1B8D0] =	vst v1  }
0x1d0: {  	v1 =	vld [tilespmem:s1+$0x168A0];
	v3 =	vadd.f32 v8, v3;
	v2 =	vmax.f32 v2, $0.0e+00  }
0x1d1: {  	v8 =	vld [tilespmem:s1+$0x190A0];
	[tilespmem:s0+$0x1B8E0] =	vst v2;
	s0 =	smov.u32 s1  }
0x1d2: {  	v2 =	vadd.f32 v4, v7;
	v7 =	vld [tilespmem:s0+$0x168B0];
	v3 =	vmax.f32 v3, $0.0e+00  }
0x1d3: {  	v9 =	vld [tilespmem:s0+$0x190B0];
	[tilespmem:s0+$0x1B8F0] =	vst v3  }
0x1d4: {  	v2 =	vmax.f32 v2, $0.0e+00;
	v3 =	vadd.f32 v5, v6;
	v6 =	vld [tilespmem:s0+$0x168C0]  }
0x1d5: {  	[tilespmem:s0+$0x1B880] =	vst v2;
	v10 =	vld [tilespmem:s0+$0x190C0]  }
.Ltmp6:
0x1d6: {  	v2 =	vmax.f32 v3, $0.0e+00;
	v3 =	vadd.f32 v8, v1;
	v1 =	vld [tilespmem:s0+$0x168D0];
	(pc) =	sbr.rel @p0 .LBB2_14-.Ltmp6, $4  }
0x1d7: {  	[tilespmem:s0+$0x1B890] =	vst v2;
	v4 =	vld [tilespmem:s0+$0x190D0]  }
0x1d8: {  	v3 =	vmax.f32 v3, $0.0e+00;
	v7 =	vadd.f32 v9, v7;
	v2 =	vld [tilespmem:s0+$0x168E0]  }
0x1d9: {  	s1 =	sshra.s32 s8, $0x2;
	[tilespmem:s0+$0x1B8A0] =	vst v3;
	v5 =	vld [tilespmem:s0+$0x190E0]  }
0x1da: {  	s8 =	sadd.s32 $0x200, s8;
	v3 =	vld [tilespmem:s1+$0x168F0];
	v7 =	vmax.f32 v7, $0.0e+00;
	v6 =	vadd.f32 v10, v6  }
0x1db: {  	v8 =	vld [tilespmem:s1+$0x190F0];
	[tilespmem:s0+$0x1B8B0] =	vst v7  }
0x1dc: {  	v7 =	vld [tilespmem:s1+$0x16880];
	v6 =	vmax.f32 v6, $0.0e+00;
	v1 =	vadd.f32 v4, v1  }
0x1dd: {  	v9 =	vld [tilespmem:s1+$0x19080];
	[tilespmem:s0+$0x1B8C0] =	vst v6  }
0x1de: {  	v4 =	vld [tilespmem:s1+$0x16890];
	v1 =	vmax.f32 v1, $0.0e+00;
	v2 =	vadd.f32 v5, v2  }
0x1df: {  	v6 =	vld [tilespmem:s1+$0x19090];
	[tilespmem:s0+$0x1B8D0] =	vst v1  }
0x1e0: {  	v1 =	vld [tilespmem:s1+$0x168A0];
	v2 =	vmax.f32 v2, $0.0e+00  }
0x1e1: {  	v5 =	vld [tilespmem:s1+$0x190A0];
	v3 =	vadd.f32 v8, v3;
	[tilespmem:s0+$0x1B8E0] =	vst v2  }
0x1e2: {  	v7 =	vadd.f32 v9, v7;
	v2 =	vld [tilespmem:s1+$0x168B0]  }
0x1e3: {  	v3 =	vmax.f32 v3, $0.0e+00;
	v8 =	vld [tilespmem:s1+$0x190B0]  }
0x1e4: {  	[tilespmem:s1+$0x1B8F0] =	vst v3;
	v3 =	vmax.f32 v7, $0.0e+00;
	v7 =	vld [tilespmem:s1+$0x168C0]  }
0x1e5: {  	v4 =	vadd.f32 v6, v4;
	v6 =	vld [tilespmem:s1+$0x168D0]  }
0x1e6: {  	[tilespmem:s1+$0x1B880] =	vst v3;
	v3 =	vld [tilespmem:s1+$0x190C0];
	v1 =	vadd.f32 v5, v1  }
0x1e7: {  	v4 =	vmax.f32 v4, $0.0e+00;
	v5 =	vld [tilespmem:s1+$0x168E0]  }
0x1e8: {  	[tilespmem:s1+$0x1B890] =	vst v4;
	v4 =	vld [tilespmem:s1+$0x190D0];
	v1 =	vmax.f32 v1, $0.0e+00  }
0x1e9: {  	[tilespmem:s1+$0x1B8A0] =	vst v1;
	v1 =	vld [tilespmem:s1+$0x190E0];
	_ =	sdelay $0x1  }
0x1ea: {  	v2 =	vadd.f32 v8, v2  }
0x1eb: {  	v3 =	vadd.f32 v3, v7  }
0x1ec: {  	v2 =	vmax.f32 v2, $0.0e+00;
	v4 =	vadd.f32 v4, v6  }
0x1ed: {  	[tilespmem:s1+$0x1B8B0] =	vst v2;
	v2 =	vmax.f32 v3, $0.0e+00;
	v1 =	vadd.f32 v1, v5  }
0x1ee: {  	[tilespmem:s1+$0x1B8C0] =	vst v2;
	v2 =	vmax.f32 v4, $0.0e+00  }
0x1ef: {  	[tilespmem:s1+$0x1B8D0] =	vst v2;
	v1 =	vmax.f32 v1, $0.0e+00  }
0x1f0: {  	[tilespmem:s1+$0x1B8E0] =	vst v1  }
0x1f1: {  	[spmem:s2] =	stream.indirect.scatter.add.f32 [tilespmem:s13], [sflag:$0x5], $0x80, s17, s14, $0xb8;
	[tilespmem:$0x1E080] =	vst v63  }
0x1f2: {  	_ =	swait.ge [sflag:s29], $0x1400  }
0x1f3: {  	[sflag:s29] =	ssyncset.done $0x0  }
0x1f4: {  	[sflag:s29] =	ssyncadd.s32 $0xFFFFEC00  }
0x1f5: {  	_ =	swait.ge [sflag:s23], $0x1400  }
0x1f6: {  	[sflag:s23] =	ssyncset.done $0x0  }
0x1f7: {  	[sflag:s23] =	ssyncadd.s32 $0xFFFFEC00  }
0x1f8: {  	_ =	swait.ge [sflag:s24], $0x1400  }
0x1f9: {  	[sflag:s24] =	ssyncset.done $0x0  }
0x1fa: {  	[sflag:s24] =	ssyncadd.s32 $0xFFFFEC00  }
0x1fb: {  	_ =	swait.ge [sflag:s25], $0x28  }
0x1fc: {  	[sflag:s25] =	ssyncset.done $0x0  }
0x1fd: {  	s0 =	simm.s32 $0x0;
	[sflag:s25] =	ssyncadd.s32 $0xFFFFFFD8  }
0x1fe: {  	v1 =	vld [tilespmem:s0+$0x17CF0]  }
0x1ff: {  	v2 =	vld [tilespmem:s0+$0x1A4F0]  }
0x200: {  	v3 =	vld [tilespmem:s0+$0x17C80]  }
0x201: {  	v4 =	vld [tilespmem:s0+$0x1A480]  }
0x202: {  	v5 =	vld [tilespmem:s0+$0x17C90]  }
0x203: {  	v6 =	vld [tilespmem:s0+$0x1A490]  }
0x204: {  	v7 =	vld [tilespmem:s0+$0x17CA0]  }
0x205: {  	v1 =	vadd.f32 v2, v1;
	v2 =	vld [tilespmem:s0+$0x1A4A0]  }
0x206: {  	v8 =	vld [tilespmem:s0+$0x17CB0]  }
0x207: {  	v63 =	vld [tilespmem:s0+$0x1A4B0];
	v3 =	vadd.f32 v4, v3  }
0x208: {  	v10 =	vld [tilespmem:s0+$0x17CC0];
	v1 =	vmax.f32 v1, $0.0e+00  }
0x209: {  	[tilespmem:s0+$0x1CCF0] =	vst v1;
	v1 =	vmax.f32 v3, $0.0e+00;
	v3 =	vadd.f32 v6, v5;
	v6 =	vld [tilespmem:s0+$0x1A4C0]  }
0x20a: {  	v4 =	vld [tilespmem:s0+$0x1A4D0];
	v2 =	vadd.f32 v2, v7  }
0x20b: {  	[tilespmem:s0+$0x1CC80] =	vst v1;
	v1 =	vld [tilespmem:s0+$0x17CD0];
	v3 =	vmax.f32 v3, $0.0e+00  }
0x20c: {  	v5 =	vld [tilespmem:s0+$0x1A4E0];
	v7 =	vadd.f32 v63, v8;
	[tilespmem:s0+$0x1CC90] =	vst v3;
	v3 =	vmax.f32 v2, $0.0e+00  }
0x20d: {  	s1 =	simm.s32 $0x80;
	v2 =	vld [tilespmem:s0+$0x17CE0];
	[tilespmem:s0+$0x1CCA0] =	vst v3  }
0x20e: {  	s8 =	simm.s32 $0x400;
	v7 =	vmax.f32 v7, $0.0e+00;
	v6 =	vadd.f32 v6, v10;
	v3 =	vld [tilespmem:s1+$0x17CF0]  }
.LBB2_16:
0x20f: {  	p0 =	sne.s32 s8, $0x4E00;
	v8 =	vld [tilespmem:s1+$0x1A4F0];
	[tilespmem:s0+$0x1CCB0] =	vst v7  }
0x210: {  	v7 =	vld [tilespmem:s1+$0x17C80];
	v6 =	vmax.f32 v6, $0.0e+00;
	v1 =	vadd.f32 v4, v1  }
0x211: {  	v4 =	vld [tilespmem:s1+$0x1A480];
	[tilespmem:s0+$0x1CCC0] =	vst v6  }
0x212: {  	v6 =	vld [tilespmem:s1+$0x17C90];
	v1 =	vmax.f32 v1, $0.0e+00;
	v2 =	vadd.f32 v5, v2  }
0x213: {  	v5 =	vld [tilespmem:s1+$0x1A490];
	[tilespmem:s0+$0x1CCD0] =	vst v1  }
0x214: {  	v1 =	vld [tilespmem:s1+$0x17CA0];
	v3 =	vadd.f32 v8, v3;
	v2 =	vmax.f32 v2, $0.0e+00  }
0x215: {  	v8 =	vld [tilespmem:s1+$0x1A4A0];
	[tilespmem:s0+$0x1CCE0] =	vst v2;
	s0 =	smov.u32 s1  }
0x216: {  	v2 =	vadd.f32 v4, v7;
	v7 =	vld [tilespmem:s0+$0x17CB0];
	v3 =	vmax.f32 v3, $0.0e+00  }
0x217: {  	v9 =	vld [tilespmem:s0+$0x1A4B0];
	[tilespmem:s0+$0x1CCF0] =	vst v3  }
0x218: {  	v2 =	vmax.f32 v2, $0.0e+00;
	v3 =	vadd.f32 v5, v6;
	v6 =	vld [tilespmem:s0+$0x17CC0]  }
0x219: {  	[tilespmem:s0+$0x1CC80] =	vst v2;
	v10 =	vld [tilespmem:s0+$0x1A4C0]  }
.Ltmp7:
0x21a: {  	v2 =	vmax.f32 v3, $0.0e+00;
	v3 =	vadd.f32 v8, v1;
	v1 =	vld [tilespmem:s0+$0x17CD0];
	(pc) =	sbr.rel @p0 .LBB2_16-.Ltmp7, $4  }
0x21b: {  	[tilespmem:s0+$0x1CC90] =	vst v2;
	v4 =	vld [tilespmem:s0+$0x1A4D0]  }
0x21c: {  	v3 =	vmax.f32 v3, $0.0e+00;
	v7 =	vadd.f32 v9, v7;
	v2 =	vld [tilespmem:s0+$0x17CE0]  }
0x21d: {  	s1 =	sshra.s32 s8, $0x2;
	[tilespmem:s0+$0x1CCA0] =	vst v3;
	v5 =	vld [tilespmem:s0+$0x1A4E0]  }
0x21e: {  	s8 =	sadd.s32 $0x200, s8;
	v3 =	vld [tilespmem:s1+$0x17CF0];
	v7 =	vmax.f32 v7, $0.0e+00;
	v6 =	vadd.f32 v10, v6  }
0x21f: {  	v8 =	vld [tilespmem:s1+$0x1A4F0];
	[tilespmem:s0+$0x1CCB0] =	vst v7  }
0x220: {  	v7 =	vld [tilespmem:s1+$0x17C80];
	v6 =	vmax.f32 v6, $0.0e+00;
	v1 =	vadd.f32 v4, v1  }
0x221: {  	v9 =	vld [tilespmem:s1+$0x1A480];
	[tilespmem:s0+$0x1CCC0] =	vst v6  }
0x222: {  	v57 =	vld [tilespmem:s1+$0x17C90];
	v1 =	vmax.f32 v1, $0.0e+00;
	v2 =	vadd.f32 v5, v2  }
0x223: {  	v6 =	vld [tilespmem:s1+$0x1A490];
	[tilespmem:s0+$0x1CCD0] =	vst v1  }
0x224: {  	v1 =	vld [tilespmem:s1+$0x17CA0];
	v2 =	vmax.f32 v2, $0.0e+00  }
0x225: {  	v58 =	vld [tilespmem:s1+$0x1A4A0];
	[tilespmem:s0+$0x1CCE0] =	vst v2  }
0x226: {  	v2 =	vld [tilespmem:s1+$0x17CB0]  }
0x227: {  	v3 =	vadd.f32 v8, v3;
	v59 =	vld [tilespmem:s1+$0x1A4B0]  }
0x228: {  	v7 =	vadd.f32 v9, v7;
	v60 =	vld [tilespmem:s1+$0x17CC0]  }
0x229: {  	v3 =	vmax.f32 v3, $0.0e+00;
	v61 =	vld [tilespmem:s1+$0x17CD0]  }
0x22a: {  	v62 =	vld [tilespmem:s1+$0x1A4D0];
	[tilespmem:s1+$0x1CCF0] =	vst v3;
	v3 =	vmax.f32 v7, $0.0e+00;
	v1 =	vadd.f32 v58, v1  }
0x22b: {  	[tilespmem:s1+$0x1CC80] =	vst v3;
	v3 =	vld [tilespmem:s1+$0x1A4C0]  }
0x22c: {  	v63 =	vld [tilespmem:s1+$0x17CE0];
	v1 =	vmax.f32 v1, $0.0e+00  }
0x22d: {  	[tilespmem:s1+$0x1CCA0] =	vst v1;
	v1 =	vld [tilespmem:s1+$0x1A4E0]  }
0x22e: {  	v4 =	vadd.f32 v6, v57  }
0x22f: {  	v2 =	vadd.f32 v59, v2  }
0x230: {  	v4 =	vmax.f32 v4, $0.0e+00;
	v3 =	vadd.f32 v3, v60  }
0x231: {  	[tilespmem:s1+$0x1CC90] =	vst v4;
	v4 =	vadd.f32 v62, v61;
	v2 =	vmax.f32 v2, $0.0e+00  }
0x232: {  	[tilespmem:s1+$0x1CCB0] =	vst v2;
	v2 =	vmax.f32 v3, $0.0e+00;
	v1 =	vadd.f32 v1, v63  }
0x233: {  	[tilespmem:s1+$0x1CCC0] =	vst v2;
	v2 =	vmax.f32 v4, $0.0e+00  }
0x234: {  	[tilespmem:s1+$0x1CCD0] =	vst v2;
	v1 =	vmax.f32 v1, $0.0e+00  }
0x235: {  	[tilespmem:s1+$0x1CCE0] =	vst v1  }
0x236: {  	[spmem:s2] =	stream.indirect.scatter.add.f32 [tilespmem:s26], [sflag:$0x6], $0x80, s20, s14, $0xb8;
	[tilespmem:$0x1E080] =	vst v63  }
0x237: {  	_ =	swait.ge [sflag:s28], $0x1400  }
0x238: {  	[sflag:s28] =	ssyncset.done $0x0  }
0x239: {  	[sflag:s28] =	ssyncadd.s32 $0xFFFFEC00  }
0x23a: {  	_ =	swait.ge [sflag:s29], $0x1400  }
0x23b: {  	[sflag:s29] =	ssyncset.done $0x0  }
0x23c: {  	s8 =	stileid.u32;
	[sflag:s29] =	ssyncadd.s32 $0xFFFFEC00  }
0x23d: {  	s0 =	sshll.u32 s8, $0x6;
	[bflag:$0x0] =	sbarrier.arrive $0xFFFF  }
0x23e: {  	s9 =	sshrl.u32 s31, $0x3;
	s0 =	sor.u32 $0x1C09, s0;
	s8 =	rddreg [dreg:$0x13]  }
0x23f: {  	[hbm:s8], [sflag:s0] =	dma.local [spmem:s9], $0x2800  }
0x240: {  	_ =	swait.ge [sflag:s12], $0x2800  }
0x241: {  	s30 =	sadd.s32 $0x1, s30;
	s10 =	rddreg [dreg:$0x14]  }
0x242: {  	p0 =	sne.s32 s30, s10  }
.Ltmp8:
0x243: {  	_ = 	snop;
	(pc) =	sbr.rel @p0 .LBB2_1-.Ltmp8, $3  }
0x244: {  	_ =	sdelay $0x1  }
0x245: {  	[sflag:s12] =	ssyncset.done $0x0  }
0x246: {  	s8 =	simm.s32 $0x14000;
	[sflag:s12] =	ssyncadd.s32 $0xFFFFD800  }
0x247: {  	_ =	sfence.sel $0x180000  }
0x248: {  	[bflag:$0x0] =	sbarrier.arrive $0xFFFF  }
0x249: {  	_ =	strace $0x90000047  }
0x24a: {  	s0 =	stileid.u32;
	[bflag:$0x2] =	sbarrier.arrive $0xFFFF  }
0x24b: {  	p0 =	sne.s32 s0, $0x0;
	s0 =	rddreg [dreg:$0x2]  }
0x24c: {  	s0 =	sadd.s32 @!p0 $0x100000, s0  }
0x24d: {  	[sflag:s0] =	ssyncadd.tile.s32 @!p0 $0x1;
	_ =	shalt  }
.Lfunc_end2:
_tile_overlayer_lowered:
.L_overlay_start_2:
0x24e: {  	(tag) =	ssettag $0x2  }
0x24f: {  	s0 =	rddreg [dreg:$0x0];
	s2 =	stileid.u32  }
0x250: {  	s1 =	rddreg [dreg:$0x1];
	p0 =	sne.s32 s2, $0x0  }
0x251: {  	s3 =	rddreg [dreg:$0x2];
	[bflag:$0x3] =	sbarrier.arrive $0xFFFF;
	s2 =	simm.s32 @!p0 $0x1C09  }
0x252: {  	[timem:s3], [sflag:s2] =	dma.local @!p0 [hbm:s0], s1  }
0x253: {  	s0 =	simm.s32 @!p0 $0x9  }
0x254: {  	_ =	swait.ge @!p0 [sflag:s0], s1  }
0x255: {  	s1 =	ssub.s32 @!p0 $0x0, s1;
	[sflag:s0] =	ssyncset.done @!p0 $0x0  }
0x256: {  	[sflag:s0] =	ssyncadd.s32 @!p0 s1  }
0x257: {  	[bflag:$0x3] =	sbarrier.arrive $0xFFFF  }
0x258: {  	_ =	shalt  }

</sc_bundles>
